<compile_context>
chip_gen: v7x
topology: tpu7x:2x2x1
jax: 0.10.2.dev20260603
libtpu: 0.0.44.dev20260713+nightly
codegen_flags: <defaults>
</compile_context>

<pallas_src>
import functools

import jax
import jax.numpy as jnp
from jax import lax
from jax.experimental import pallas as pl
from jax.experimental.pallas import tpu as pltpu
from jax.experimental.pallas import tpu_sc as plsc

_D = 1024
_B = 16384
_NC = 2
_NS = 16
_NW = _NC * _NS
_BPW = _B // _NW
_CH = 32
_NCHUNK = _BPW // _CH
_NBUF = 3
_PF = 2
_SCALE = 32.0

_mesh = plsc.VectorSubcoreMesh(core_axis_name="c", subcore_axis_name="s")


@functools.partial(
    pl.kernel,
    out_type=jax.ShapeDtypeStruct((_B, _D), jnp.float32),
    mesh=_mesh,
    scratch_types=[
        pltpu.VMEM((_BPW,), jnp.int32),
        pltpu.VMEM((_NBUF, _CH, _D), jnp.float32),
    ]
    + [pltpu.SemaphoreType.DMA] * (2 * _NBUF),
)
def _embed_sc(table_hbm, idx_hbm, out_hbm, idx_v, rows_v, *sems):
    gsem = sems[:_NBUF]
    osem = sems[_NBUF:]
    wid = lax.axis_index("s") * _NC + lax.axis_index("c")
    base = wid * _BPW
    pltpu.sync_copy(idx_hbm.at[pl.ds(base, _BPW)], idx_v)

    def gather(j, b):
        return pltpu.make_async_copy(
            table_hbm.at[idx_v.at[pl.ds(j * _CH, _CH)]], rows_v.at[b], gsem[b]
        )

    def writeback(j, b):
        return pltpu.make_async_copy(
            rows_v.at[b], out_hbm.at[pl.ds(base + j * _CH, _CH)], osem[b]
        )

    for j in range(_PF):
        gather(j, j % _NBUF).start()

    for j in range(_NCHUNK):
        b = j % _NBUF
        gather(j, b).wait()
        jn = j + _PF
        if jn < _NCHUNK:
            b2 = jn % _NBUF
            if jn - _NBUF >= 0:
                writeback(jn - _NBUF, b2).wait()
            gather(jn, b2).start()

        @plsc.parallel_loop(0, _CH)
        def _row(r, b=b):
            @plsc.parallel_loop(0, _D // 16, unroll=8)
            def _col(c, r=r, b=b):
                sl = pl.ds(c * 16, 16)
                rows_v[b, r, sl] = rows_v[b, r, sl] * _SCALE

        writeback(j, b).start()

    for j in range(_NCHUNK - _NBUF, _NCHUNK):
        writeback(j, j % _NBUF).wait()


@jax.jit
def kernel(x, input_embedding_table):
    idx = x.reshape(_B).astype(jnp.int32)
    out = _embed_sc(input_embedding_table, idx)
    return out.reshape(x.shape + (_D,))

# --- scband reference (transcript-rebuilt; emitter-appended) ---
"""Pipeline reference for scband-embedder-20959440404934 (READ-ONLY COPY).

The authoritative reference and input builder live on the scoring server;
editing this copy changes nothing except your own understanding.
"""

import jax, jax.numpy as jnp
import numpy as np

VOCAB = 100000
EMBED_DIM = 1024
BATCH = 4
SEQ = 4096


def setup_inputs(seed: int = 0) -> dict:
    key = jax.random.key(seed)
    k_idx, k_tab = jax.random.split(key)
    x = jax.random.randint(k_idx, (BATCH, SEQ), 0, VOCAB, dtype=jnp.int64 if jax.config.jax_enable_x64 else jnp.int32)
    # flax nn.initializers.normal() default stddev = 0.01
    input_embedding_table = jax.random.normal(k_tab, (VOCAB, EMBED_DIM), dtype=jnp.float32) * 0.01
    return {"x": x, "input_embedding_table": input_embedding_table}


def reference(x, input_embedding_table):
    # Embedder.encode: gather rows, scale by sqrt(embed_dim)
    out = jnp.take(input_embedding_table, x, axis=0)
    out = out * jnp.sqrt(jnp.asarray(EMBED_DIM, dtype=out.dtype))
    return out

if __name__ == "__main__":
    import jax
    _d = setup_inputs()
    print(jax.jit(kernel)(*tuple(_d.values())))

</pallas_src>

<mosaic_0001>
#map = affine_map<(d0, d1) -> (0, 0)>
#map1 = affine_map<(d0, d1) -> (0)>
module attributes {stable_mosaic.version = 14 : i64} {
  func.func @_embed_sc(%arg0: i32, %arg1: i32, %arg2: memref<100000x1024xf32, #tpu.memory_space<hbm>>, %arg3: memref<16384xi32, #tpu.memory_space<hbm>>, %arg4: memref<16384x1024xf32, #tpu.memory_space<hbm>>, %arg5: memref<512xi32, #tpu.memory_space<vmem>>, %arg6: memref<3x32x1024xf32, #tpu.memory_space<vmem>>, %arg7: memref<!tpu.dma_semaphore, #tpu.memory_space<semaphore_mem>>, %arg8: memref<!tpu.dma_semaphore, #tpu.memory_space<semaphore_mem>>, %arg9: memref<!tpu.dma_semaphore, #tpu.memory_space<semaphore_mem>>, %arg10: memref<!tpu.dma_semaphore, #tpu.memory_space<semaphore_mem>>, %arg11: memref<!tpu.dma_semaphore, #tpu.memory_space<semaphore_mem>>, %arg12: memref<!tpu.dma_semaphore, #tpu.memory_space<semaphore_mem>>) attributes {dimension_semantics = [#tpu.dimension_semantics<core_parallel>, #tpu.dimension_semantics<subcore_parallel>], iteration_bounds = array<i64: 2, 16>, scalar_prefetch = 0 : i64, scratch_operands = 8 : i64, tpu.core_type = #tpu.core_type<sc_vector_subcore>, window_params = [{transform_indices = #map}, {transform_indices = #map1}, {transform_indices = #map}]} {
    %mul3A = arith.constant 2 : i32
    %mul3A_0 = arith.muli %arg1, %mul3A : i32
    %add3A = arith.addi %mul3A_0, %arg0 : i32
    %mul3A_1 = arith.constant 512 : i32
    %mul3A_2 = arith.muli %add3A, %mul3A_1 : i32
    "tpu.region"() ({
      %run_scoped3A = tpu.sem_alloc : memref<!tpu.dma_semaphore, #tpu.memory_space<semaphore_mem>>
      %dma_start3A_848 = tpu.memref_slice %arg3[%mul3A_2] : memref<16384xi32, #tpu.memory_space<hbm>> -> memref<512xi32, #tpu.memory_space<hbm>>
      %dma_start3A_849 = tpu.memref_slice %arg3[%mul3A_2] : memref<16384xi32, #tpu.memory_space<hbm>> -> memref<512xi32, #tpu.memory_space<hbm>>
      tpu.enqueue_dma source(%dma_start3A_849 : memref<512xi32, #tpu.memory_space<hbm>>) target(%arg5 : memref<512xi32, #tpu.memory_space<vmem>>) target_semaphore(%run_scoped3A : memref<!tpu.dma_semaphore, #tpu.memory_space<semaphore_mem>>)
      %dma_wait3A_850 = tpu.memref_slice %arg3[%mul3A_2] : memref<16384xi32, #tpu.memory_space<hbm>> -> memref<512xi32, #tpu.memory_space<hbm>>
      %dma_wait3A_851 = tpu.memref_slice %arg3[%mul3A_2] : memref<16384xi32, #tpu.memory_space<hbm>> -> memref<512xi32, #tpu.memory_space<hbm>>
      tpu.wait_dma2 semaphore(%run_scoped3A : memref<!tpu.dma_semaphore, #tpu.memory_space<semaphore_mem>>) src(%dma_wait3A_851 : memref<512xi32, #tpu.memory_space<hbm>>) dst(%arg5 : memref<512xi32, #tpu.memory_space<vmem>>)
      tpu.yield
    }) : () -> ()
    %dma_start3A = arith.constant 0 : i32
    %dma_start3A_3 = arith.constant 0 : i32
    %dma_start3A_4 = arith.constant 0 : i32
    %dma_start3A_5 = tpu.memref_slice %arg6[%dma_start3A, %dma_start3A_3, %dma_start3A_4] : memref<3x32x1024xf32, #tpu.memory_space<vmem>> -> memref<1x32x1024xf32, #tpu.memory_space<vmem>>
    %dma_start3A_6 = tpu.memref_squeeze %dma_start3A_5 : memref<1x32x1024xf32, #tpu.memory_space<vmem>> -> memref<32x1024xf32, #tpu.memory_space<vmem>>
    %dma_start3A_7 = arith.constant 0 : i32
    %dma_start3A_8 = tpu.memref_slice %arg5[%dma_start3A_7] : memref<512xi32, #tpu.memory_space<vmem>> -> memref<32xi32, #tpu.memory_space<vmem>>
    %dma_start3A_9 = arith.constant 0 : i32
    %dma_start3A_10 = arith.constant 0 : i32
    %dma_start3A_11 = tpu.memref_slice %arg2[%dma_start3A_9, %dma_start3A_10] : memref<100000x1024xf32, #tpu.memory_space<hbm>> -> memref<100000x1024xf32, #tpu.memory_space<hbm>>
    tpu.enqueue_indirect_dma source(%dma_start3A_11 : memref<100000x1024xf32, #tpu.memory_space<hbm>>) target(%dma_start3A_6 : memref<32x1024xf32, #tpu.memory_space<vmem>>) offsets(%dma_start3A_8 : memref<32xi32, #tpu.memory_space<vmem>>) semaphore(%arg7 : memref<!tpu.dma_semaphore, #tpu.memory_space<semaphore_mem>>)
    %dma_start3A_12 = arith.constant 1 : i32
    %dma_start3A_13 = arith.constant 0 : i32
    %dma_start3A_14 = arith.constant 0 : i32
    %dma_start3A_15 = tpu.memref_slice %arg6[%dma_start3A_12, %dma_start3A_13, %dma_start3A_14] : memref<3x32x1024xf32, #tpu.memory_space<vmem>> -> memref<1x32x1024xf32, #tpu.memory_space<vmem>>
    %dma_start3A_16 = tpu.memref_squeeze %dma_start3A_15 : memref<1x32x1024xf32, #tpu.memory_space<vmem>> -> memref<32x1024xf32, #tpu.memory_space<vmem>>
    %dma_start3A_17 = arith.constant 32 : i32
    %dma_start3A_18 = tpu.memref_slice %arg5[%dma_start3A_17] : memref<512xi32, #tpu.memory_space<vmem>> -> memref<32xi32, #tpu.memory_space<vmem>>
    %dma_start3A_19 = arith.constant 0 : i32
    %dma_start3A_20 = arith.constant 0 : i32
    %dma_start3A_21 = tpu.memref_slice %arg2[%dma_start3A_19, %dma_start3A_20] : memref<100000x1024xf32, #tpu.memory_space<hbm>> -> memref<100000x1024xf32, #tpu.memory_space<hbm>>
    tpu.enqueue_indirect_dma source(%dma_start3A_21 : memref<100000x1024xf32, #tpu.memory_space<hbm>>) target(%dma_start3A_16 : memref<32x1024xf32, #tpu.memory_space<vmem>>) offsets(%dma_start3A_18 : memref<32xi32, #tpu.memory_space<vmem>>) semaphore(%arg8 : memref<!tpu.dma_semaphore, #tpu.memory_space<semaphore_mem>>)
    %dma_wait3A = arith.constant 0 : i32
    %dma_wait3A_22 = arith.constant 0 : i32
    %dma_wait3A_23 = arith.constant 0 : i32
    %dma_wait3A_24 = tpu.memref_slice %arg6[%dma_wait3A, %dma_wait3A_22, %dma_wait3A_23] : memref<3x32x1024xf32, #tpu.memory_space<vmem>> -> memref<1x32x1024xf32, #tpu.memory_space<vmem>>
    %dma_wait3A_25 = tpu.memref_squeeze %dma_wait3A_24 : memref<1x32x1024xf32, #tpu.memory_space<vmem>> -> memref<32x1024xf32, #tpu.memory_space<vmem>>
    %dma_wait3A_26 = arith.constant 0 : i32
    %dma_wait3A_27 = tpu.memref_slice %arg5[%dma_wait3A_26] : memref<512xi32, #tpu.memory_space<vmem>> -> memref<32xi32, #tpu.memory_space<vmem>>
    %dma_wait3A_28 = arith.constant 0 : i32
    %dma_wait3A_29 = arith.constant 0 : i32
    %dma_wait3A_30 = tpu.memref_slice %arg2[%dma_wait3A_28, %dma_wait3A_29] : memref<100000x1024xf32, #tpu.memory_space<hbm>> -> memref<100000x1024xf32, #tpu.memory_space<hbm>>
    tpu.wait_indirect_dma semaphore(%arg7 : memref<!tpu.dma_semaphore, #tpu.memory_space<semaphore_mem>>) src(%dma_wait3A_30 : memref<100000x1024xf32, #tpu.memory_space<hbm>>) dst(%dma_wait3A_25 : memref<32x1024xf32, #tpu.memory_space<vmem>>)
    %dma_start3A_31 = arith.constant 2 : i32
    %dma_start3A_32 = arith.constant 0 : i32
    %dma_start3A_33 = arith.constant 0 : i32
    %dma_start3A_34 = tpu.memref_slice %arg6[%dma_start3A_31, %dma_start3A_32, %dma_start3A_33] : memref<3x32x1024xf32, #tpu.memory_space<vmem>> -> memref<1x32x1024xf32, #tpu.memory_space<vmem>>
    %dma_start3A_35 = tpu.memref_squeeze %dma_start3A_34 : memref<1x32x1024xf32, #tpu.memory_space<vmem>> -> memref<32x1024xf32, #tpu.memory_space<vmem>>
    %dma_start3A_36 = arith.constant 64 : i32
    %dma_start3A_37 = tpu.memref_slice %arg5[%dma_start3A_36] : memref<512xi32, #tpu.memory_space<vmem>> -> memref<32xi32, #tpu.memory_space<vmem>>
    %dma_start3A_38 = arith.constant 0 : i32
    %dma_start3A_39 = arith.constant 0 : i32
    %dma_start3A_40 = tpu.memref_slice %arg2[%dma_start3A_38, %dma_start3A_39] : memref<100000x1024xf32, #tpu.memory_space<hbm>> -> memref<100000x1024xf32, #tpu.memory_space<hbm>>
    tpu.enqueue_indirect_dma source(%dma_start3A_40 : memref<100000x1024xf32, #tpu.memory_space<hbm>>) target(%dma_start3A_35 : memref<32x1024xf32, #tpu.memory_space<vmem>>) offsets(%dma_start3A_37 : memref<32xi32, #tpu.memory_space<vmem>>) semaphore(%arg9 : memref<!tpu.dma_semaphore, #tpu.memory_space<semaphore_mem>>)
    %parallel_loop3A = arith.constant 0 : i32
    %parallel_loop3A_41 = arith.constant 32 : i32
    %parallel_loop3A_42 = arith.constant 1 : i32
    scf.for %parallel_loop3A_848 = %parallel_loop3A to %parallel_loop3A_41 step %parallel_loop3A_42  : i32 {
      %parallel_loop3A_849 = arith.constant 0 : i32
      %parallel_loop3A_850 = arith.constant 64 : i32
      %parallel_loop3A_851 = arith.constant 1 : i32
      scf.for %parallel_loop3A_852 = %parallel_loop3A_849 to %parallel_loop3A_850 step %parallel_loop3A_851  : i32 {
        %parallel_loop3A_853 = arith.constant 16 : i32
        %parallel_loop3A_854 = arith.muli %parallel_loop3A_852, %parallel_loop3A_853 : i32
        %parallel_loop3A_855 = arith.constant 0 : i32
        %parallel_loop3A_856 = arith.index_cast %parallel_loop3A_855 : i32 to index
        %parallel_loop3A_857 = arith.index_cast %parallel_loop3A_848 : i32 to index
        %parallel_loop3A_858 = arith.index_cast %parallel_loop3A_854 : i32 to index
        %parallel_loop3A_859 = tpu.vector_load %arg6[%parallel_loop3A_856, %parallel_loop3A_857, %parallel_loop3A_858] {strides = array<i32>} : memref<3x32x1024xf32, #tpu.memory_space<vmem>>, vector<1x1x16xf32>,
        %parallel_loop3A_860 = vector.shape_cast %parallel_loop3A_859 : vector<1x1x16xf32> to vector<16xf32>
        %parallel_loop3A_861 = arith.constant 3.200000e+01 : f32
        %parallel_loop3A_862 = vector.broadcast %parallel_loop3A_861 : f32 to vector<16xf32>
        %parallel_loop3A_863 = arith.mulf %parallel_loop3A_860, %parallel_loop3A_862 : vector<16xf32>
        %parallel_loop3A_864 = arith.constant 0 : i32
        %parallel_loop3A_865 = arith.index_cast %parallel_loop3A_864 : i32 to index
        %parallel_loop3A_866 = arith.index_cast %parallel_loop3A_848 : i32 to index
        %parallel_loop3A_867 = arith.index_cast %parallel_loop3A_854 : i32 to index
        %parallel_loop3A_868 = tpu.vector_load %arg6[%parallel_loop3A_865, %parallel_loop3A_866, %parallel_loop3A_867] {strides = array<i32>} : memref<3x32x1024xf32, #tpu.memory_space<vmem>>, vector<1x1x16xf32>,
        %parallel_loop3A_869 = vector.shape_cast %parallel_loop3A_868 : vector<1x1x16xf32> to vector<16xf32>
        %parallel_loop3A_870 = vector.shape_cast %parallel_loop3A_863 : vector<16xf32> to vector<1x1x16xf32>
        tpu.vector_store %arg6[%parallel_loop3A_865, %parallel_loop3A_866, %parallel_loop3A_867], %parallel_loop3A_870 {strides = array<i32>} : memref<3x32x1024xf32, #tpu.memory_space<vmem>>, vector<1x1x16xf32>,
      } {sc.loop_unroll_factor = 8 : i64, sc.parallel_access}
    } {sc.loop_unroll_factor = 1 : i64, sc.parallel_access}
    %add3A_43 = arith.constant 0 : i32
    %add3A_44 = arith.addi %mul3A_2, %add3A_43 : i32
    %dma_start3A_45 = arith.constant 0 : i32
    %dma_start3A_46 = arith.constant 0 : i32
    %dma_start3A_47 = arith.constant 0 : i32
    %dma_start3A_48 = tpu.memref_slice %arg6[%dma_start3A_45, %dma_start3A_46, %dma_start3A_47] : memref<3x32x1024xf32, #tpu.memory_space<vmem>> -> memref<1x32x1024xf32, #tpu.memory_space<vmem>>
    %dma_start3A_49 = tpu.memref_squeeze %dma_start3A_48 : memref<1x32x1024xf32, #tpu.memory_space<vmem>> -> memref<32x1024xf32, #tpu.memory_space<vmem>>
    %dma_start3A_50 = arith.constant 0 : i32
    %dma_start3A_51 = tpu.memref_slice %arg4[%add3A_44, %dma_start3A_50] : memref<16384x1024xf32, #tpu.memory_space<hbm>> -> memref<32x1024xf32, #tpu.memory_space<hbm>>
    %dma_start3A_52 = arith.constant 0 : i32
    %dma_start3A_53 = tpu.memref_slice %arg4[%add3A_44, %dma_start3A_52] : memref<16384x1024xf32, #tpu.memory_space<hbm>> -> memref<32x1024xf32, #tpu.memory_space<hbm>>
    %dma_start3A_54 = arith.constant 0 : i32
    %dma_start3A_55 = arith.constant 0 : i32
    %dma_start3A_56 = tpu.memref_slice %arg6[%dma_start3A_45, %dma_start3A_54, %dma_start3A_55] : memref<3x32x1024xf32, #tpu.memory_space<vmem>> -> memref<1x32x1024xf32, #tpu.memory_space<vmem>>
    %dma_start3A_57 = tpu.memref_squeeze %dma_start3A_56 : memref<1x32x1024xf32, #tpu.memory_space<vmem>> -> memref<32x1024xf32, #tpu.memory_space<vmem>>
    tpu.enqueue_dma source(%dma_start3A_57 : memref<32x1024xf32, #tpu.memory_space<vmem>>) target(%dma_start3A_53 : memref<32x1024xf32, #tpu.memory_space<hbm>>) target_semaphore(%arg10 : memref<!tpu.dma_semaphore, #tpu.memory_space<semaphore_mem>>)
    %dma_wait3A_58 = arith.constant 1 : i32
    %dma_wait3A_59 = arith.constant 0 : i32
    %dma_wait3A_60 = arith.constant 0 : i32
    %dma_wait3A_61 = tpu.memref_slice %arg6[%dma_wait3A_58, %dma_wait3A_59, %dma_wait3A_60] : memref<3x32x1024xf32, #tpu.memory_space<vmem>> -> memref<1x32x1024xf32, #tpu.memory_space<vmem>>
    %dma_wait3A_62 = tpu.memref_squeeze %dma_wait3A_61 : memref<1x32x1024xf32, #tpu.memory_space<vmem>> -> memref<32x1024xf32, #tpu.memory_space<vmem>>
    %dma_wait3A_63 = arith.constant 32 : i32
    %dma_wait3A_64 = tpu.memref_slice %arg5[%dma_wait3A_63] : memref<512xi32, #tpu.memory_space<vmem>> -> memref<32xi32, #tpu.memory_space<vmem>>
    %dma_wait3A_65 = arith.constant 0 : i32
    %dma_wait3A_66 = arith.constant 0 : i32
    %dma_wait3A_67 = tpu.memref_slice %arg2[%dma_wait3A_65, %dma_wait3A_66] : memref<100000x1024xf32, #tpu.memory_space<hbm>> -> memref<100000x1024xf32, #tpu.memory_space<hbm>>
    tpu.wait_indirect_dma semaphore(%arg8 : memref<!tpu.dma_semaphore, #tpu.memory_space<semaphore_mem>>) src(%dma_wait3A_67 : memref<100000x1024xf32, #tpu.memory_space<hbm>>) dst(%dma_wait3A_62 : memref<32x1024xf32, #tpu.memory_space<vmem>>)
    %add3A_68 = arith.constant 0 : i32
    %add3A_69 = arith.addi %mul3A_2, %add3A_68 : i32
    %dma_wait3A_70 = arith.constant 0 : i32
    %dma_wait3A_71 = arith.constant 0 : i32
    %dma_wait3A_72 = arith.constant 0 : i32
    %dma_wait3A_73 = tpu.memref_slice %arg6[%dma_wait3A_70, %dma_wait3A_71, %dma_wait3A_72] : memref<3x32x1024xf32, #tpu.memory_space<vmem>> -> memref<1x32x1024xf32, #tpu.memory_space<vmem>>
    %dma_wait3A_74 = tpu.memref_squeeze %dma_wait3A_73 : memref<1x32x1024xf32, #tpu.memory_space<vmem>> -> memref<32x1024xf32, #tpu.memory_space<vmem>>
    %dma_wait3A_75 = arith.constant 0 : i32
    %dma_wait3A_76 = tpu.memref_slice %arg4[%add3A_69, %dma_wait3A_75] : memref<16384x1024xf32, #tpu.memory_space<hbm>> -> memref<32x1024xf32, #tpu.memory_space<hbm>>
    %dma_wait3A_77 = arith.constant 0 : i32
    %dma_wait3A_78 = tpu.memref_slice %arg4[%add3A_69, %dma_wait3A_77] : memref<16384x1024xf32, #tpu.memory_space<hbm>> -> memref<32x1024xf32, #tpu.memory_space<hbm>>
    %dma_wait3A_79 = arith.constant 0 : i32
    %dma_wait3A_80 = arith.constant 0 : i32
    %dma_wait3A_81 = tpu.memref_slice %arg6[%dma_wait3A_70, %dma_wait3A_79, %dma_wait3A_80] : memref<3x32x1024xf32, #tpu.memory_space<vmem>> -> memref<1x32x1024xf32, #tpu.memory_space<vmem>>
    %dma_wait3A_82 = tpu.memref_squeeze %dma_wait3A_81 : memref<1x32x1024xf32, #tpu.memory_space<vmem>> -> memref<32x1024xf32, #tpu.memory_space<vmem>>
    tpu.wait_dma2 semaphore(%arg10 : memref<!tpu.dma_semaphore, #tpu.memory_space<semaphore_mem>>) src(%dma_wait3A_82 : memref<32x1024xf32, #tpu.memory_space<vmem>>) dst(%dma_wait3A_78 : memref<32x1024xf32, #tpu.memory_space<hbm>>)
    %dma_start3A_83 = arith.constant 0 : i32
    %dma_start3A_84 = arith.constant 0 : i32
    %dma_start3A_85 = arith.constant 0 : i32
    %dma_start3A_86 = tpu.memref_slice %arg6[%dma_start3A_83, %dma_start3A_84, %dma_start3A_85] : memref<3x32x1024xf32, #tpu.memory_space<vmem>> -> memref<1x32x1024xf32, #tpu.memory_space<vmem>>
    %dma_start3A_87 = tpu.memref_squeeze %dma_start3A_86 : memref<1x32x1024xf32, #tpu.memory_space<vmem>> -> memref<32x1024xf32, #tpu.memory_space<vmem>>
    %dma_start3A_88 = arith.constant 96 : i32
    %dma_start3A_89 = tpu.memref_slice %arg5[%dma_start3A_88] : memref<512xi32, #tpu.memory_space<vmem>> -> memref<32xi32, #tpu.memory_space<vmem>>
    %dma_start3A_90 = arith.constant 0 : i32
    %dma_start3A_91 = arith.constant 0 : i32
    %dma_start3A_92 = tpu.memref_slice %arg2[%dma_start3A_90, %dma_start3A_91] : memref<100000x1024xf32, #tpu.memory_space<hbm>> -> memref<100000x1024xf32, #tpu.memory_space<hbm>>
    tpu.enqueue_indirect_dma source(%dma_start3A_92 : memref<100000x1024xf32, #tpu.memory_space<hbm>>) target(%dma_start3A_87 : memref<32x1024xf32, #tpu.memory_space<vmem>>) offsets(%dma_start3A_89 : memref<32xi32, #tpu.memory_space<vmem>>) semaphore(%arg7 : memref<!tpu.dma_semaphore, #tpu.memory_space<semaphore_mem>>)
    %parallel_loop3A_93 = arith.constant 0 : i32
    %parallel_loop3A_94 = arith.constant 32 : i32
    %parallel_loop3A_95 = arith.constant 1 : i32
    scf.for %parallel_loop3A_848 = %parallel_loop3A_93 to %parallel_loop3A_94 step %parallel_loop3A_95  : i32 {
      %parallel_loop3A_849 = arith.constant 0 : i32
      %parallel_loop3A_850 = arith.constant 64 : i32
      %parallel_loop3A_851 = arith.constant 1 : i32
      scf.for %parallel_loop3A_852 = %parallel_loop3A_849 to %parallel_loop3A_850 step %parallel_loop3A_851  : i32 {
        %parallel_loop3A_853 = arith.constant 16 : i32
        %parallel_loop3A_854 = arith.muli %parallel_loop3A_852, %parallel_loop3A_853 : i32
        %parallel_loop3A_855 = arith.constant 1 : i32
        %parallel_loop3A_856 = arith.index_cast %parallel_loop3A_855 : i32 to index
        %parallel_loop3A_857 = arith.index_cast %parallel_loop3A_848 : i32 to index
        %parallel_loop3A_858 = arith.index_cast %parallel_loop3A_854 : i32 to index
        %parallel_loop3A_859 = tpu.vector_load %arg6[%parallel_loop3A_856, %parallel_loop3A_857, %parallel_loop3A_858] {strides = array<i32>} : memref<3x32x1024xf32, #tpu.memory_space<vmem>>, vector<1x1x16xf32>,
        %parallel_loop3A_860 = vector.shape_cast %parallel_loop3A_859 : vector<1x1x16xf32> to vector<16xf32>
        %parallel_loop3A_861 = arith.constant 3.200000e+01 : f32
        %parallel_loop3A_862 = vector.broadcast %parallel_loop3A_861 : f32 to vector<16xf32>
        %parallel_loop3A_863 = arith.mulf %parallel_loop3A_860, %parallel_loop3A_862 : vector<16xf32>
        %parallel_loop3A_864 = arith.constant 1 : i32
        %parallel_loop3A_865 = arith.index_cast %parallel_loop3A_864 : i32 to index
        %parallel_loop3A_866 = arith.index_cast %parallel_loop3A_848 : i32 to index
        %parallel_loop3A_867 = arith.index_cast %parallel_loop3A_854 : i32 to index
        %parallel_loop3A_868 = tpu.vector_load %arg6[%parallel_loop3A_865, %parallel_loop3A_866, %parallel_loop3A_867] {strides = array<i32>} : memref<3x32x1024xf32, #tpu.memory_space<vmem>>, vector<1x1x16xf32>,
        %parallel_loop3A_869 = vector.shape_cast %parallel_loop3A_868 : vector<1x1x16xf32> to vector<16xf32>
        %parallel_loop3A_870 = vector.shape_cast %parallel_loop3A_863 : vector<16xf32> to vector<1x1x16xf32>
        tpu.vector_store %arg6[%parallel_loop3A_865, %parallel_loop3A_866, %parallel_loop3A_867], %parallel_loop3A_870 {strides = array<i32>} : memref<3x32x1024xf32, #tpu.memory_space<vmem>>, vector<1x1x16xf32>,
      } {sc.loop_unroll_factor = 8 : i64, sc.parallel_access}
    } {sc.loop_unroll_factor = 1 : i64, sc.parallel_access}
    %add3A_96 = arith.constant 32 : i32
    %add3A_97 = arith.addi %mul3A_2, %add3A_96 : i32
    %dma_start3A_98 = arith.constant 1 : i32
    %dma_start3A_99 = arith.constant 0 : i32
    %dma_start3A_100 = arith.constant 0 : i32
    %dma_start3A_101 = tpu.memref_slice %arg6[%dma_start3A_98, %dma_start3A_99, %dma_start3A_100] : memref<3x32x1024xf32, #tpu.memory_space<vmem>> -> memref<1x32x1024xf32, #tpu.memory_space<vmem>>
    %dma_start3A_102 = tpu.memref_squeeze %dma_start3A_101 : memref<1x32x1024xf32, #tpu.memory_space<vmem>> -> memref<32x1024xf32, #tpu.memory_space<vmem>>
    %dma_start3A_103 = arith.constant 0 : i32
    %dma_start3A_104 = tpu.memref_slice %arg4[%add3A_97, %dma_start3A_103] : memref<16384x1024xf32, #tpu.memory_space<hbm>> -> memref<32x1024xf32, #tpu.memory_space<hbm>>
    %dma_start3A_105 = arith.constant 0 : i32
    %dma_start3A_106 = tpu.memref_slice %arg4[%add3A_97, %dma_start3A_105] : memref<16384x1024xf32, #tpu.memory_space<hbm>> -> memref<32x1024xf32, #tpu.memory_space<hbm>>
    %dma_start3A_107 = arith.constant 0 : i32
    %dma_start3A_108 = arith.constant 0 : i32
    %dma_start3A_109 = tpu.memref_slice %arg6[%dma_start3A_98, %dma_start3A_107, %dma_start3A_108] : memref<3x32x1024xf32, #tpu.memory_space<vmem>> -> memref<1x32x1024xf32, #tpu.memory_space<vmem>>
    %dma_start3A_110 = tpu.memref_squeeze %dma_start3A_109 : memref<1x32x1024xf32, #tpu.memory_space<vmem>> -> memref<32x1024xf32, #tpu.memory_space<vmem>>
    tpu.enqueue_dma source(%dma_start3A_110 : memref<32x1024xf32, #tpu.memory_space<vmem>>) target(%dma_start3A_106 : memref<32x1024xf32, #tpu.memory_space<hbm>>) target_semaphore(%arg11 : memref<!tpu.dma_semaphore, #tpu.memory_space<semaphore_mem>>)
    %dma_wait3A_111 = arith.constant 2 : i32
    %dma_wait3A_112 = arith.constant 0 : i32
    %dma_wait3A_113 = arith.constant 0 : i32
    %dma_wait3A_114 = tpu.memref_slice %arg6[%dma_wait3A_111, %dma_wait3A_112, %dma_wait3A_113] : memref<3x32x1024xf32, #tpu.memory_space<vmem>> -> memref<1x32x1024xf32, #tpu.memory_space<vmem>>
    %dma_wait3A_115 = tpu.memref_squeeze %dma_wait3A_114 : memref<1x32x1024xf32, #tpu.memory_space<vmem>> -> memref<32x1024xf32, #tpu.memory_space<vmem>>
    %dma_wait3A_116 = arith.constant 64 : i32
    %dma_wait3A_117 = tpu.memref_slice %arg5[%dma_wait3A_116] : memref<512xi32, #tpu.memory_space<vmem>> -> memref<32xi32, #tpu.memory_space<vmem>>
    %dma_wait3A_118 = arith.constant 0 : i32
    %dma_wait3A_119 = arith.constant 0 : i32
    %dma_wait3A_120 = tpu.memref_slice %arg2[%dma_wait3A_118, %dma_wait3A_119] : memref<100000x1024xf32, #tpu.memory_space<hbm>> -> memref<100000x1024xf32, #tpu.memory_space<hbm>>
    tpu.wait_indirect_dma semaphore(%arg9 : memref<!tpu.dma_semaphore, #tpu.memory_space<semaphore_mem>>) src(%dma_wait3A_120 : memref<100000x1024xf32, #tpu.memory_space<hbm>>) dst(%dma_wait3A_115 : memref<32x1024xf32, #tpu.memory_space<vmem>>)
    %add3A_121 = arith.constant 32 : i32
    %add3A_122 = arith.addi %mul3A_2, %add3A_121 : i32
    %dma_wait3A_123 = arith.constant 1 : i32
    %dma_wait3A_124 = arith.constant 0 : i32
    %dma_wait3A_125 = arith.constant 0 : i32
    %dma_wait3A_126 = tpu.memref_slice %arg6[%dma_wait3A_123, %dma_wait3A_124, %dma_wait3A_125] : memref<3x32x1024xf32, #tpu.memory_space<vmem>> -> memref<1x32x1024xf32, #tpu.memory_space<vmem>>
    %dma_wait3A_127 = tpu.memref_squeeze %dma_wait3A_126 : memref<1x32x1024xf32, #tpu.memory_space<vmem>> -> memref<32x1024xf32, #tpu.memory_space<vmem>>
    %dma_wait3A_128 = arith.constant 0 : i32
    %dma_wait3A_129 = tpu.memref_slice %arg4[%add3A_122, %dma_wait3A_128] : memref<16384x1024xf32, #tpu.memory_space<hbm>> -> memref<32x1024xf32, #tpu.memory_space<hbm>>
    %dma_wait3A_130 = arith.constant 0 : i32
    %dma_wait3A_131 = tpu.memref_slice %arg4[%add3A_122, %dma_wait3A_130] : memref<16384x1024xf32, #tpu.memory_space<hbm>> -> memref<32x1024xf32, #tpu.memory_space<hbm>>
    %dma_wait3A_132 = arith.constant 0 : i32
    %dma_wait3A_133 = arith.constant 0 : i32
    %dma_wait3A_134 = tpu.memref_slice %arg6[%dma_wait3A_123, %dma_wait3A_132, %dma_wait3A_133] : memref<3x32x1024xf32, #tpu.memory_space<vmem>> -> memref<1x32x1024xf32, #tpu.memory_space<vmem>>
    %dma_wait3A_135 = tpu.memref_squeeze %dma_wait3A_134 : memref<1x32x1024xf32, #tpu.memory_space<vmem>> -> memref<32x1024xf32, #tpu.memory_space<vmem>>
    tpu.wait_dma2 semaphore(%arg11 : memref<!tpu.dma_semaphore, #tpu.memory_space<semaphore_mem>>) src(%dma_wait3A_135 : memref<32x1024xf32, #tpu.memory_space<vmem>>) dst(%dma_wait3A_131 : memref<32x1024xf32, #tpu.memory_space<hbm>>)
    %dma_start3A_136 = arith.constant 1 : i32
    %dma_start3A_137 = arith.constant 0 : i32
    %dma_start3A_138 = arith.constant 0 : i32
    %dma_start3A_139 = tpu.memref_slice %arg6[%dma_start3A_136, %dma_start3A_137, %dma_start3A_138] : memref<3x32x1024xf32, #tpu.memory_space<vmem>> -> memref<1x32x1024xf32, #tpu.memory_space<vmem>>
    %dma_start3A_140 = tpu.memref_squeeze %dma_start3A_139 : memref<1x32x1024xf32, #tpu.memory_space<vmem>> -> memref<32x1024xf32, #tpu.memory_space<vmem>>
    %dma_start3A_141 = arith.constant 128 : i32
    %dma_start3A_142 = tpu.memref_slice %arg5[%dma_start3A_141] : memref<512xi32, #tpu.memory_space<vmem>> -> memref<32xi32, #tpu.memory_space<vmem>>
    %dma_start3A_143 = arith.constant 0 : i32
    %dma_start3A_144 = arith.constant 0 : i32
    %dma_start3A_145 = tpu.memref_slice %arg2[%dma_start3A_143, %dma_start3A_144] : memref<100000x1024xf32, #tpu.memory_space<hbm>> -> memref<100000x1024xf32, #tpu.memory_space<hbm>>
    tpu.enqueue_indirect_dma source(%dma_start3A_145 : memref<100000x1024xf32, #tpu.memory_space<hbm>>) target(%dma_start3A_140 : memref<32x1024xf32, #tpu.memory_space<vmem>>) offsets(%dma_start3A_142 : memref<32xi32, #tpu.memory_space<vmem>>) semaphore(%arg8 : memref<!tpu.dma_semaphore, #tpu.memory_space<semaphore_mem>>)
    %parallel_loop3A_146 = arith.constant 0 : i32
    %parallel_loop3A_147 = arith.constant 32 : i32
    %parallel_loop3A_148 = arith.constant 1 : i32
    scf.for %parallel_loop3A_848 = %parallel_loop3A_146 to %parallel_loop3A_147 step %parallel_loop3A_148  : i32 {
      %parallel_loop3A_849 = arith.constant 0 : i32
      %parallel_loop3A_850 = arith.constant 64 : i32
      %parallel_loop3A_851 = arith.constant 1 : i32
      scf.for %parallel_loop3A_852 = %parallel_loop3A_849 to %parallel_loop3A_850 step %parallel_loop3A_851  : i32 {
        %parallel_loop3A_853 = arith.constant 16 : i32
        %parallel_loop3A_854 = arith.muli %parallel_loop3A_852, %parallel_loop3A_853 : i32
        %parallel_loop3A_855 = arith.constant 2 : i32
        %parallel_loop3A_856 = arith.index_cast %parallel_loop3A_855 : i32 to index
        %parallel_loop3A_857 = arith.index_cast %parallel_loop3A_848 : i32 to index
        %parallel_loop3A_858 = arith.index_cast %parallel_loop3A_854 : i32 to index
        %parallel_loop3A_859 = tpu.vector_load %arg6[%parallel_loop3A_856, %parallel_loop3A_857, %parallel_loop3A_858] {strides = array<i32>} : memref<3x32x1024xf32, #tpu.memory_space<vmem>>, vector<1x1x16xf32>,
        %parallel_loop3A_860 = vector.shape_cast %parallel_loop3A_859 : vector<1x1x16xf32> to vector<16xf32>
        %parallel_loop3A_861 = arith.constant 3.200000e+01 : f32
        %parallel_loop3A_862 = vector.broadcast %parallel_loop3A_861 : f32 to vector<16xf32>
        %parallel_loop3A_863 = arith.mulf %parallel_loop3A_860, %parallel_loop3A_862 : vector<16xf32>
        %parallel_loop3A_864 = arith.constant 2 : i32
        %parallel_loop3A_865 = arith.index_cast %parallel_loop3A_864 : i32 to index
        %parallel_loop3A_866 = arith.index_cast %parallel_loop3A_848 : i32 to index
        %parallel_loop3A_867 = arith.index_cast %parallel_loop3A_854 : i32 to index
        %parallel_loop3A_868 = tpu.vector_load %arg6[%parallel_loop3A_865, %parallel_loop3A_866, %parallel_loop3A_867] {strides = array<i32>} : memref<3x32x1024xf32, #tpu.memory_space<vmem>>, vector<1x1x16xf32>,
        %parallel_loop3A_869 = vector.shape_cast %parallel_loop3A_868 : vector<1x1x16xf32> to vector<16xf32>
        %parallel_loop3A_870 = vector.shape_cast %parallel_loop3A_863 : vector<16xf32> to vector<1x1x16xf32>
        tpu.vector_store %arg6[%parallel_loop3A_865, %parallel_loop3A_866, %parallel_loop3A_867], %parallel_loop3A_870 {strides = array<i32>} : memref<3x32x1024xf32, #tpu.memory_space<vmem>>, vector<1x1x16xf32>,
      } {sc.loop_unroll_factor = 8 : i64, sc.parallel_access}
    } {sc.loop_unroll_factor = 1 : i64, sc.parallel_access}
    %add3A_149 = arith.constant 64 : i32
    %add3A_150 = arith.addi %mul3A_2, %add3A_149 : i32
    %dma_start3A_151 = arith.constant 2 : i32
    %dma_start3A_152 = arith.constant 0 : i32
    %dma_start3A_153 = arith.constant 0 : i32
    %dma_start3A_154 = tpu.memref_slice %arg6[%dma_start3A_151, %dma_start3A_152, %dma_start3A_153] : memref<3x32x1024xf32, #tpu.memory_space<vmem>> -> memref<1x32x1024xf32, #tpu.memory_space<vmem>>
    %dma_start3A_155 = tpu.memref_squeeze %dma_start3A_154 : memref<1x32x1024xf32, #tpu.memory_space<vmem>> -> memref<32x1024xf32, #tpu.memory_space<vmem>>
    %dma_start3A_156 = arith.constant 0 : i32
    %dma_start3A_157 = tpu.memref_slice %arg4[%add3A_150, %dma_start3A_156] : memref<16384x1024xf32, #tpu.memory_space<hbm>> -> memref<32x1024xf32, #tpu.memory_space<hbm>>
    %dma_start3A_158 = arith.constant 0 : i32
    %dma_start3A_159 = tpu.memref_slice %arg4[%add3A_150, %dma_start3A_158] : memref<16384x1024xf32, #tpu.memory_space<hbm>> -> memref<32x1024xf32, #tpu.memory_space<hbm>>
    %dma_start3A_160 = arith.constant 0 : i32
    %dma_start3A_161 = arith.constant 0 : i32
    %dma_start3A_162 = tpu.memref_slice %arg6[%dma_start3A_151, %dma_start3A_160, %dma_start3A_161] : memref<3x32x1024xf32, #tpu.memory_space<vmem>> -> memref<1x32x1024xf32, #tpu.memory_space<vmem>>
    %dma_start3A_163 = tpu.memref_squeeze %dma_start3A_162 : memref<1x32x1024xf32, #tpu.memory_space<vmem>> -> memref<32x1024xf32, #tpu.memory_space<vmem>>
    tpu.enqueue_dma source(%dma_start3A_163 : memref<32x1024xf32, #tpu.memory_space<vmem>>) target(%dma_start3A_159 : memref<32x1024xf32, #tpu.memory_space<hbm>>) target_semaphore(%arg12 : memref<!tpu.dma_semaphore, #tpu.memory_space<semaphore_mem>>)
    %dma_wait3A_164 = arith.constant 0 : i32
    %dma_wait3A_165 = arith.constant 0 : i32
    %dma_wait3A_166 = arith.constant 0 : i32
    %dma_wait3A_167 = tpu.memref_slice %arg6[%dma_wait3A_164, %dma_wait3A_165, %dma_wait3A_166] : memref<3x32x1024xf32, #tpu.memory_space<vmem>> -> memref<1x32x1024xf32, #tpu.memory_space<vmem>>
    %dma_wait3A_168 = tpu.memref_squeeze %dma_wait3A_167 : memref<1x32x1024xf32, #tpu.memory_space<vmem>> -> memref<32x1024xf32, #tpu.memory_space<vmem>>
    %dma_wait3A_169 = arith.constant 96 : i32
    %dma_wait3A_170 = tpu.memref_slice %arg5[%dma_wait3A_169] : memref<512xi32, #tpu.memory_space<vmem>> -> memref<32xi32, #tpu.memory_space<vmem>>
    %dma_wait3A_171 = arith.constant 0 : i32
    %dma_wait3A_172 = arith.constant 0 : i32
    %dma_wait3A_173 = tpu.memref_slice %arg2[%dma_wait3A_171, %dma_wait3A_172] : memref<100000x1024xf32, #tpu.memory_space<hbm>> -> memref<100000x1024xf32, #tpu.memory_space<hbm>>
    tpu.wait_indirect_dma semaphore(%arg7 : memref<!tpu.dma_semaphore, #tpu.memory_space<semaphore_mem>>) src(%dma_wait3A_173 : memref<100000x1024xf32, #tpu.memory_space<hbm>>) dst(%dma_wait3A_168 : memref<32x1024xf32, #tpu.memory_space<vmem>>)
    %add3A_174 = arith.constant 64 : i32
    %add3A_175 = arith.addi %mul3A_2, %add3A_174 : i32
    %dma_wait3A_176 = arith.constant 2 : i32
    %dma_wait3A_177 = arith.constant 0 : i32
    %dma_wait3A_178 = arith.constant 0 : i32
    %dma_wait3A_179 = tpu.memref_slice %arg6[%dma_wait3A_176, %dma_wait3A_177, %dma_wait3A_178] : memref<3x32x1024xf32, #tpu.memory_space<vmem>> -> memref<1x32x1024xf32, #tpu.memory_space<vmem>>
    %dma_wait3A_180 = tpu.memref_squeeze %dma_wait3A_179 : memref<1x32x1024xf32, #tpu.memory_space<vmem>> -> memref<32x1024xf32, #tpu.memory_space<vmem>>
    %dma_wait3A_181 = arith.constant 0 : i32
    %dma_wait3A_182 = tpu.memref_slice %arg4[%add3A_175, %dma_wait3A_181] : memref<16384x1024xf32, #tpu.memory_space<hbm>> -> memref<32x1024xf32, #tpu.memory_space<hbm>>
    %dma_wait3A_183 = arith.constant 0 : i32
    %dma_wait3A_184 = tpu.memref_slice %arg4[%add3A_175, %dma_wait3A_183] : memref<16384x1024xf32, #tpu.memory_space<hbm>> -> memref<32x1024xf32, #tpu.memory_space<hbm>>
    %dma_wait3A_185 = arith.constant 0 : i32
    %dma_wait3A_186 = arith.constant 0 : i32
    %dma_wait3A_187 = tpu.memref_slice %arg6[%dma_wait3A_176, %dma_wait3A_185, %dma_wait3A_186] : memref<3x32x1024xf32, #tpu.memory_space<vmem>> -> memref<1x32x1024xf32, #tpu.memory_space<vmem>>
    %dma_wait3A_188 = tpu.memref_squeeze %dma_wait3A_187 : memref<1x32x1024xf32, #tpu.memory_space<vmem>> -> memref<32x1024xf32, #tpu.memory_space<vmem>>
    tpu.wait_dma2 semaphore(%arg12 : memref<!tpu.dma_semaphore, #tpu.memory_space<semaphore_mem>>) src(%dma_wait3A_188 : memref<32x1024xf32, #tpu.memory_space<vmem>>) dst(%dma_wait3A_184 : memref<32x1024xf32, #tpu.memory_space<hbm>>)
    %dma_start3A_189 = arith.constant 2 : i32
    %dma_start3A_190 = arith.constant 0 : i32
    %dma_start3A_191 = arith.constant 0 : i32
    %dma_start3A_192 = tpu.memref_slice %arg6[%dma_start3A_189, %dma_start3A_190, %dma_start3A_191] : memref<3x32x1024xf32, #tpu.memory_space<vmem>> -> memref<1x32x1024xf32, #tpu.memory_space<vmem>>
    %dma_start3A_193 = tpu.memref_squeeze %dma_start3A_192 : memref<1x32x1024xf32, #tpu.memory_space<vmem>> -> memref<32x1024xf32, #tpu.memory_space<vmem>>
    %dma_start3A_194 = arith.constant 160 : i32
    %dma_start3A_195 = tpu.memref_slice %arg5[%dma_start3A_194] : memref<512xi32, #tpu.memory_space<vmem>> -> memref<32xi32, #tpu.memory_space<vmem>>
    %dma_start3A_196 = arith.constant 0 : i32
    %dma_start3A_197 = arith.constant 0 : i32
    %dma_start3A_198 = tpu.memref_slice %arg2[%dma_start3A_196, %dma_start3A_197] : memref<100000x1024xf32, #tpu.memory_space<hbm>> -> memref<100000x1024xf32, #tpu.memory_space<hbm>>
    tpu.enqueue_indirect_dma source(%dma_start3A_198 : memref<100000x1024xf32, #tpu.memory_space<hbm>>) target(%dma_start3A_193 : memref<32x1024xf32, #tpu.memory_space<vmem>>) offsets(%dma_start3A_195 : memref<32xi32, #tpu.memory_space<vmem>>) semaphore(%arg9 : memref<!tpu.dma_semaphore, #tpu.memory_space<semaphore_mem>>)
    %parallel_loop3A_199 = arith.constant 0 : i32
    %parallel_loop3A_200 = arith.constant 32 : i32
    %parallel_loop3A_201 = arith.constant 1 : i32
    scf.for %parallel_loop3A_848 = %parallel_loop3A_199 to %parallel_loop3A_200 step %parallel_loop3A_201  : i32 {
      %parallel_loop3A_849 = arith.constant 0 : i32
      %parallel_loop3A_850 = arith.constant 64 : i32
      %parallel_loop3A_851 = arith.constant 1 : i32
      scf.for %parallel_loop3A_852 = %parallel_loop3A_849 to %parallel_loop3A_850 step %parallel_loop3A_851  : i32 {
        %parallel_loop3A_853 = arith.constant 16 : i32
        %parallel_loop3A_854 = arith.muli %parallel_loop3A_852, %parallel_loop3A_853 : i32
        %parallel_loop3A_855 = arith.constant 0 : i32
        %parallel_loop3A_856 = arith.index_cast %parallel_loop3A_855 : i32 to index
        %parallel_loop3A_857 = arith.index_cast %parallel_loop3A_848 : i32 to index
        %parallel_loop3A_858 = arith.index_cast %parallel_loop3A_854 : i32 to index
        %parallel_loop3A_859 = tpu.vector_load %arg6[%parallel_loop3A_856, %parallel_loop3A_857, %parallel_loop3A_858] {strides = array<i32>} : memref<3x32x1024xf32, #tpu.memory_space<vmem>>, vector<1x1x16xf32>,
        %parallel_loop3A_860 = vector.shape_cast %parallel_loop3A_859 : vector<1x1x16xf32> to vector<16xf32>
        %parallel_loop3A_861 = arith.constant 3.200000e+01 : f32
        %parallel_loop3A_862 = vector.broadcast %parallel_loop3A_861 : f32 to vector<16xf32>
        %parallel_loop3A_863 = arith.mulf %parallel_loop3A_860, %parallel_loop3A_862 : vector<16xf32>
        %parallel_loop3A_864 = arith.constant 0 : i32
        %parallel_loop3A_865 = arith.index_cast %parallel_loop3A_864 : i32 to index
        %parallel_loop3A_866 = arith.index_cast %parallel_loop3A_848 : i32 to index
        %parallel_loop3A_867 = arith.index_cast %parallel_loop3A_854 : i32 to index
        %parallel_loop3A_868 = tpu.vector_load %arg6[%parallel_loop3A_865, %parallel_loop3A_866, %parallel_loop3A_867] {strides = array<i32>} : memref<3x32x1024xf32, #tpu.memory_space<vmem>>, vector<1x1x16xf32>,
        %parallel_loop3A_869 = vector.shape_cast %parallel_loop3A_868 : vector<1x1x16xf32> to vector<16xf32>
        %parallel_loop3A_870 = vector.shape_cast %parallel_loop3A_863 : vector<16xf32> to vector<1x1x16xf32>
        tpu.vector_store %arg6[%parallel_loop3A_865, %parallel_loop3A_866, %parallel_loop3A_867], %parallel_loop3A_870 {strides = array<i32>} : memref<3x32x1024xf32, #tpu.memory_space<vmem>>, vector<1x1x16xf32>,
      } {sc.loop_unroll_factor = 8 : i64, sc.parallel_access}
    } {sc.loop_unroll_factor = 1 : i64, sc.parallel_access}
    %add3A_202 = arith.constant 96 : i32
    %add3A_203 = arith.addi %mul3A_2, %add3A_202 : i32
    %dma_start3A_204 = arith.constant 0 : i32
    %dma_start3A_205 = arith.constant 0 : i32
    %dma_start3A_206 = arith.constant 0 : i32
    %dma_start3A_207 = tpu.memref_slice %arg6[%dma_start3A_204, %dma_start3A_205, %dma_start3A_206] : memref<3x32x1024xf32, #tpu.memory_space<vmem>> -> memref<1x32x1024xf32, #tpu.memory_space<vmem>>
    %dma_start3A_208 = tpu.memref_squeeze %dma_start3A_207 : memref<1x32x1024xf32, #tpu.memory_space<vmem>> -> memref<32x1024xf32, #tpu.memory_space<vmem>>
    %dma_start3A_209 = arith.constant 0 : i32
    %dma_start3A_210 = tpu.memref_slice %arg4[%add3A_203, %dma_start3A_209] : memref<16384x1024xf32, #tpu.memory_space<hbm>> -> memref<32x1024xf32, #tpu.memory_space<hbm>>
    %dma_start3A_211 = arith.constant 0 : i32
    %dma_start3A_212 = tpu.memref_slice %arg4[%add3A_203, %dma_start3A_211] : memref<16384x1024xf32, #tpu.memory_space<hbm>> -> memref<32x1024xf32, #tpu.memory_space<hbm>>
    %dma_start3A_213 = arith.constant 0 : i32
    %dma_start3A_214 = arith.constant 0 : i32
    %dma_start3A_215 = tpu.memref_slice %arg6[%dma_start3A_204, %dma_start3A_213, %dma_start3A_214] : memref<3x32x1024xf32, #tpu.memory_space<vmem>> -> memref<1x32x1024xf32, #tpu.memory_space<vmem>>
    %dma_start3A_216 = tpu.memref_squeeze %dma_start3A_215 : memref<1x32x1024xf32, #tpu.memory_space<vmem>> -> memref<32x1024xf32, #tpu.memory_space<vmem>>
    tpu.enqueue_dma source(%dma_start3A_216 : memref<32x1024xf32, #tpu.memory_space<vmem>>) target(%dma_start3A_212 : memref<32x1024xf32, #tpu.memory_space<hbm>>) target_semaphore(%arg10 : memref<!tpu.dma_semaphore, #tpu.memory_space<semaphore_mem>>)
    %dma_wait3A_217 = arith.constant 1 : i32
    %dma_wait3A_218 = arith.constant 0 : i32
    %dma_wait3A_219 = arith.constant 0 : i32
    %dma_wait3A_220 = tpu.memref_slice %arg6[%dma_wait3A_217, %dma_wait3A_218, %dma_wait3A_219] : memref<3x32x1024xf32, #tpu.memory_space<vmem>> -> memref<1x32x1024xf32, #tpu.memory_space<vmem>>
    %dma_wait3A_221 = tpu.memref_squeeze %dma_wait3A_220 : memref<1x32x1024xf32, #tpu.memory_space<vmem>> -> memref<32x1024xf32, #tpu.memory_space<vmem>>
    %dma_wait3A_222 = arith.constant 128 : i32
    %dma_wait3A_223 = tpu.memref_slice %arg5[%dma_wait3A_222] : memref<512xi32, #tpu.memory_space<vmem>> -> memref<32xi32, #tpu.memory_space<vmem>>
    %dma_wait3A_224 = arith.constant 0 : i32
    %dma_wait3A_225 = arith.constant 0 : i32
    %dma_wait3A_226 = tpu.memref_slice %arg2[%dma_wait3A_224, %dma_wait3A_225] : memref<100000x1024xf32, #tpu.memory_space<hbm>> -> memref<100000x1024xf32, #tpu.memory_space<hbm>>
    tpu.wait_indirect_dma semaphore(%arg8 : memref<!tpu.dma_semaphore, #tpu.memory_space<semaphore_mem>>) src(%dma_wait3A_226 : memref<100000x1024xf32, #tpu.memory_space<hbm>>) dst(%dma_wait3A_221 : memref<32x1024xf32, #tpu.memory_space<vmem>>)
    %add3A_227 = arith.constant 96 : i32
    %add3A_228 = arith.addi %mul3A_2, %add3A_227 : i32
    %dma_wait3A_229 = arith.constant 0 : i32
    %dma_wait3A_230 = arith.constant 0 : i32
    %dma_wait3A_231 = arith.constant 0 : i32
    %dma_wait3A_232 = tpu.memref_slice %arg6[%dma_wait3A_229, %dma_wait3A_230, %dma_wait3A_231] : memref<3x32x1024xf32, #tpu.memory_space<vmem>> -> memref<1x32x1024xf32, #tpu.memory_space<vmem>>
    %dma_wait3A_233 = tpu.memref_squeeze %dma_wait3A_232 : memref<1x32x1024xf32, #tpu.memory_space<vmem>> -> memref<32x1024xf32, #tpu.memory_space<vmem>>
    %dma_wait3A_234 = arith.constant 0 : i32
    %dma_wait3A_235 = tpu.memref_slice %arg4[%add3A_228, %dma_wait3A_234] : memref<16384x1024xf32, #tpu.memory_space<hbm>> -> memref<32x1024xf32, #tpu.memory_space<hbm>>
    %dma_wait3A_236 = arith.constant 0 : i32
    %dma_wait3A_237 = tpu.memref_slice %arg4[%add3A_228, %dma_wait3A_236] : memref<16384x1024xf32, #tpu.memory_space<hbm>> -> memref<32x1024xf32, #tpu.memory_space<hbm>>
    %dma_wait3A_238 = arith.constant 0 : i32
    %dma_wait3A_239 = arith.constant 0 : i32
    %dma_wait3A_240 = tpu.memref_slice %arg6[%dma_wait3A_229, %dma_wait3A_238, %dma_wait3A_239] : memref<3x32x1024xf32, #tpu.memory_space<vmem>> -> memref<1x32x1024xf32, #tpu.memory_space<vmem>>
    %dma_wait3A_241 = tpu.memref_squeeze %dma_wait3A_240 : memref<1x32x1024xf32, #tpu.memory_space<vmem>> -> memref<32x1024xf32, #tpu.memory_space<vmem>>
    tpu.wait_dma2 semaphore(%arg10 : memref<!tpu.dma_semaphore, #tpu.memory_space<semaphore_mem>>) src(%dma_wait3A_241 : memref<32x1024xf32, #tpu.memory_space<vmem>>) dst(%dma_wait3A_237 : memref<32x1024xf32, #tpu.memory_space<hbm>>)
    %dma_start3A_242 = arith.constant 0 : i32
    %dma_start3A_243 = arith.constant 0 : i32
    %dma_start3A_244 = arith.constant 0 : i32
    %dma_start3A_245 = tpu.memref_slice %arg6[%dma_start3A_242, %dma_start3A_243, %dma_start3A_244] : memref<3x32x1024xf32, #tpu.memory_space<vmem>> -> memref<1x32x1024xf32, #tpu.memory_space<vmem>>
    %dma_start3A_246 = tpu.memref_squeeze %dma_start3A_245 : memref<1x32x1024xf32, #tpu.memory_space<vmem>> -> memref<32x1024xf32, #tpu.memory_space<vmem>>
    %dma_start3A_247 = arith.constant 192 : i32
    %dma_start3A_248 = tpu.memref_slice %arg5[%dma_start3A_247] : memref<512xi32, #tpu.memory_space<vmem>> -> memref<32xi32, #tpu.memory_space<vmem>>
    %dma_start3A_249 = arith.constant 0 : i32
    %dma_start3A_250 = arith.constant 0 : i32
    %dma_start3A_251 = tpu.memref_slice %arg2[%dma_start3A_249, %dma_start3A_250] : memref<100000x1024xf32, #tpu.memory_space<hbm>> -> memref<100000x1024xf32, #tpu.memory_space<hbm>>
    tpu.enqueue_indirect_dma source(%dma_start3A_251 : memref<100000x1024xf32, #tpu.memory_space<hbm>>) target(%dma_start3A_246 : memref<32x1024xf32, #tpu.memory_space<vmem>>) offsets(%dma_start3A_248 : memref<32xi32, #tpu.memory_space<vmem>>) semaphore(%arg7 : memref<!tpu.dma_semaphore, #tpu.memory_space<semaphore_mem>>)
    %parallel_loop3A_252 = arith.constant 0 : i32
    %parallel_loop3A_253 = arith.constant 32 : i32
    %parallel_loop3A_254 = arith.constant 1 : i32
    scf.for %parallel_loop3A_848 = %parallel_loop3A_252 to %parallel_loop3A_253 step %parallel_loop3A_254  : i32 {
      %parallel_loop3A_849 = arith.constant 0 : i32
      %parallel_loop3A_850 = arith.constant 64 : i32
      %parallel_loop3A_851 = arith.constant 1 : i32
      scf.for %parallel_loop3A_852 = %parallel_loop3A_849 to %parallel_loop3A_850 step %parallel_loop3A_851  : i32 {
        %parallel_loop3A_853 = arith.constant 16 : i32
        %parallel_loop3A_854 = arith.muli %parallel_loop3A_852, %parallel_loop3A_853 : i32
        %parallel_loop3A_855 = arith.constant 1 : i32
        %parallel_loop3A_856 = arith.index_cast %parallel_loop3A_855 : i32 to index
        %parallel_loop3A_857 = arith.index_cast %parallel_loop3A_848 : i32 to index
        %parallel_loop3A_858 = arith.index_cast %parallel_loop3A_854 : i32 to index
        %parallel_loop3A_859 = tpu.vector_load %arg6[%parallel_loop3A_856, %parallel_loop3A_857, %parallel_loop3A_858] {strides = array<i32>} : memref<3x32x1024xf32, #tpu.memory_space<vmem>>, vector<1x1x16xf32>,
        %parallel_loop3A_860 = vector.shape_cast %parallel_loop3A_859 : vector<1x1x16xf32> to vector<16xf32>
        %parallel_loop3A_861 = arith.constant 3.200000e+01 : f32
        %parallel_loop3A_862 = vector.broadcast %parallel_loop3A_861 : f32 to vector<16xf32>
        %parallel_loop3A_863 = arith.mulf %parallel_loop3A_860, %parallel_loop3A_862 : vector<16xf32>
        %parallel_loop3A_864 = arith.constant 1 : i32
        %parallel_loop3A_865 = arith.index_cast %parallel_loop3A_864 : i32 to index
        %parallel_loop3A_866 = arith.index_cast %parallel_loop3A_848 : i32 to index
        %parallel_loop3A_867 = arith.index_cast %parallel_loop3A_854 : i32 to index
        %parallel_loop3A_868 = tpu.vector_load %arg6[%parallel_loop3A_865, %parallel_loop3A_866, %parallel_loop3A_867] {strides = array<i32>} : memref<3x32x1024xf32, #tpu.memory_space<vmem>>, vector<1x1x16xf32>,
        %parallel_loop3A_869 = vector.shape_cast %parallel_loop3A_868 : vector<1x1x16xf32> to vector<16xf32>
        %parallel_loop3A_870 = vector.shape_cast %parallel_loop3A_863 : vector<16xf32> to vector<1x1x16xf32>
        tpu.vector_store %arg6[%parallel_loop3A_865, %parallel_loop3A_866, %parallel_loop3A_867], %parallel_loop3A_870 {strides = array<i32>} : memref<3x32x1024xf32, #tpu.memory_space<vmem>>, vector<1x1x16xf32>,
      } {sc.loop_unroll_factor = 8 : i64, sc.parallel_access}
    } {sc.loop_unroll_factor = 1 : i64, sc.parallel_access}
    %add3A_255 = arith.constant 128 : i32
    %add3A_256 = arith.addi %mul3A_2, %add3A_255 : i32
    %dma_start3A_257 = arith.constant 1 : i32
    %dma_start3A_258 = arith.constant 0 : i32
    %dma_start3A_259 = arith.constant 0 : i32
    %dma_start3A_260 = tpu.memref_slice %arg6[%dma_start3A_257, %dma_start3A_258, %dma_start3A_259] : memref<3x32x1024xf32, #tpu.memory_space<vmem>> -> memref<1x32x1024xf32, #tpu.memory_space<vmem>>
    %dma_start3A_261 = tpu.memref_squeeze %dma_start3A_260 : memref<1x32x1024xf32, #tpu.memory_space<vmem>> -> memref<32x1024xf32, #tpu.memory_space<vmem>>
    %dma_start3A_262 = arith.constant 0 : i32
    %dma_start3A_263 = tpu.memref_slice %arg4[%add3A_256, %dma_start3A_262] : memref<16384x1024xf32, #tpu.memory_space<hbm>> -> memref<32x1024xf32, #tpu.memory_space<hbm>>
    %dma_start3A_264 = arith.constant 0 : i32
    %dma_start3A_265 = tpu.memref_slice %arg4[%add3A_256, %dma_start3A_264] : memref<16384x1024xf32, #tpu.memory_space<hbm>> -> memref<32x1024xf32, #tpu.memory_space<hbm>>
    %dma_start3A_266 = arith.constant 0 : i32
    %dma_start3A_267 = arith.constant 0 : i32
    %dma_start3A_268 = tpu.memref_slice %arg6[%dma_start3A_257, %dma_start3A_266, %dma_start3A_267] : memref<3x32x1024xf32, #tpu.memory_space<vmem>> -> memref<1x32x1024xf32, #tpu.memory_space<vmem>>
    %dma_start3A_269 = tpu.memref_squeeze %dma_start3A_268 : memref<1x32x1024xf32, #tpu.memory_space<vmem>> -> memref<32x1024xf32, #tpu.memory_space<vmem>>
    tpu.enqueue_dma source(%dma_start3A_269 : memref<32x1024xf32, #tpu.memory_space<vmem>>) target(%dma_start3A_265 : memref<32x1024xf32, #tpu.memory_space<hbm>>) target_semaphore(%arg11 : memref<!tpu.dma_semaphore, #tpu.memory_space<semaphore_mem>>)
    %dma_wait3A_270 = arith.constant 2 : i32
    %dma_wait3A_271 = arith.constant 0 : i32
    %dma_wait3A_272 = arith.constant 0 : i32
    %dma_wait3A_273 = tpu.memref_slice %arg6[%dma_wait3A_270, %dma_wait3A_271, %dma_wait3A_272] : memref<3x32x1024xf32, #tpu.memory_space<vmem>> -> memref<1x32x1024xf32, #tpu.memory_space<vmem>>
    %dma_wait3A_274 = tpu.memref_squeeze %dma_wait3A_273 : memref<1x32x1024xf32, #tpu.memory_space<vmem>> -> memref<32x1024xf32, #tpu.memory_space<vmem>>
    %dma_wait3A_275 = arith.constant 160 : i32
    %dma_wait3A_276 = tpu.memref_slice %arg5[%dma_wait3A_275] : memref<512xi32, #tpu.memory_space<vmem>> -> memref<32xi32, #tpu.memory_space<vmem>>
    %dma_wait3A_277 = arith.constant 0 : i32
    %dma_wait3A_278 = arith.constant 0 : i32
    %dma_wait3A_279 = tpu.memref_slice %arg2[%dma_wait3A_277, %dma_wait3A_278] : memref<100000x1024xf32, #tpu.memory_space<hbm>> -> memref<100000x1024xf32, #tpu.memory_space<hbm>>
    tpu.wait_indirect_dma semaphore(%arg9 : memref<!tpu.dma_semaphore, #tpu.memory_space<semaphore_mem>>) src(%dma_wait3A_279 : memref<100000x1024xf32, #tpu.memory_space<hbm>>) dst(%dma_wait3A_274 : memref<32x1024xf32, #tpu.memory_space<vmem>>)
    %add3A_280 = arith.constant 128 : i32
    %add3A_281 = arith.addi %mul3A_2, %add3A_280 : i32
    %dma_wait3A_282 = arith.constant 1 : i32
    %dma_wait3A_283 = arith.constant 0 : i32
    %dma_wait3A_284 = arith.constant 0 : i32
    %dma_wait3A_285 = tpu.memref_slice %arg6[%dma_wait3A_282, %dma_wait3A_283, %dma_wait3A_284] : memref<3x32x1024xf32, #tpu.memory_space<vmem>> -> memref<1x32x1024xf32, #tpu.memory_space<vmem>>
    %dma_wait3A_286 = tpu.memref_squeeze %dma_wait3A_285 : memref<1x32x1024xf32, #tpu.memory_space<vmem>> -> memref<32x1024xf32, #tpu.memory_space<vmem>>
    %dma_wait3A_287 = arith.constant 0 : i32
    %dma_wait3A_288 = tpu.memref_slice %arg4[%add3A_281, %dma_wait3A_287] : memref<16384x1024xf32, #tpu.memory_space<hbm>> -> memref<32x1024xf32, #tpu.memory_space<hbm>>
    %dma_wait3A_289 = arith.constant 0 : i32
    %dma_wait3A_290 = tpu.memref_slice %arg4[%add3A_281, %dma_wait3A_289] : memref<16384x1024xf32, #tpu.memory_space<hbm>> -> memref<32x1024xf32, #tpu.memory_space<hbm>>
    %dma_wait3A_291 = arith.constant 0 : i32
    %dma_wait3A_292 = arith.constant 0 : i32
    %dma_wait3A_293 = tpu.memref_slice %arg6[%dma_wait3A_282, %dma_wait3A_291, %dma_wait3A_292] : memref<3x32x1024xf32, #tpu.memory_space<vmem>> -> memref<1x32x1024xf32, #tpu.memory_space<vmem>>
    %dma_wait3A_294 = tpu.memref_squeeze %dma_wait3A_293 : memref<1x32x1024xf32, #tpu.memory_space<vmem>> -> memref<32x1024xf32, #tpu.memory_space<vmem>>
    tpu.wait_dma2 semaphore(%arg11 : memref<!tpu.dma_semaphore, #tpu.memory_space<semaphore_mem>>) src(%dma_wait3A_294 : memref<32x1024xf32, #tpu.memory_space<vmem>>) dst(%dma_wait3A_290 : memref<32x1024xf32, #tpu.memory_space<hbm>>)
    %dma_start3A_295 = arith.constant 1 : i32
    %dma_start3A_296 = arith.constant 0 : i32
    %dma_start3A_297 = arith.constant 0 : i32
    %dma_start3A_298 = tpu.memref_slice %arg6[%dma_start3A_295, %dma_start3A_296, %dma_start3A_297] : memref<3x32x1024xf32, #tpu.memory_space<vmem>> -> memref<1x32x1024xf32, #tpu.memory_space<vmem>>
    %dma_start3A_299 = tpu.memref_squeeze %dma_start3A_298 : memref<1x32x1024xf32, #tpu.memory_space<vmem>> -> memref<32x1024xf32, #tpu.memory_space<vmem>>
    %dma_start3A_300 = arith.constant 224 : i32
    %dma_start3A_301 = tpu.memref_slice %arg5[%dma_start3A_300] : memref<512xi32, #tpu.memory_space<vmem>> -> memref<32xi32, #tpu.memory_space<vmem>>
    %dma_start3A_302 = arith.constant 0 : i32
    %dma_start3A_303 = arith.constant 0 : i32
    %dma_start3A_304 = tpu.memref_slice %arg2[%dma_start3A_302, %dma_start3A_303] : memref<100000x1024xf32, #tpu.memory_space<hbm>> -> memref<100000x1024xf32, #tpu.memory_space<hbm>>
    tpu.enqueue_indirect_dma source(%dma_start3A_304 : memref<100000x1024xf32, #tpu.memory_space<hbm>>) target(%dma_start3A_299 : memref<32x1024xf32, #tpu.memory_space<vmem>>) offsets(%dma_start3A_301 : memref<32xi32, #tpu.memory_space<vmem>>) semaphore(%arg8 : memref<!tpu.dma_semaphore, #tpu.memory_space<semaphore_mem>>)
    %parallel_loop3A_305 = arith.constant 0 : i32
    %parallel_loop3A_306 = arith.constant 32 : i32
    %parallel_loop3A_307 = arith.constant 1 : i32
    scf.for %parallel_loop3A_848 = %parallel_loop3A_305 to %parallel_loop3A_306 step %parallel_loop3A_307  : i32 {
      %parallel_loop3A_849 = arith.constant 0 : i32
      %parallel_loop3A_850 = arith.constant 64 : i32
      %parallel_loop3A_851 = arith.constant 1 : i32
      scf.for %parallel_loop3A_852 = %parallel_loop3A_849 to %parallel_loop3A_850 step %parallel_loop3A_851  : i32 {
        %parallel_loop3A_853 = arith.constant 16 : i32
        %parallel_loop3A_854 = arith.muli %parallel_loop3A_852, %parallel_loop3A_853 : i32
        %parallel_loop3A_855 = arith.constant 2 : i32
        %parallel_loop3A_856 = arith.index_cast %parallel_loop3A_855 : i32 to index
        %parallel_loop3A_857 = arith.index_cast %parallel_loop3A_848 : i32 to index
        %parallel_loop3A_858 = arith.index_cast %parallel_loop3A_854 : i32 to index
        %parallel_loop3A_859 = tpu.vector_load %arg6[%parallel_loop3A_856, %parallel_loop3A_857, %parallel_loop3A_858] {strides = array<i32>} : memref<3x32x1024xf32, #tpu.memory_space<vmem>>, vector<1x1x16xf32>,
        %parallel_loop3A_860 = vector.shape_cast %parallel_loop3A_859 : vector<1x1x16xf32> to vector<16xf32>
        %parallel_loop3A_861 = arith.constant 3.200000e+01 : f32
        %parallel_loop3A_862 = vector.broadcast %parallel_loop3A_861 : f32 to vector<16xf32>
        %parallel_loop3A_863 = arith.mulf %parallel_loop3A_860, %parallel_loop3A_862 : vector<16xf32>
        %parallel_loop3A_864 = arith.constant 2 : i32
        %parallel_loop3A_865 = arith.index_cast %parallel_loop3A_864 : i32 to index
        %parallel_loop3A_866 = arith.index_cast %parallel_loop3A_848 : i32 to index
        %parallel_loop3A_867 = arith.index_cast %parallel_loop3A_854 : i32 to index
        %parallel_loop3A_868 = tpu.vector_load %arg6[%parallel_loop3A_865, %parallel_loop3A_866, %parallel_loop3A_867] {strides = array<i32>} : memref<3x32x1024xf32, #tpu.memory_space<vmem>>, vector<1x1x16xf32>,
        %parallel_loop3A_869 = vector.shape_cast %parallel_loop3A_868 : vector<1x1x16xf32> to vector<16xf32>
        %parallel_loop3A_870 = vector.shape_cast %parallel_loop3A_863 : vector<16xf32> to vector<1x1x16xf32>
        tpu.vector_store %arg6[%parallel_loop3A_865, %parallel_loop3A_866, %parallel_loop3A_867], %parallel_loop3A_870 {strides = array<i32>} : memref<3x32x1024xf32, #tpu.memory_space<vmem>>, vector<1x1x16xf32>,
      } {sc.loop_unroll_factor = 8 : i64, sc.parallel_access}
    } {sc.loop_unroll_factor = 1 : i64, sc.parallel_access}
    %add3A_308 = arith.constant 160 : i32
    %add3A_309 = arith.addi %mul3A_2, %add3A_308 : i32
    %dma_start3A_310 = arith.constant 2 : i32
    %dma_start3A_311 = arith.constant 0 : i32
    %dma_start3A_312 = arith.constant 0 : i32
    %dma_start3A_313 = tpu.memref_slice %arg6[%dma_start3A_310, %dma_start3A_311, %dma_start3A_312] : memref<3x32x1024xf32, #tpu.memory_space<vmem>> -> memref<1x32x1024xf32, #tpu.memory_space<vmem>>
    %dma_start3A_314 = tpu.memref_squeeze %dma_start3A_313 : memref<1x32x1024xf32, #tpu.memory_space<vmem>> -> memref<32x1024xf32, #tpu.memory_space<vmem>>
    %dma_start3A_315 = arith.constant 0 : i32
    %dma_start3A_316 = tpu.memref_slice %arg4[%add3A_309, %dma_start3A_315] : memref<16384x1024xf32, #tpu.memory_space<hbm>> -> memref<32x1024xf32, #tpu.memory_space<hbm>>
    %dma_start3A_317 = arith.constant 0 : i32
    %dma_start3A_318 = tpu.memref_slice %arg4[%add3A_309, %dma_start3A_317] : memref<16384x1024xf32, #tpu.memory_space<hbm>> -> memref<32x1024xf32, #tpu.memory_space<hbm>>
    %dma_start3A_319 = arith.constant 0 : i32
    %dma_start3A_320 = arith.constant 0 : i32
    %dma_start3A_321 = tpu.memref_slice %arg6[%dma_start3A_310, %dma_start3A_319, %dma_start3A_320] : memref<3x32x1024xf32, #tpu.memory_space<vmem>> -> memref<1x32x1024xf32, #tpu.memory_space<vmem>>
    %dma_start3A_322 = tpu.memref_squeeze %dma_start3A_321 : memref<1x32x1024xf32, #tpu.memory_space<vmem>> -> memref<32x1024xf32, #tpu.memory_space<vmem>>
    tpu.enqueue_dma source(%dma_start3A_322 : memref<32x1024xf32, #tpu.memory_space<vmem>>) target(%dma_start3A_318 : memref<32x1024xf32, #tpu.memory_space<hbm>>) target_semaphore(%arg12 : memref<!tpu.dma_semaphore, #tpu.memory_space<semaphore_mem>>)
    %dma_wait3A_323 = arith.constant 0 : i32
    %dma_wait3A_324 = arith.constant 0 : i32
    %dma_wait3A_325 = arith.constant 0 : i32
    %dma_wait3A_326 = tpu.memref_slice %arg6[%dma_wait3A_323, %dma_wait3A_324, %dma_wait3A_325] : memref<3x32x1024xf32, #tpu.memory_space<vmem>> -> memref<1x32x1024xf32, #tpu.memory_space<vmem>>
    %dma_wait3A_327 = tpu.memref_squeeze %dma_wait3A_326 : memref<1x32x1024xf32, #tpu.memory_space<vmem>> -> memref<32x1024xf32, #tpu.memory_space<vmem>>
    %dma_wait3A_328 = arith.constant 192 : i32
    %dma_wait3A_329 = tpu.memref_slice %arg5[%dma_wait3A_328] : memref<512xi32, #tpu.memory_space<vmem>> -> memref<32xi32, #tpu.memory_space<vmem>>
    %dma_wait3A_330 = arith.constant 0 : i32
    %dma_wait3A_331 = arith.constant 0 : i32
    %dma_wait3A_332 = tpu.memref_slice %arg2[%dma_wait3A_330, %dma_wait3A_331] : memref<100000x1024xf32, #tpu.memory_space<hbm>> -> memref<100000x1024xf32, #tpu.memory_space<hbm>>
    tpu.wait_indirect_dma semaphore(%arg7 : memref<!tpu.dma_semaphore, #tpu.memory_space<semaphore_mem>>) src(%dma_wait3A_332 : memref<100000x1024xf32, #tpu.memory_space<hbm>>) dst(%dma_wait3A_327 : memref<32x1024xf32, #tpu.memory_space<vmem>>)
    %add3A_333 = arith.constant 160 : i32
    %add3A_334 = arith.addi %mul3A_2, %add3A_333 : i32
    %dma_wait3A_335 = arith.constant 2 : i32
    %dma_wait3A_336 = arith.constant 0 : i32
    %dma_wait3A_337 = arith.constant 0 : i32
    %dma_wait3A_338 = tpu.memref_slice %arg6[%dma_wait3A_335, %dma_wait3A_336, %dma_wait3A_337] : memref<3x32x1024xf32, #tpu.memory_space<vmem>> -> memref<1x32x1024xf32, #tpu.memory_space<vmem>>
    %dma_wait3A_339 = tpu.memref_squeeze %dma_wait3A_338 : memref<1x32x1024xf32, #tpu.memory_space<vmem>> -> memref<32x1024xf32, #tpu.memory_space<vmem>>
    %dma_wait3A_340 = arith.constant 0 : i32
    %dma_wait3A_341 = tpu.memref_slice %arg4[%add3A_334, %dma_wait3A_340] : memref<16384x1024xf32, #tpu.memory_space<hbm>> -> memref<32x1024xf32, #tpu.memory_space<hbm>>
    %dma_wait3A_342 = arith.constant 0 : i32
    %dma_wait3A_343 = tpu.memref_slice %arg4[%add3A_334, %dma_wait3A_342] : memref<16384x1024xf32, #tpu.memory_space<hbm>> -> memref<32x1024xf32, #tpu.memory_space<hbm>>
    %dma_wait3A_344 = arith.constant 0 : i32
    %dma_wait3A_345 = arith.constant 0 : i32
    %dma_wait3A_346 = tpu.memref_slice %arg6[%dma_wait3A_335, %dma_wait3A_344, %dma_wait3A_345] : memref<3x32x1024xf32, #tpu.memory_space<vmem>> -> memref<1x32x1024xf32, #tpu.memory_space<vmem>>
    %dma_wait3A_347 = tpu.memref_squeeze %dma_wait3A_346 : memref<1x32x1024xf32, #tpu.memory_space<vmem>> -> memref<32x1024xf32, #tpu.memory_space<vmem>>
    tpu.wait_dma2 semaphore(%arg12 : memref<!tpu.dma_semaphore, #tpu.memory_space<semaphore_mem>>) src(%dma_wait3A_347 : memref<32x1024xf32, #tpu.memory_space<vmem>>) dst(%dma_wait3A_343 : memref<32x1024xf32, #tpu.memory_space<hbm>>)
    %dma_start3A_348 = arith.constant 2 : i32
    %dma_start3A_349 = arith.constant 0 : i32
    %dma_start3A_350 = arith.constant 0 : i32
    %dma_start3A_351 = tpu.memref_slice %arg6[%dma_start3A_348, %dma_start3A_349, %dma_start3A_350] : memref<3x32x1024xf32, #tpu.memory_space<vmem>> -> memref<1x32x1024xf32, #tpu.memory_space<vmem>>
    %dma_start3A_352 = tpu.memref_squeeze %dma_start3A_351 : memref<1x32x1024xf32, #tpu.memory_space<vmem>> -> memref<32x1024xf32, #tpu.memory_space<vmem>>
    %dma_start3A_353 = arith.constant 256 : i32
    %dma_start3A_354 = tpu.memref_slice %arg5[%dma_start3A_353] : memref<512xi32, #tpu.memory_space<vmem>> -> memref<32xi32, #tpu.memory_space<vmem>>
    %dma_start3A_355 = arith.constant 0 : i32
    %dma_start3A_356 = arith.constant 0 : i32
    %dma_start3A_357 = tpu.memref_slice %arg2[%dma_start3A_355, %dma_start3A_356] : memref<100000x1024xf32, #tpu.memory_space<hbm>> -> memref<100000x1024xf32, #tpu.memory_space<hbm>>
    tpu.enqueue_indirect_dma source(%dma_start3A_357 : memref<100000x1024xf32, #tpu.memory_space<hbm>>) target(%dma_start3A_352 : memref<32x1024xf32, #tpu.memory_space<vmem>>) offsets(%dma_start3A_354 : memref<32xi32, #tpu.memory_space<vmem>>) semaphore(%arg9 : memref<!tpu.dma_semaphore, #tpu.memory_space<semaphore_mem>>)
    %parallel_loop3A_358 = arith.constant 0 : i32
    %parallel_loop3A_359 = arith.constant 32 : i32
    %parallel_loop3A_360 = arith.constant 1 : i32
    scf.for %parallel_loop3A_848 = %parallel_loop3A_358 to %parallel_loop3A_359 step %parallel_loop3A_360  : i32 {
      %parallel_loop3A_849 = arith.constant 0 : i32
      %parallel_loop3A_850 = arith.constant 64 : i32
      %parallel_loop3A_851 = arith.constant 1 : i32
      scf.for %parallel_loop3A_852 = %parallel_loop3A_849 to %parallel_loop3A_850 step %parallel_loop3A_851  : i32 {
        %parallel_loop3A_853 = arith.constant 16 : i32
        %parallel_loop3A_854 = arith.muli %parallel_loop3A_852, %parallel_loop3A_853 : i32
        %parallel_loop3A_855 = arith.constant 0 : i32
        %parallel_loop3A_856 = arith.index_cast %parallel_loop3A_855 : i32 to index
        %parallel_loop3A_857 = arith.index_cast %parallel_loop3A_848 : i32 to index
        %parallel_loop3A_858 = arith.index_cast %parallel_loop3A_854 : i32 to index
        %parallel_loop3A_859 = tpu.vector_load %arg6[%parallel_loop3A_856, %parallel_loop3A_857, %parallel_loop3A_858] {strides = array<i32>} : memref<3x32x1024xf32, #tpu.memory_space<vmem>>, vector<1x1x16xf32>,
        %parallel_loop3A_860 = vector.shape_cast %parallel_loop3A_859 : vector<1x1x16xf32> to vector<16xf32>
        %parallel_loop3A_861 = arith.constant 3.200000e+01 : f32
        %parallel_loop3A_862 = vector.broadcast %parallel_loop3A_861 : f32 to vector<16xf32>
        %parallel_loop3A_863 = arith.mulf %parallel_loop3A_860, %parallel_loop3A_862 : vector<16xf32>
        %parallel_loop3A_864 = arith.constant 0 : i32
        %parallel_loop3A_865 = arith.index_cast %parallel_loop3A_864 : i32 to index
        %parallel_loop3A_866 = arith.index_cast %parallel_loop3A_848 : i32 to index
        %parallel_loop3A_867 = arith.index_cast %parallel_loop3A_854 : i32 to index
        %parallel_loop3A_868 = tpu.vector_load %arg6[%parallel_loop3A_865, %parallel_loop3A_866, %parallel_loop3A_867] {strides = array<i32>} : memref<3x32x1024xf32, #tpu.memory_space<vmem>>, vector<1x1x16xf32>,
        %parallel_loop3A_869 = vector.shape_cast %parallel_loop3A_868 : vector<1x1x16xf32> to vector<16xf32>
        %parallel_loop3A_870 = vector.shape_cast %parallel_loop3A_863 : vector<16xf32> to vector<1x1x16xf32>
        tpu.vector_store %arg6[%parallel_loop3A_865, %parallel_loop3A_866, %parallel_loop3A_867], %parallel_loop3A_870 {strides = array<i32>} : memref<3x32x1024xf32, #tpu.memory_space<vmem>>, vector<1x1x16xf32>,
      } {sc.loop_unroll_factor = 8 : i64, sc.parallel_access}
    } {sc.loop_unroll_factor = 1 : i64, sc.parallel_access}
    %add3A_361 = arith.constant 192 : i32
    %add3A_362 = arith.addi %mul3A_2, %add3A_361 : i32
    %dma_start3A_363 = arith.constant 0 : i32
    %dma_start3A_364 = arith.constant 0 : i32
    %dma_start3A_365 = arith.constant 0 : i32
    %dma_start3A_366 = tpu.memref_slice %arg6[%dma_start3A_363, %dma_start3A_364, %dma_start3A_365] : memref<3x32x1024xf32, #tpu.memory_space<vmem>> -> memref<1x32x1024xf32, #tpu.memory_space<vmem>>
    %dma_start3A_367 = tpu.memref_squeeze %dma_start3A_366 : memref<1x32x1024xf32, #tpu.memory_space<vmem>> -> memref<32x1024xf32, #tpu.memory_space<vmem>>
    %dma_start3A_368 = arith.constant 0 : i32
    %dma_start3A_369 = tpu.memref_slice %arg4[%add3A_362, %dma_start3A_368] : memref<16384x1024xf32, #tpu.memory_space<hbm>> -> memref<32x1024xf32, #tpu.memory_space<hbm>>
    %dma_start3A_370 = arith.constant 0 : i32
    %dma_start3A_371 = tpu.memref_slice %arg4[%add3A_362, %dma_start3A_370] : memref<16384x1024xf32, #tpu.memory_space<hbm>> -> memref<32x1024xf32, #tpu.memory_space<hbm>>
    %dma_start3A_372 = arith.constant 0 : i32
    %dma_start3A_373 = arith.constant 0 : i32
    %dma_start3A_374 = tpu.memref_slice %arg6[%dma_start3A_363, %dma_start3A_372, %dma_start3A_373] : memref<3x32x1024xf32, #tpu.memory_space<vmem>> -> memref<1x32x1024xf32, #tpu.memory_space<vmem>>
    %dma_start3A_375 = tpu.memref_squeeze %dma_start3A_374 : memref<1x32x1024xf32, #tpu.memory_space<vmem>> -> memref<32x1024xf32, #tpu.memory_space<vmem>>
    tpu.enqueue_dma source(%dma_start3A_375 : memref<32x1024xf32, #tpu.memory_space<vmem>>) target(%dma_start3A_371 : memref<32x1024xf32, #tpu.memory_space<hbm>>) target_semaphore(%arg10 : memref<!tpu.dma_semaphore, #tpu.memory_space<semaphore_mem>>)
    %dma_wait3A_376 = arith.constant 1 : i32
    %dma_wait3A_377 = arith.constant 0 : i32
    %dma_wait3A_378 = arith.constant 0 : i32
    %dma_wait3A_379 = tpu.memref_slice %arg6[%dma_wait3A_376, %dma_wait3A_377, %dma_wait3A_378] : memref<3x32x1024xf32, #tpu.memory_space<vmem>> -> memref<1x32x1024xf32, #tpu.memory_space<vmem>>
    %dma_wait3A_380 = tpu.memref_squeeze %dma_wait3A_379 : memref<1x32x1024xf32, #tpu.memory_space<vmem>> -> memref<32x1024xf32, #tpu.memory_space<vmem>>
    %dma_wait3A_381 = arith.constant 224 : i32
    %dma_wait3A_382 = tpu.memref_slice %arg5[%dma_wait3A_381] : memref<512xi32, #tpu.memory_space<vmem>> -> memref<32xi32, #tpu.memory_space<vmem>>
    %dma_wait3A_383 = arith.constant 0 : i32
    %dma_wait3A_384 = arith.constant 0 : i32
    %dma_wait3A_385 = tpu.memref_slice %arg2[%dma_wait3A_383, %dma_wait3A_384] : memref<100000x1024xf32, #tpu.memory_space<hbm>> -> memref<100000x1024xf32, #tpu.memory_space<hbm>>
    tpu.wait_indirect_dma semaphore(%arg8 : memref<!tpu.dma_semaphore, #tpu.memory_space<semaphore_mem>>) src(%dma_wait3A_385 : memref<100000x1024xf32, #tpu.memory_space<hbm>>) dst(%dma_wait3A_380 : memref<32x1024xf32, #tpu.memory_space<vmem>>)
    %add3A_386 = arith.constant 192 : i32
    %add3A_387 = arith.addi %mul3A_2, %add3A_386 : i32
    %dma_wait3A_388 = arith.constant 0 : i32
    %dma_wait3A_389 = arith.constant 0 : i32
    %dma_wait3A_390 = arith.constant 0 : i32
    %dma_wait3A_391 = tpu.memref_slice %arg6[%dma_wait3A_388, %dma_wait3A_389, %dma_wait3A_390] : memref<3x32x1024xf32, #tpu.memory_space<vmem>> -> memref<1x32x1024xf32, #tpu.memory_space<vmem>>
    %dma_wait3A_392 = tpu.memref_squeeze %dma_wait3A_391 : memref<1x32x1024xf32, #tpu.memory_space<vmem>> -> memref<32x1024xf32, #tpu.memory_space<vmem>>
    %dma_wait3A_393 = arith.constant 0 : i32
    %dma_wait3A_394 = tpu.memref_slice %arg4[%add3A_387, %dma_wait3A_393] : memref<16384x1024xf32, #tpu.memory_space<hbm>> -> memref<32x1024xf32, #tpu.memory_space<hbm>>
    %dma_wait3A_395 = arith.constant 0 : i32
    %dma_wait3A_396 = tpu.memref_slice %arg4[%add3A_387, %dma_wait3A_395] : memref<16384x1024xf32, #tpu.memory_space<hbm>> -> memref<32x1024xf32, #tpu.memory_space<hbm>>
    %dma_wait3A_397 = arith.constant 0 : i32
    %dma_wait3A_398 = arith.constant 0 : i32
    %dma_wait3A_399 = tpu.memref_slice %arg6[%dma_wait3A_388, %dma_wait3A_397, %dma_wait3A_398] : memref<3x32x1024xf32, #tpu.memory_space<vmem>> -> memref<1x32x1024xf32, #tpu.memory_space<vmem>>
    %dma_wait3A_400 = tpu.memref_squeeze %dma_wait3A_399 : memref<1x32x1024xf32, #tpu.memory_space<vmem>> -> memref<32x1024xf32, #tpu.memory_space<vmem>>
    tpu.wait_dma2 semaphore(%arg10 : memref<!tpu.dma_semaphore, #tpu.memory_space<semaphore_mem>>) src(%dma_wait3A_400 : memref<32x1024xf32, #tpu.memory_space<vmem>>) dst(%dma_wait3A_396 : memref<32x1024xf32, #tpu.memory_space<hbm>>)
    %dma_start3A_401 = arith.constant 0 : i32
    %dma_start3A_402 = arith.constant 0 : i32
    %dma_start3A_403 = arith.constant 0 : i32
    %dma_start3A_404 = tpu.memref_slice %arg6[%dma_start3A_401, %dma_start3A_402, %dma_start3A_403] : memref<3x32x1024xf32, #tpu.memory_space<vmem>> -> memref<1x32x1024xf32, #tpu.memory_space<vmem>>
    %dma_start3A_405 = tpu.memref_squeeze %dma_start3A_404 : memref<1x32x1024xf32, #tpu.memory_space<vmem>> -> memref<32x1024xf32, #tpu.memory_space<vmem>>
    %dma_start3A_406 = arith.constant 288 : i32
    %dma_start3A_407 = tpu.memref_slice %arg5[%dma_start3A_406] : memref<512xi32, #tpu.memory_space<vmem>> -> memref<32xi32, #tpu.memory_space<vmem>>
    %dma_start3A_408 = arith.constant 0 : i32
    %dma_start3A_409 = arith.constant 0 : i32
    %dma_start3A_410 = tpu.memref_slice %arg2[%dma_start3A_408, %dma_start3A_409] : memref<100000x1024xf32, #tpu.memory_space<hbm>> -> memref<100000x1024xf32, #tpu.memory_space<hbm>>
    tpu.enqueue_indirect_dma source(%dma_start3A_410 : memref<100000x1024xf32, #tpu.memory_space<hbm>>) target(%dma_start3A_405 : memref<32x1024xf32, #tpu.memory_space<vmem>>) offsets(%dma_start3A_407 : memref<32xi32, #tpu.memory_space<vmem>>) semaphore(%arg7 : memref<!tpu.dma_semaphore, #tpu.memory_space<semaphore_mem>>)
    %parallel_loop3A_411 = arith.constant 0 : i32
    %parallel_loop3A_412 = arith.constant 32 : i32
    %parallel_loop3A_413 = arith.constant 1 : i32
    scf.for %parallel_loop3A_848 = %parallel_loop3A_411 to %parallel_loop3A_412 step %parallel_loop3A_413  : i32 {
      %parallel_loop3A_849 = arith.constant 0 : i32
      %parallel_loop3A_850 = arith.constant 64 : i32
      %parallel_loop3A_851 = arith.constant 1 : i32
      scf.for %parallel_loop3A_852 = %parallel_loop3A_849 to %parallel_loop3A_850 step %parallel_loop3A_851  : i32 {
        %parallel_loop3A_853 = arith.constant 16 : i32
        %parallel_loop3A_854 = arith.muli %parallel_loop3A_852, %parallel_loop3A_853 : i32
        %parallel_loop3A_855 = arith.constant 1 : i32
        %parallel_loop3A_856 = arith.index_cast %parallel_loop3A_855 : i32 to index
        %parallel_loop3A_857 = arith.index_cast %parallel_loop3A_848 : i32 to index
        %parallel_loop3A_858 = arith.index_cast %parallel_loop3A_854 : i32 to index
        %parallel_loop3A_859 = tpu.vector_load %arg6[%parallel_loop3A_856, %parallel_loop3A_857, %parallel_loop3A_858] {strides = array<i32>} : memref<3x32x1024xf32, #tpu.memory_space<vmem>>, vector<1x1x16xf32>,
        %parallel_loop3A_860 = vector.shape_cast %parallel_loop3A_859 : vector<1x1x16xf32> to vector<16xf32>
        %parallel_loop3A_861 = arith.constant 3.200000e+01 : f32
        %parallel_loop3A_862 = vector.broadcast %parallel_loop3A_861 : f32 to vector<16xf32>
        %parallel_loop3A_863 = arith.mulf %parallel_loop3A_860, %parallel_loop3A_862 : vector<16xf32>
        %parallel_loop3A_864 = arith.constant 1 : i32
        %parallel_loop3A_865 = arith.index_cast %parallel_loop3A_864 : i32 to index
        %parallel_loop3A_866 = arith.index_cast %parallel_loop3A_848 : i32 to index
        %parallel_loop3A_867 = arith.index_cast %parallel_loop3A_854 : i32 to index
        %parallel_loop3A_868 = tpu.vector_load %arg6[%parallel_loop3A_865, %parallel_loop3A_866, %parallel_loop3A_867] {strides = array<i32>} : memref<3x32x1024xf32, #tpu.memory_space<vmem>>, vector<1x1x16xf32>,
        %parallel_loop3A_869 = vector.shape_cast %parallel_loop3A_868 : vector<1x1x16xf32> to vector<16xf32>
        %parallel_loop3A_870 = vector.shape_cast %parallel_loop3A_863 : vector<16xf32> to vector<1x1x16xf32>
        tpu.vector_store %arg6[%parallel_loop3A_865, %parallel_loop3A_866, %parallel_loop3A_867], %parallel_loop3A_870 {strides = array<i32>} : memref<3x32x1024xf32, #tpu.memory_space<vmem>>, vector<1x1x16xf32>,
      } {sc.loop_unroll_factor = 8 : i64, sc.parallel_access}
    } {sc.loop_unroll_factor = 1 : i64, sc.parallel_access}
    %add3A_414 = arith.constant 224 : i32
    %add3A_415 = arith.addi %mul3A_2, %add3A_414 : i32
    %dma_start3A_416 = arith.constant 1 : i32
    %dma_start3A_417 = arith.constant 0 : i32
    %dma_start3A_418 = arith.constant 0 : i32
    %dma_start3A_419 = tpu.memref_slice %arg6[%dma_start3A_416, %dma_start3A_417, %dma_start3A_418] : memref<3x32x1024xf32, #tpu.memory_space<vmem>> -> memref<1x32x1024xf32, #tpu.memory_space<vmem>>
    %dma_start3A_420 = tpu.memref_squeeze %dma_start3A_419 : memref<1x32x1024xf32, #tpu.memory_space<vmem>> -> memref<32x1024xf32, #tpu.memory_space<vmem>>
    %dma_start3A_421 = arith.constant 0 : i32
    %dma_start3A_422 = tpu.memref_slice %arg4[%add3A_415, %dma_start3A_421] : memref<16384x1024xf32, #tpu.memory_space<hbm>> -> memref<32x1024xf32, #tpu.memory_space<hbm>>
    %dma_start3A_423 = arith.constant 0 : i32
    %dma_start3A_424 = tpu.memref_slice %arg4[%add3A_415, %dma_start3A_423] : memref<16384x1024xf32, #tpu.memory_space<hbm>> -> memref<32x1024xf32, #tpu.memory_space<hbm>>
    %dma_start3A_425 = arith.constant 0 : i32
    %dma_start3A_426 = arith.constant 0 : i32
    %dma_start3A_427 = tpu.memref_slice %arg6[%dma_start3A_416, %dma_start3A_425, %dma_start3A_426] : memref<3x32x1024xf32, #tpu.memory_space<vmem>> -> memref<1x32x1024xf32, #tpu.memory_space<vmem>>
    %dma_start3A_428 = tpu.memref_squeeze %dma_start3A_427 : memref<1x32x1024xf32, #tpu.memory_space<vmem>> -> memref<32x1024xf32, #tpu.memory_space<vmem>>
    tpu.enqueue_dma source(%dma_start3A_428 : memref<32x1024xf32, #tpu.memory_space<vmem>>) target(%dma_start3A_424 : memref<32x1024xf32, #tpu.memory_space<hbm>>) target_semaphore(%arg11 : memref<!tpu.dma_semaphore, #tpu.memory_space<semaphore_mem>>)
    %dma_wait3A_429 = arith.constant 2 : i32
    %dma_wait3A_430 = arith.constant 0 : i32
    %dma_wait3A_431 = arith.constant 0 : i32
    %dma_wait3A_432 = tpu.memref_slice %arg6[%dma_wait3A_429, %dma_wait3A_430, %dma_wait3A_431] : memref<3x32x1024xf32, #tpu.memory_space<vmem>> -> memref<1x32x1024xf32, #tpu.memory_space<vmem>>
    %dma_wait3A_433 = tpu.memref_squeeze %dma_wait3A_432 : memref<1x32x1024xf32, #tpu.memory_space<vmem>> -> memref<32x1024xf32, #tpu.memory_space<vmem>>
    %dma_wait3A_434 = arith.constant 256 : i32
    %dma_wait3A_435 = tpu.memref_slice %arg5[%dma_wait3A_434] : memref<512xi32, #tpu.memory_space<vmem>> -> memref<32xi32, #tpu.memory_space<vmem>>
    %dma_wait3A_436 = arith.constant 0 : i32
    %dma_wait3A_437 = arith.constant 0 : i32
    %dma_wait3A_438 = tpu.memref_slice %arg2[%dma_wait3A_436, %dma_wait3A_437] : memref<100000x1024xf32, #tpu.memory_space<hbm>> -> memref<100000x1024xf32, #tpu.memory_space<hbm>>
    tpu.wait_indirect_dma semaphore(%arg9 : memref<!tpu.dma_semaphore, #tpu.memory_space<semaphore_mem>>) src(%dma_wait3A_438 : memref<100000x1024xf32, #tpu.memory_space<hbm>>) dst(%dma_wait3A_433 : memref<32x1024xf32, #tpu.memory_space<vmem>>)
    %add3A_439 = arith.constant 224 : i32
    %add3A_440 = arith.addi %mul3A_2, %add3A_439 : i32
    %dma_wait3A_441 = arith.constant 1 : i32
    %dma_wait3A_442 = arith.constant 0 : i32
    %dma_wait3A_443 = arith.constant 0 : i32
    %dma_wait3A_444 = tpu.memref_slice %arg6[%dma_wait3A_441, %dma_wait3A_442, %dma_wait3A_443] : memref<3x32x1024xf32, #tpu.memory_space<vmem>> -> memref<1x32x1024xf32, #tpu.memory_space<vmem>>
    %dma_wait3A_445 = tpu.memref_squeeze %dma_wait3A_444 : memref<1x32x1024xf32, #tpu.memory_space<vmem>> -> memref<32x1024xf32, #tpu.memory_space<vmem>>
    %dma_wait3A_446 = arith.constant 0 : i32
    %dma_wait3A_447 = tpu.memref_slice %arg4[%add3A_440, %dma_wait3A_446] : memref<16384x1024xf32, #tpu.memory_space<hbm>> -> memref<32x1024xf32, #tpu.memory_space<hbm>>
    %dma_wait3A_448 = arith.constant 0 : i32
    %dma_wait3A_449 = tpu.memref_slice %arg4[%add3A_440, %dma_wait3A_448] : memref<16384x1024xf32, #tpu.memory_space<hbm>> -> memref<32x1024xf32, #tpu.memory_space<hbm>>
    %dma_wait3A_450 = arith.constant 0 : i32
    %dma_wait3A_451 = arith.constant 0 : i32
    %dma_wait3A_452 = tpu.memref_slice %arg6[%dma_wait3A_441, %dma_wait3A_450, %dma_wait3A_451] : memref<3x32x1024xf32, #tpu.memory_space<vmem>> -> memref<1x32x1024xf32, #tpu.memory_space<vmem>>
    %dma_wait3A_453 = tpu.memref_squeeze %dma_wait3A_452 : memref<1x32x1024xf32, #tpu.memory_space<vmem>> -> memref<32x1024xf32, #tpu.memory_space<vmem>>
    tpu.wait_dma2 semaphore(%arg11 : memref<!tpu.dma_semaphore, #tpu.memory_space<semaphore_mem>>) src(%dma_wait3A_453 : memref<32x1024xf32, #tpu.memory_space<vmem>>) dst(%dma_wait3A_449 : memref<32x1024xf32, #tpu.memory_space<hbm>>)
    %dma_start3A_454 = arith.constant 1 : i32
    %dma_start3A_455 = arith.constant 0 : i32
    %dma_start3A_456 = arith.constant 0 : i32
    %dma_start3A_457 = tpu.memref_slice %arg6[%dma_start3A_454, %dma_start3A_455, %dma_start3A_456] : memref<3x32x1024xf32, #tpu.memory_space<vmem>> -> memref<1x32x1024xf32, #tpu.memory_space<vmem>>
    %dma_start3A_458 = tpu.memref_squeeze %dma_start3A_457 : memref<1x32x1024xf32, #tpu.memory_space<vmem>> -> memref<32x1024xf32, #tpu.memory_space<vmem>>
    %dma_start3A_459 = arith.constant 320 : i32
    %dma_start3A_460 = tpu.memref_slice %arg5[%dma_start3A_459] : memref<512xi32, #tpu.memory_space<vmem>> -> memref<32xi32, #tpu.memory_space<vmem>>
    %dma_start3A_461 = arith.constant 0 : i32
    %dma_start3A_462 = arith.constant 0 : i32
    %dma_start3A_463 = tpu.memref_slice %arg2[%dma_start3A_461, %dma_start3A_462] : memref<100000x1024xf32, #tpu.memory_space<hbm>> -> memref<100000x1024xf32, #tpu.memory_space<hbm>>
    tpu.enqueue_indirect_dma source(%dma_start3A_463 : memref<100000x1024xf32, #tpu.memory_space<hbm>>) target(%dma_start3A_458 : memref<32x1024xf32, #tpu.memory_space<vmem>>) offsets(%dma_start3A_460 : memref<32xi32, #tpu.memory_space<vmem>>) semaphore(%arg8 : memref<!tpu.dma_semaphore, #tpu.memory_space<semaphore_mem>>)
    %parallel_loop3A_464 = arith.constant 0 : i32
    %parallel_loop3A_465 = arith.constant 32 : i32
    %parallel_loop3A_466 = arith.constant 1 : i32
    scf.for %parallel_loop3A_848 = %parallel_loop3A_464 to %parallel_loop3A_465 step %parallel_loop3A_466  : i32 {
      %parallel_loop3A_849 = arith.constant 0 : i32
      %parallel_loop3A_850 = arith.constant 64 : i32
      %parallel_loop3A_851 = arith.constant 1 : i32
      scf.for %parallel_loop3A_852 = %parallel_loop3A_849 to %parallel_loop3A_850 step %parallel_loop3A_851  : i32 {
        %parallel_loop3A_853 = arith.constant 16 : i32
        %parallel_loop3A_854 = arith.muli %parallel_loop3A_852, %parallel_loop3A_853 : i32
        %parallel_loop3A_855 = arith.constant 2 : i32
        %parallel_loop3A_856 = arith.index_cast %parallel_loop3A_855 : i32 to index
        %parallel_loop3A_857 = arith.index_cast %parallel_loop3A_848 : i32 to index
        %parallel_loop3A_858 = arith.index_cast %parallel_loop3A_854 : i32 to index
        %parallel_loop3A_859 = tpu.vector_load %arg6[%parallel_loop3A_856, %parallel_loop3A_857, %parallel_loop3A_858] {strides = array<i32>} : memref<3x32x1024xf32, #tpu.memory_space<vmem>>, vector<1x1x16xf32>,
        %parallel_loop3A_860 = vector.shape_cast %parallel_loop3A_859 : vector<1x1x16xf32> to vector<16xf32>
        %parallel_loop3A_861 = arith.constant 3.200000e+01 : f32
        %parallel_loop3A_862 = vector.broadcast %parallel_loop3A_861 : f32 to vector<16xf32>
        %parallel_loop3A_863 = arith.mulf %parallel_loop3A_860, %parallel_loop3A_862 : vector<16xf32>
        %parallel_loop3A_864 = arith.constant 2 : i32
        %parallel_loop3A_865 = arith.index_cast %parallel_loop3A_864 : i32 to index
        %parallel_loop3A_866 = arith.index_cast %parallel_loop3A_848 : i32 to index
        %parallel_loop3A_867 = arith.index_cast %parallel_loop3A_854 : i32 to index
        %parallel_loop3A_868 = tpu.vector_load %arg6[%parallel_loop3A_865, %parallel_loop3A_866, %parallel_loop3A_867] {strides = array<i32>} : memref<3x32x1024xf32, #tpu.memory_space<vmem>>, vector<1x1x16xf32>,
        %parallel_loop3A_869 = vector.shape_cast %parallel_loop3A_868 : vector<1x1x16xf32> to vector<16xf32>
        %parallel_loop3A_870 = vector.shape_cast %parallel_loop3A_863 : vector<16xf32> to vector<1x1x16xf32>
        tpu.vector_store %arg6[%parallel_loop3A_865, %parallel_loop3A_866, %parallel_loop3A_867], %parallel_loop3A_870 {strides = array<i32>} : memref<3x32x1024xf32, #tpu.memory_space<vmem>>, vector<1x1x16xf32>,
      } {sc.loop_unroll_factor = 8 : i64, sc.parallel_access}
    } {sc.loop_unroll_factor = 1 : i64, sc.parallel_access}
    %add3A_467 = arith.constant 256 : i32
    %add3A_468 = arith.addi %mul3A_2, %add3A_467 : i32
    %dma_start3A_469 = arith.constant 2 : i32
    %dma_start3A_470 = arith.constant 0 : i32
    %dma_start3A_471 = arith.constant 0 : i32
    %dma_start3A_472 = tpu.memref_slice %arg6[%dma_start3A_469, %dma_start3A_470, %dma_start3A_471] : memref<3x32x1024xf32, #tpu.memory_space<vmem>> -> memref<1x32x1024xf32, #tpu.memory_space<vmem>>
    %dma_start3A_473 = tpu.memref_squeeze %dma_start3A_472 : memref<1x32x1024xf32, #tpu.memory_space<vmem>> -> memref<32x1024xf32, #tpu.memory_space<vmem>>
    %dma_start3A_474 = arith.constant 0 : i32
    %dma_start3A_475 = tpu.memref_slice %arg4[%add3A_468, %dma_start3A_474] : memref<16384x1024xf32, #tpu.memory_space<hbm>> -> memref<32x1024xf32, #tpu.memory_space<hbm>>
    %dma_start3A_476 = arith.constant 0 : i32
    %dma_start3A_477 = tpu.memref_slice %arg4[%add3A_468, %dma_start3A_476] : memref<16384x1024xf32, #tpu.memory_space<hbm>> -> memref<32x1024xf32, #tpu.memory_space<hbm>>
    %dma_start3A_478 = arith.constant 0 : i32
    %dma_start3A_479 = arith.constant 0 : i32
    %dma_start3A_480 = tpu.memref_slice %arg6[%dma_start3A_469, %dma_start3A_478, %dma_start3A_479] : memref<3x32x1024xf32, #tpu.memory_space<vmem>> -> memref<1x32x1024xf32, #tpu.memory_space<vmem>>
    %dma_start3A_481 = tpu.memref_squeeze %dma_start3A_480 : memref<1x32x1024xf32, #tpu.memory_space<vmem>> -> memref<32x1024xf32, #tpu.memory_space<vmem>>
    tpu.enqueue_dma source(%dma_start3A_481 : memref<32x1024xf32, #tpu.memory_space<vmem>>) target(%dma_start3A_477 : memref<32x1024xf32, #tpu.memory_space<hbm>>) target_semaphore(%arg12 : memref<!tpu.dma_semaphore, #tpu.memory_space<semaphore_mem>>)
    %dma_wait3A_482 = arith.constant 0 : i32
    %dma_wait3A_483 = arith.constant 0 : i32
    %dma_wait3A_484 = arith.constant 0 : i32
    %dma_wait3A_485 = tpu.memref_slice %arg6[%dma_wait3A_482, %dma_wait3A_483, %dma_wait3A_484] : memref<3x32x1024xf32, #tpu.memory_space<vmem>> -> memref<1x32x1024xf32, #tpu.memory_space<vmem>>
    %dma_wait3A_486 = tpu.memref_squeeze %dma_wait3A_485 : memref<1x32x1024xf32, #tpu.memory_space<vmem>> -> memref<32x1024xf32, #tpu.memory_space<vmem>>
    %dma_wait3A_487 = arith.constant 288 : i32
    %dma_wait3A_488 = tpu.memref_slice %arg5[%dma_wait3A_487] : memref<512xi32, #tpu.memory_space<vmem>> -> memref<32xi32, #tpu.memory_space<vmem>>
    %dma_wait3A_489 = arith.constant 0 : i32
    %dma_wait3A_490 = arith.constant 0 : i32
    %dma_wait3A_491 = tpu.memref_slice %arg2[%dma_wait3A_489, %dma_wait3A_490] : memref<100000x1024xf32, #tpu.memory_space<hbm>> -> memref<100000x1024xf32, #tpu.memory_space<hbm>>
    tpu.wait_indirect_dma semaphore(%arg7 : memref<!tpu.dma_semaphore, #tpu.memory_space<semaphore_mem>>) src(%dma_wait3A_491 : memref<100000x1024xf32, #tpu.memory_space<hbm>>) dst(%dma_wait3A_486 : memref<32x1024xf32, #tpu.memory_space<vmem>>)
    %add3A_492 = arith.constant 256 : i32
    %add3A_493 = arith.addi %mul3A_2, %add3A_492 : i32
    %dma_wait3A_494 = arith.constant 2 : i32
    %dma_wait3A_495 = arith.constant 0 : i32
    %dma_wait3A_496 = arith.constant 0 : i32
    %dma_wait3A_497 = tpu.memref_slice %arg6[%dma_wait3A_494, %dma_wait3A_495, %dma_wait3A_496] : memref<3x32x1024xf32, #tpu.memory_space<vmem>> -> memref<1x32x1024xf32, #tpu.memory_space<vmem>>
    %dma_wait3A_498 = tpu.memref_squeeze %dma_wait3A_497 : memref<1x32x1024xf32, #tpu.memory_space<vmem>> -> memref<32x1024xf32, #tpu.memory_space<vmem>>
    %dma_wait3A_499 = arith.constant 0 : i32
    %dma_wait3A_500 = tpu.memref_slice %arg4[%add3A_493, %dma_wait3A_499] : memref<16384x1024xf32, #tpu.memory_space<hbm>> -> memref<32x1024xf32, #tpu.memory_space<hbm>>
    %dma_wait3A_501 = arith.constant 0 : i32
    %dma_wait3A_502 = tpu.memref_slice %arg4[%add3A_493, %dma_wait3A_501] : memref<16384x1024xf32, #tpu.memory_space<hbm>> -> memref<32x1024xf32, #tpu.memory_space<hbm>>
    %dma_wait3A_503 = arith.constant 0 : i32
    %dma_wait3A_504 = arith.constant 0 : i32
    %dma_wait3A_505 = tpu.memref_slice %arg6[%dma_wait3A_494, %dma_wait3A_503, %dma_wait3A_504] : memref<3x32x1024xf32, #tpu.memory_space<vmem>> -> memref<1x32x1024xf32, #tpu.memory_space<vmem>>
    %dma_wait3A_506 = tpu.memref_squeeze %dma_wait3A_505 : memref<1x32x1024xf32, #tpu.memory_space<vmem>> -> memref<32x1024xf32, #tpu.memory_space<vmem>>
    tpu.wait_dma2 semaphore(%arg12 : memref<!tpu.dma_semaphore, #tpu.memory_space<semaphore_mem>>) src(%dma_wait3A_506 : memref<32x1024xf32, #tpu.memory_space<vmem>>) dst(%dma_wait3A_502 : memref<32x1024xf32, #tpu.memory_space<hbm>>)
    %dma_start3A_507 = arith.constant 2 : i32
    %dma_start3A_508 = arith.constant 0 : i32
    %dma_start3A_509 = arith.constant 0 : i32
    %dma_start3A_510 = tpu.memref_slice %arg6[%dma_start3A_507, %dma_start3A_508, %dma_start3A_509] : memref<3x32x1024xf32, #tpu.memory_space<vmem>> -> memref<1x32x1024xf32, #tpu.memory_space<vmem>>
    %dma_start3A_511 = tpu.memref_squeeze %dma_start3A_510 : memref<1x32x1024xf32, #tpu.memory_space<vmem>> -> memref<32x1024xf32, #tpu.memory_space<vmem>>
    %dma_start3A_512 = arith.constant 352 : i32
    %dma_start3A_513 = tpu.memref_slice %arg5[%dma_start3A_512] : memref<512xi32, #tpu.memory_space<vmem>> -> memref<32xi32, #tpu.memory_space<vmem>>
    %dma_start3A_514 = arith.constant 0 : i32
    %dma_start3A_515 = arith.constant 0 : i32
    %dma_start3A_516 = tpu.memref_slice %arg2[%dma_start3A_514, %dma_start3A_515] : memref<100000x1024xf32, #tpu.memory_space<hbm>> -> memref<100000x1024xf32, #tpu.memory_space<hbm>>
    tpu.enqueue_indirect_dma source(%dma_start3A_516 : memref<100000x1024xf32, #tpu.memory_space<hbm>>) target(%dma_start3A_511 : memref<32x1024xf32, #tpu.memory_space<vmem>>) offsets(%dma_start3A_513 : memref<32xi32, #tpu.memory_space<vmem>>) semaphore(%arg9 : memref<!tpu.dma_semaphore, #tpu.memory_space<semaphore_mem>>)
    %parallel_loop3A_517 = arith.constant 0 : i32
    %parallel_loop3A_518 = arith.constant 32 : i32
    %parallel_loop3A_519 = arith.constant 1 : i32
    scf.for %parallel_loop3A_848 = %parallel_loop3A_517 to %parallel_loop3A_518 step %parallel_loop3A_519  : i32 {
      %parallel_loop3A_849 = arith.constant 0 : i32
      %parallel_loop3A_850 = arith.constant 64 : i32
      %parallel_loop3A_851 = arith.constant 1 : i32
      scf.for %parallel_loop3A_852 = %parallel_loop3A_849 to %parallel_loop3A_850 step %parallel_loop3A_851  : i32 {
        %parallel_loop3A_853 = arith.constant 16 : i32
        %parallel_loop3A_854 = arith.muli %parallel_loop3A_852, %parallel_loop3A_853 : i32
        %parallel_loop3A_855 = arith.constant 0 : i32
        %parallel_loop3A_856 = arith.index_cast %parallel_loop3A_855 : i32 to index
        %parallel_loop3A_857 = arith.index_cast %parallel_loop3A_848 : i32 to index
        %parallel_loop3A_858 = arith.index_cast %parallel_loop3A_854 : i32 to index
        %parallel_loop3A_859 = tpu.vector_load %arg6[%parallel_loop3A_856, %parallel_loop3A_857, %parallel_loop3A_858] {strides = array<i32>} : memref<3x32x1024xf32, #tpu.memory_space<vmem>>, vector<1x1x16xf32>,
        %parallel_loop3A_860 = vector.shape_cast %parallel_loop3A_859 : vector<1x1x16xf32> to vector<16xf32>
        %parallel_loop3A_861 = arith.constant 3.200000e+01 : f32
        %parallel_loop3A_862 = vector.broadcast %parallel_loop3A_861 : f32 to vector<16xf32>
        %parallel_loop3A_863 = arith.mulf %parallel_loop3A_860, %parallel_loop3A_862 : vector<16xf32>
        %parallel_loop3A_864 = arith.constant 0 : i32
        %parallel_loop3A_865 = arith.index_cast %parallel_loop3A_864 : i32 to index
        %parallel_loop3A_866 = arith.index_cast %parallel_loop3A_848 : i32 to index
        %parallel_loop3A_867 = arith.index_cast %parallel_loop3A_854 : i32 to index
        %parallel_loop3A_868 = tpu.vector_load %arg6[%parallel_loop3A_865, %parallel_loop3A_866, %parallel_loop3A_867] {strides = array<i32>} : memref<3x32x1024xf32, #tpu.memory_space<vmem>>, vector<1x1x16xf32>,
        %parallel_loop3A_869 = vector.shape_cast %parallel_loop3A_868 : vector<1x1x16xf32> to vector<16xf32>
        %parallel_loop3A_870 = vector.shape_cast %parallel_loop3A_863 : vector<16xf32> to vector<1x1x16xf32>
        tpu.vector_store %arg6[%parallel_loop3A_865, %parallel_loop3A_866, %parallel_loop3A_867], %parallel_loop3A_870 {strides = array<i32>} : memref<3x32x1024xf32, #tpu.memory_space<vmem>>, vector<1x1x16xf32>,
      } {sc.loop_unroll_factor = 8 : i64, sc.parallel_access}
    } {sc.loop_unroll_factor = 1 : i64, sc.parallel_access}
    %add3A_520 = arith.constant 288 : i32
    %add3A_521 = arith.addi %mul3A_2, %add3A_520 : i32
    %dma_start3A_522 = arith.constant 0 : i32
    %dma_start3A_523 = arith.constant 0 : i32
    %dma_start3A_524 = arith.constant 0 : i32
    %dma_start3A_525 = tpu.memref_slice %arg6[%dma_start3A_522, %dma_start3A_523, %dma_start3A_524] : memref<3x32x1024xf32, #tpu.memory_space<vmem>> -> memref<1x32x1024xf32, #tpu.memory_space<vmem>>
    %dma_start3A_526 = tpu.memref_squeeze %dma_start3A_525 : memref<1x32x1024xf32, #tpu.memory_space<vmem>> -> memref<32x1024xf32, #tpu.memory_space<vmem>>
    %dma_start3A_527 = arith.constant 0 : i32
    %dma_start3A_528 = tpu.memref_slice %arg4[%add3A_521, %dma_start3A_527] : memref<16384x1024xf32, #tpu.memory_space<hbm>> -> memref<32x1024xf32, #tpu.memory_space<hbm>>
    %dma_start3A_529 = arith.constant 0 : i32
    %dma_start3A_530 = tpu.memref_slice %arg4[%add3A_521, %dma_start3A_529] : memref<16384x1024xf32, #tpu.memory_space<hbm>> -> memref<32x1024xf32, #tpu.memory_space<hbm>>
    %dma_start3A_531 = arith.constant 0 : i32
    %dma_start3A_532 = arith.constant 0 : i32
    %dma_start3A_533 = tpu.memref_slice %arg6[%dma_start3A_522, %dma_start3A_531, %dma_start3A_532] : memref<3x32x1024xf32, #tpu.memory_space<vmem>> -> memref<1x32x1024xf32, #tpu.memory_space<vmem>>
    %dma_start3A_534 = tpu.memref_squeeze %dma_start3A_533 : memref<1x32x1024xf32, #tpu.memory_space<vmem>> -> memref<32x1024xf32, #tpu.memory_space<vmem>>
    tpu.enqueue_dma source(%dma_start3A_534 : memref<32x1024xf32, #tpu.memory_space<vmem>>) target(%dma_start3A_530 : memref<32x1024xf32, #tpu.memory_space<hbm>>) target_semaphore(%arg10 : memref<!tpu.dma_semaphore, #tpu.memory_space<semaphore_mem>>)
    %dma_wait3A_535 = arith.constant 1 : i32
    %dma_wait3A_536 = arith.constant 0 : i32
    %dma_wait3A_537 = arith.constant 0 : i32
    %dma_wait3A_538 = tpu.memref_slice %arg6[%dma_wait3A_535, %dma_wait3A_536, %dma_wait3A_537] : memref<3x32x1024xf32, #tpu.memory_space<vmem>> -> memref<1x32x1024xf32, #tpu.memory_space<vmem>>
    %dma_wait3A_539 = tpu.memref_squeeze %dma_wait3A_538 : memref<1x32x1024xf32, #tpu.memory_space<vmem>> -> memref<32x1024xf32, #tpu.memory_space<vmem>>
    %dma_wait3A_540 = arith.constant 320 : i32
    %dma_wait3A_541 = tpu.memref_slice %arg5[%dma_wait3A_540] : memref<512xi32, #tpu.memory_space<vmem>> -> memref<32xi32, #tpu.memory_space<vmem>>
    %dma_wait3A_542 = arith.constant 0 : i32
    %dma_wait3A_543 = arith.constant 0 : i32
    %dma_wait3A_544 = tpu.memref_slice %arg2[%dma_wait3A_542, %dma_wait3A_543] : memref<100000x1024xf32, #tpu.memory_space<hbm>> -> memref<100000x1024xf32, #tpu.memory_space<hbm>>
    tpu.wait_indirect_dma semaphore(%arg8 : memref<!tpu.dma_semaphore, #tpu.memory_space<semaphore_mem>>) src(%dma_wait3A_544 : memref<100000x1024xf32, #tpu.memory_space<hbm>>) dst(%dma_wait3A_539 : memref<32x1024xf32, #tpu.memory_space<vmem>>)
    %add3A_545 = arith.constant 288 : i32
    %add3A_546 = arith.addi %mul3A_2, %add3A_545 : i32
    %dma_wait3A_547 = arith.constant 0 : i32
    %dma_wait3A_548 = arith.constant 0 : i32
    %dma_wait3A_549 = arith.constant 0 : i32
    %dma_wait3A_550 = tpu.memref_slice %arg6[%dma_wait3A_547, %dma_wait3A_548, %dma_wait3A_549] : memref<3x32x1024xf32, #tpu.memory_space<vmem>> -> memref<1x32x1024xf32, #tpu.memory_space<vmem>>
    %dma_wait3A_551 = tpu.memref_squeeze %dma_wait3A_550 : memref<1x32x1024xf32, #tpu.memory_space<vmem>> -> memref<32x1024xf32, #tpu.memory_space<vmem>>
    %dma_wait3A_552 = arith.constant 0 : i32
    %dma_wait3A_553 = tpu.memref_slice %arg4[%add3A_546, %dma_wait3A_552] : memref<16384x1024xf32, #tpu.memory_space<hbm>> -> memref<32x1024xf32, #tpu.memory_space<hbm>>
    %dma_wait3A_554 = arith.constant 0 : i32
    %dma_wait3A_555 = tpu.memref_slice %arg4[%add3A_546, %dma_wait3A_554] : memref<16384x1024xf32, #tpu.memory_space<hbm>> -> memref<32x1024xf32, #tpu.memory_space<hbm>>
    %dma_wait3A_556 = arith.constant 0 : i32
    %dma_wait3A_557 = arith.constant 0 : i32
    %dma_wait3A_558 = tpu.memref_slice %arg6[%dma_wait3A_547, %dma_wait3A_556, %dma_wait3A_557] : memref<3x32x1024xf32, #tpu.memory_space<vmem>> -> memref<1x32x1024xf32, #tpu.memory_space<vmem>>
    %dma_wait3A_559 = tpu.memref_squeeze %dma_wait3A_558 : memref<1x32x1024xf32, #tpu.memory_space<vmem>> -> memref<32x1024xf32, #tpu.memory_space<vmem>>
    tpu.wait_dma2 semaphore(%arg10 : memref<!tpu.dma_semaphore, #tpu.memory_space<semaphore_mem>>) src(%dma_wait3A_559 : memref<32x1024xf32, #tpu.memory_space<vmem>>) dst(%dma_wait3A_555 : memref<32x1024xf32, #tpu.memory_space<hbm>>)
    %dma_start3A_560 = arith.constant 0 : i32
    %dma_start3A_561 = arith.constant 0 : i32
    %dma_start3A_562 = arith.constant 0 : i32
    %dma_start3A_563 = tpu.memref_slice %arg6[%dma_start3A_560, %dma_start3A_561, %dma_start3A_562] : memref<3x32x1024xf32, #tpu.memory_space<vmem>> -> memref<1x32x1024xf32, #tpu.memory_space<vmem>>
    %dma_start3A_564 = tpu.memref_squeeze %dma_start3A_563 : memref<1x32x1024xf32, #tpu.memory_space<vmem>> -> memref<32x1024xf32, #tpu.memory_space<vmem>>
    %dma_start3A_565 = arith.constant 384 : i32
    %dma_start3A_566 = tpu.memref_slice %arg5[%dma_start3A_565] : memref<512xi32, #tpu.memory_space<vmem>> -> memref<32xi32, #tpu.memory_space<vmem>>
    %dma_start3A_567 = arith.constant 0 : i32
    %dma_start3A_568 = arith.constant 0 : i32
    %dma_start3A_569 = tpu.memref_slice %arg2[%dma_start3A_567, %dma_start3A_568] : memref<100000x1024xf32, #tpu.memory_space<hbm>> -> memref<100000x1024xf32, #tpu.memory_space<hbm>>
    tpu.enqueue_indirect_dma source(%dma_start3A_569 : memref<100000x1024xf32, #tpu.memory_space<hbm>>) target(%dma_start3A_564 : memref<32x1024xf32, #tpu.memory_space<vmem>>) offsets(%dma_start3A_566 : memref<32xi32, #tpu.memory_space<vmem>>) semaphore(%arg7 : memref<!tpu.dma_semaphore, #tpu.memory_space<semaphore_mem>>)
    %parallel_loop3A_570 = arith.constant 0 : i32
    %parallel_loop3A_571 = arith.constant 32 : i32
    %parallel_loop3A_572 = arith.constant 1 : i32
    scf.for %parallel_loop3A_848 = %parallel_loop3A_570 to %parallel_loop3A_571 step %parallel_loop3A_572  : i32 {
      %parallel_loop3A_849 = arith.constant 0 : i32
      %parallel_loop3A_850 = arith.constant 64 : i32
      %parallel_loop3A_851 = arith.constant 1 : i32
      scf.for %parallel_loop3A_852 = %parallel_loop3A_849 to %parallel_loop3A_850 step %parallel_loop3A_851  : i32 {
        %parallel_loop3A_853 = arith.constant 16 : i32
        %parallel_loop3A_854 = arith.muli %parallel_loop3A_852, %parallel_loop3A_853 : i32
        %parallel_loop3A_855 = arith.constant 1 : i32
        %parallel_loop3A_856 = arith.index_cast %parallel_loop3A_855 : i32 to index
        %parallel_loop3A_857 = arith.index_cast %parallel_loop3A_848 : i32 to index
        %parallel_loop3A_858 = arith.index_cast %parallel_loop3A_854 : i32 to index
        %parallel_loop3A_859 = tpu.vector_load %arg6[%parallel_loop3A_856, %parallel_loop3A_857, %parallel_loop3A_858] {strides = array<i32>} : memref<3x32x1024xf32, #tpu.memory_space<vmem>>, vector<1x1x16xf32>,
        %parallel_loop3A_860 = vector.shape_cast %parallel_loop3A_859 : vector<1x1x16xf32> to vector<16xf32>
        %parallel_loop3A_861 = arith.constant 3.200000e+01 : f32
        %parallel_loop3A_862 = vector.broadcast %parallel_loop3A_861 : f32 to vector<16xf32>
        %parallel_loop3A_863 = arith.mulf %parallel_loop3A_860, %parallel_loop3A_862 : vector<16xf32>
        %parallel_loop3A_864 = arith.constant 1 : i32
        %parallel_loop3A_865 = arith.index_cast %parallel_loop3A_864 : i32 to index
        %parallel_loop3A_866 = arith.index_cast %parallel_loop3A_848 : i32 to index
        %parallel_loop3A_867 = arith.index_cast %parallel_loop3A_854 : i32 to index
        %parallel_loop3A_868 = tpu.vector_load %arg6[%parallel_loop3A_865, %parallel_loop3A_866, %parallel_loop3A_867] {strides = array<i32>} : memref<3x32x1024xf32, #tpu.memory_space<vmem>>, vector<1x1x16xf32>,
        %parallel_loop3A_869 = vector.shape_cast %parallel_loop3A_868 : vector<1x1x16xf32> to vector<16xf32>
        %parallel_loop3A_870 = vector.shape_cast %parallel_loop3A_863 : vector<16xf32> to vector<1x1x16xf32>
        tpu.vector_store %arg6[%parallel_loop3A_865, %parallel_loop3A_866, %parallel_loop3A_867], %parallel_loop3A_870 {strides = array<i32>} : memref<3x32x1024xf32, #tpu.memory_space<vmem>>, vector<1x1x16xf32>,
      } {sc.loop_unroll_factor = 8 : i64, sc.parallel_access}
    } {sc.loop_unroll_factor = 1 : i64, sc.parallel_access}
    %add3A_573 = arith.constant 320 : i32
    %add3A_574 = arith.addi %mul3A_2, %add3A_573 : i32
    %dma_start3A_575 = arith.constant 1 : i32
    %dma_start3A_576 = arith.constant 0 : i32
    %dma_start3A_577 = arith.constant 0 : i32
    %dma_start3A_578 = tpu.memref_slice %arg6[%dma_start3A_575, %dma_start3A_576, %dma_start3A_577] : memref<3x32x1024xf32, #tpu.memory_space<vmem>> -> memref<1x32x1024xf32, #tpu.memory_space<vmem>>
    %dma_start3A_579 = tpu.memref_squeeze %dma_start3A_578 : memref<1x32x1024xf32, #tpu.memory_space<vmem>> -> memref<32x1024xf32, #tpu.memory_space<vmem>>
    %dma_start3A_580 = arith.constant 0 : i32
    %dma_start3A_581 = tpu.memref_slice %arg4[%add3A_574, %dma_start3A_580] : memref<16384x1024xf32, #tpu.memory_space<hbm>> -> memref<32x1024xf32, #tpu.memory_space<hbm>>
    %dma_start3A_582 = arith.constant 0 : i32
    %dma_start3A_583 = tpu.memref_slice %arg4[%add3A_574, %dma_start3A_582] : memref<16384x1024xf32, #tpu.memory_space<hbm>> -> memref<32x1024xf32, #tpu.memory_space<hbm>>
    %dma_start3A_584 = arith.constant 0 : i32
    %dma_start3A_585 = arith.constant 0 : i32
    %dma_start3A_586 = tpu.memref_slice %arg6[%dma_start3A_575, %dma_start3A_584, %dma_start3A_585] : memref<3x32x1024xf32, #tpu.memory_space<vmem>> -> memref<1x32x1024xf32, #tpu.memory_space<vmem>>
    %dma_start3A_587 = tpu.memref_squeeze %dma_start3A_586 : memref<1x32x1024xf32, #tpu.memory_space<vmem>> -> memref<32x1024xf32, #tpu.memory_space<vmem>>
    tpu.enqueue_dma source(%dma_start3A_587 : memref<32x1024xf32, #tpu.memory_space<vmem>>) target(%dma_start3A_583 : memref<32x1024xf32, #tpu.memory_space<hbm>>) target_semaphore(%arg11 : memref<!tpu.dma_semaphore, #tpu.memory_space<semaphore_mem>>)
    %dma_wait3A_588 = arith.constant 2 : i32
    %dma_wait3A_589 = arith.constant 0 : i32
    %dma_wait3A_590 = arith.constant 0 : i32
    %dma_wait3A_591 = tpu.memref_slice %arg6[%dma_wait3A_588, %dma_wait3A_589, %dma_wait3A_590] : memref<3x32x1024xf32, #tpu.memory_space<vmem>> -> memref<1x32x1024xf32, #tpu.memory_space<vmem>>
    %dma_wait3A_592 = tpu.memref_squeeze %dma_wait3A_591 : memref<1x32x1024xf32, #tpu.memory_space<vmem>> -> memref<32x1024xf32, #tpu.memory_space<vmem>>
    %dma_wait3A_593 = arith.constant 352 : i32
    %dma_wait3A_594 = tpu.memref_slice %arg5[%dma_wait3A_593] : memref<512xi32, #tpu.memory_space<vmem>> -> memref<32xi32, #tpu.memory_space<vmem>>
    %dma_wait3A_595 = arith.constant 0 : i32
    %dma_wait3A_596 = arith.constant 0 : i32
    %dma_wait3A_597 = tpu.memref_slice %arg2[%dma_wait3A_595, %dma_wait3A_596] : memref<100000x1024xf32, #tpu.memory_space<hbm>> -> memref<100000x1024xf32, #tpu.memory_space<hbm>>
    tpu.wait_indirect_dma semaphore(%arg9 : memref<!tpu.dma_semaphore, #tpu.memory_space<semaphore_mem>>) src(%dma_wait3A_597 : memref<100000x1024xf32, #tpu.memory_space<hbm>>) dst(%dma_wait3A_592 : memref<32x1024xf32, #tpu.memory_space<vmem>>)
    %add3A_598 = arith.constant 320 : i32
    %add3A_599 = arith.addi %mul3A_2, %add3A_598 : i32
    %dma_wait3A_600 = arith.constant 1 : i32
    %dma_wait3A_601 = arith.constant 0 : i32
    %dma_wait3A_602 = arith.constant 0 : i32
    %dma_wait3A_603 = tpu.memref_slice %arg6[%dma_wait3A_600, %dma_wait3A_601, %dma_wait3A_602] : memref<3x32x1024xf32, #tpu.memory_space<vmem>> -> memref<1x32x1024xf32, #tpu.memory_space<vmem>>
    %dma_wait3A_604 = tpu.memref_squeeze %dma_wait3A_603 : memref<1x32x1024xf32, #tpu.memory_space<vmem>> -> memref<32x1024xf32, #tpu.memory_space<vmem>>
    %dma_wait3A_605 = arith.constant 0 : i32
    %dma_wait3A_606 = tpu.memref_slice %arg4[%add3A_599, %dma_wait3A_605] : memref<16384x1024xf32, #tpu.memory_space<hbm>> -> memref<32x1024xf32, #tpu.memory_space<hbm>>
    %dma_wait3A_607 = arith.constant 0 : i32
    %dma_wait3A_608 = tpu.memref_slice %arg4[%add3A_599, %dma_wait3A_607] : memref<16384x1024xf32, #tpu.memory_space<hbm>> -> memref<32x1024xf32, #tpu.memory_space<hbm>>
    %dma_wait3A_609 = arith.constant 0 : i32
    %dma_wait3A_610 = arith.constant 0 : i32
    %dma_wait3A_611 = tpu.memref_slice %arg6[%dma_wait3A_600, %dma_wait3A_609, %dma_wait3A_610] : memref<3x32x1024xf32, #tpu.memory_space<vmem>> -> memref<1x32x1024xf32, #tpu.memory_space<vmem>>
    %dma_wait3A_612 = tpu.memref_squeeze %dma_wait3A_611 : memref<1x32x1024xf32, #tpu.memory_space<vmem>> -> memref<32x1024xf32, #tpu.memory_space<vmem>>
    tpu.wait_dma2 semaphore(%arg11 : memref<!tpu.dma_semaphore, #tpu.memory_space<semaphore_mem>>) src(%dma_wait3A_612 : memref<32x1024xf32, #tpu.memory_space<vmem>>) dst(%dma_wait3A_608 : memref<32x1024xf32, #tpu.memory_space<hbm>>)
    %dma_start3A_613 = arith.constant 1 : i32
    %dma_start3A_614 = arith.constant 0 : i32
    %dma_start3A_615 = arith.constant 0 : i32
    %dma_start3A_616 = tpu.memref_slice %arg6[%dma_start3A_613, %dma_start3A_614, %dma_start3A_615] : memref<3x32x1024xf32, #tpu.memory_space<vmem>> -> memref<1x32x1024xf32, #tpu.memory_space<vmem>>
    %dma_start3A_617 = tpu.memref_squeeze %dma_start3A_616 : memref<1x32x1024xf32, #tpu.memory_space<vmem>> -> memref<32x1024xf32, #tpu.memory_space<vmem>>
    %dma_start3A_618 = arith.constant 416 : i32
    %dma_start3A_619 = tpu.memref_slice %arg5[%dma_start3A_618] : memref<512xi32, #tpu.memory_space<vmem>> -> memref<32xi32, #tpu.memory_space<vmem>>
    %dma_start3A_620 = arith.constant 0 : i32
    %dma_start3A_621 = arith.constant 0 : i32
    %dma_start3A_622 = tpu.memref_slice %arg2[%dma_start3A_620, %dma_start3A_621] : memref<100000x1024xf32, #tpu.memory_space<hbm>> -> memref<100000x1024xf32, #tpu.memory_space<hbm>>
    tpu.enqueue_indirect_dma source(%dma_start3A_622 : memref<100000x1024xf32, #tpu.memory_space<hbm>>) target(%dma_start3A_617 : memref<32x1024xf32, #tpu.memory_space<vmem>>) offsets(%dma_start3A_619 : memref<32xi32, #tpu.memory_space<vmem>>) semaphore(%arg8 : memref<!tpu.dma_semaphore, #tpu.memory_space<semaphore_mem>>)
    %parallel_loop3A_623 = arith.constant 0 : i32
    %parallel_loop3A_624 = arith.constant 32 : i32
    %parallel_loop3A_625 = arith.constant 1 : i32
    scf.for %parallel_loop3A_848 = %parallel_loop3A_623 to %parallel_loop3A_624 step %parallel_loop3A_625  : i32 {
      %parallel_loop3A_849 = arith.constant 0 : i32
      %parallel_loop3A_850 = arith.constant 64 : i32
      %parallel_loop3A_851 = arith.constant 1 : i32
      scf.for %parallel_loop3A_852 = %parallel_loop3A_849 to %parallel_loop3A_850 step %parallel_loop3A_851  : i32 {
        %parallel_loop3A_853 = arith.constant 16 : i32
        %parallel_loop3A_854 = arith.muli %parallel_loop3A_852, %parallel_loop3A_853 : i32
        %parallel_loop3A_855 = arith.constant 2 : i32
        %parallel_loop3A_856 = arith.index_cast %parallel_loop3A_855 : i32 to index
        %parallel_loop3A_857 = arith.index_cast %parallel_loop3A_848 : i32 to index
        %parallel_loop3A_858 = arith.index_cast %parallel_loop3A_854 : i32 to index
        %parallel_loop3A_859 = tpu.vector_load %arg6[%parallel_loop3A_856, %parallel_loop3A_857, %parallel_loop3A_858] {strides = array<i32>} : memref<3x32x1024xf32, #tpu.memory_space<vmem>>, vector<1x1x16xf32>,
        %parallel_loop3A_860 = vector.shape_cast %parallel_loop3A_859 : vector<1x1x16xf32> to vector<16xf32>
        %parallel_loop3A_861 = arith.constant 3.200000e+01 : f32
        %parallel_loop3A_862 = vector.broadcast %parallel_loop3A_861 : f32 to vector<16xf32>
        %parallel_loop3A_863 = arith.mulf %parallel_loop3A_860, %parallel_loop3A_862 : vector<16xf32>
        %parallel_loop3A_864 = arith.constant 2 : i32
        %parallel_loop3A_865 = arith.index_cast %parallel_loop3A_864 : i32 to index
        %parallel_loop3A_866 = arith.index_cast %parallel_loop3A_848 : i32 to index
        %parallel_loop3A_867 = arith.index_cast %parallel_loop3A_854 : i32 to index
        %parallel_loop3A_868 = tpu.vector_load %arg6[%parallel_loop3A_865, %parallel_loop3A_866, %parallel_loop3A_867] {strides = array<i32>} : memref<3x32x1024xf32, #tpu.memory_space<vmem>>, vector<1x1x16xf32>,
        %parallel_loop3A_869 = vector.shape_cast %parallel_loop3A_868 : vector<1x1x16xf32> to vector<16xf32>
        %parallel_loop3A_870 = vector.shape_cast %parallel_loop3A_863 : vector<16xf32> to vector<1x1x16xf32>
        tpu.vector_store %arg6[%parallel_loop3A_865, %parallel_loop3A_866, %parallel_loop3A_867], %parallel_loop3A_870 {strides = array<i32>} : memref<3x32x1024xf32, #tpu.memory_space<vmem>>, vector<1x1x16xf32>,
      } {sc.loop_unroll_factor = 8 : i64, sc.parallel_access}
    } {sc.loop_unroll_factor = 1 : i64, sc.parallel_access}
    %add3A_626 = arith.constant 352 : i32
    %add3A_627 = arith.addi %mul3A_2, %add3A_626 : i32
    %dma_start3A_628 = arith.constant 2 : i32
    %dma_start3A_629 = arith.constant 0 : i32
    %dma_start3A_630 = arith.constant 0 : i32
    %dma_start3A_631 = tpu.memref_slice %arg6[%dma_start3A_628, %dma_start3A_629, %dma_start3A_630] : memref<3x32x1024xf32, #tpu.memory_space<vmem>> -> memref<1x32x1024xf32, #tpu.memory_space<vmem>>
    %dma_start3A_632 = tpu.memref_squeeze %dma_start3A_631 : memref<1x32x1024xf32, #tpu.memory_space<vmem>> -> memref<32x1024xf32, #tpu.memory_space<vmem>>
    %dma_start3A_633 = arith.constant 0 : i32
    %dma_start3A_634 = tpu.memref_slice %arg4[%add3A_627, %dma_start3A_633] : memref<16384x1024xf32, #tpu.memory_space<hbm>> -> memref<32x1024xf32, #tpu.memory_space<hbm>>
    %dma_start3A_635 = arith.constant 0 : i32
    %dma_start3A_636 = tpu.memref_slice %arg4[%add3A_627, %dma_start3A_635] : memref<16384x1024xf32, #tpu.memory_space<hbm>> -> memref<32x1024xf32, #tpu.memory_space<hbm>>
    %dma_start3A_637 = arith.constant 0 : i32
    %dma_start3A_638 = arith.constant 0 : i32
    %dma_start3A_639 = tpu.memref_slice %arg6[%dma_start3A_628, %dma_start3A_637, %dma_start3A_638] : memref<3x32x1024xf32, #tpu.memory_space<vmem>> -> memref<1x32x1024xf32, #tpu.memory_space<vmem>>
    %dma_start3A_640 = tpu.memref_squeeze %dma_start3A_639 : memref<1x32x1024xf32, #tpu.memory_space<vmem>> -> memref<32x1024xf32, #tpu.memory_space<vmem>>
    tpu.enqueue_dma source(%dma_start3A_640 : memref<32x1024xf32, #tpu.memory_space<vmem>>) target(%dma_start3A_636 : memref<32x1024xf32, #tpu.memory_space<hbm>>) target_semaphore(%arg12 : memref<!tpu.dma_semaphore, #tpu.memory_space<semaphore_mem>>)
    %dma_wait3A_641 = arith.constant 0 : i32
    %dma_wait3A_642 = arith.constant 0 : i32
    %dma_wait3A_643 = arith.constant 0 : i32
    %dma_wait3A_644 = tpu.memref_slice %arg6[%dma_wait3A_641, %dma_wait3A_642, %dma_wait3A_643] : memref<3x32x1024xf32, #tpu.memory_space<vmem>> -> memref<1x32x1024xf32, #tpu.memory_space<vmem>>
    %dma_wait3A_645 = tpu.memref_squeeze %dma_wait3A_644 : memref<1x32x1024xf32, #tpu.memory_space<vmem>> -> memref<32x1024xf32, #tpu.memory_space<vmem>>
    %dma_wait3A_646 = arith.constant 384 : i32
    %dma_wait3A_647 = tpu.memref_slice %arg5[%dma_wait3A_646] : memref<512xi32, #tpu.memory_space<vmem>> -> memref<32xi32, #tpu.memory_space<vmem>>
    %dma_wait3A_648 = arith.constant 0 : i32
    %dma_wait3A_649 = arith.constant 0 : i32
    %dma_wait3A_650 = tpu.memref_slice %arg2[%dma_wait3A_648, %dma_wait3A_649] : memref<100000x1024xf32, #tpu.memory_space<hbm>> -> memref<100000x1024xf32, #tpu.memory_space<hbm>>
    tpu.wait_indirect_dma semaphore(%arg7 : memref<!tpu.dma_semaphore, #tpu.memory_space<semaphore_mem>>) src(%dma_wait3A_650 : memref<100000x1024xf32, #tpu.memory_space<hbm>>) dst(%dma_wait3A_645 : memref<32x1024xf32, #tpu.memory_space<vmem>>)
    %add3A_651 = arith.constant 352 : i32
    %add3A_652 = arith.addi %mul3A_2, %add3A_651 : i32
    %dma_wait3A_653 = arith.constant 2 : i32
    %dma_wait3A_654 = arith.constant 0 : i32
    %dma_wait3A_655 = arith.constant 0 : i32
    %dma_wait3A_656 = tpu.memref_slice %arg6[%dma_wait3A_653, %dma_wait3A_654, %dma_wait3A_655] : memref<3x32x1024xf32, #tpu.memory_space<vmem>> -> memref<1x32x1024xf32, #tpu.memory_space<vmem>>
    %dma_wait3A_657 = tpu.memref_squeeze %dma_wait3A_656 : memref<1x32x1024xf32, #tpu.memory_space<vmem>> -> memref<32x1024xf32, #tpu.memory_space<vmem>>
    %dma_wait3A_658 = arith.constant 0 : i32
    %dma_wait3A_659 = tpu.memref_slice %arg4[%add3A_652, %dma_wait3A_658] : memref<16384x1024xf32, #tpu.memory_space<hbm>> -> memref<32x1024xf32, #tpu.memory_space<hbm>>
    %dma_wait3A_660 = arith.constant 0 : i32
    %dma_wait3A_661 = tpu.memref_slice %arg4[%add3A_652, %dma_wait3A_660] : memref<16384x1024xf32, #tpu.memory_space<hbm>> -> memref<32x1024xf32, #tpu.memory_space<hbm>>
    %dma_wait3A_662 = arith.constant 0 : i32
    %dma_wait3A_663 = arith.constant 0 : i32
    %dma_wait3A_664 = tpu.memref_slice %arg6[%dma_wait3A_653, %dma_wait3A_662, %dma_wait3A_663] : memref<3x32x1024xf32, #tpu.memory_space<vmem>> -> memref<1x32x1024xf32, #tpu.memory_space<vmem>>
    %dma_wait3A_665 = tpu.memref_squeeze %dma_wait3A_664 : memref<1x32x1024xf32, #tpu.memory_space<vmem>> -> memref<32x1024xf32, #tpu.memory_space<vmem>>
    tpu.wait_dma2 semaphore(%arg12 : memref<!tpu.dma_semaphore, #tpu.memory_space<semaphore_mem>>) src(%dma_wait3A_665 : memref<32x1024xf32, #tpu.memory_space<vmem>>) dst(%dma_wait3A_661 : memref<32x1024xf32, #tpu.memory_space<hbm>>)
    %dma_start3A_666 = arith.constant 2 : i32
    %dma_start3A_667 = arith.constant 0 : i32
    %dma_start3A_668 = arith.constant 0 : i32
    %dma_start3A_669 = tpu.memref_slice %arg6[%dma_start3A_666, %dma_start3A_667, %dma_start3A_668] : memref<3x32x1024xf32, #tpu.memory_space<vmem>> -> memref<1x32x1024xf32, #tpu.memory_space<vmem>>
    %dma_start3A_670 = tpu.memref_squeeze %dma_start3A_669 : memref<1x32x1024xf32, #tpu.memory_space<vmem>> -> memref<32x1024xf32, #tpu.memory_space<vmem>>
    %dma_start3A_671 = arith.constant 448 : i32
    %dma_start3A_672 = tpu.memref_slice %arg5[%dma_start3A_671] : memref<512xi32, #tpu.memory_space<vmem>> -> memref<32xi32, #tpu.memory_space<vmem>>
    %dma_start3A_673 = arith.constant 0 : i32
    %dma_start3A_674 = arith.constant 0 : i32
    %dma_start3A_675 = tpu.memref_slice %arg2[%dma_start3A_673, %dma_start3A_674] : memref<100000x1024xf32, #tpu.memory_space<hbm>> -> memref<100000x1024xf32, #tpu.memory_space<hbm>>
    tpu.enqueue_indirect_dma source(%dma_start3A_675 : memref<100000x1024xf32, #tpu.memory_space<hbm>>) target(%dma_start3A_670 : memref<32x1024xf32, #tpu.memory_space<vmem>>) offsets(%dma_start3A_672 : memref<32xi32, #tpu.memory_space<vmem>>) semaphore(%arg9 : memref<!tpu.dma_semaphore, #tpu.memory_space<semaphore_mem>>)
    %parallel_loop3A_676 = arith.constant 0 : i32
    %parallel_loop3A_677 = arith.constant 32 : i32
    %parallel_loop3A_678 = arith.constant 1 : i32
    scf.for %parallel_loop3A_848 = %parallel_loop3A_676 to %parallel_loop3A_677 step %parallel_loop3A_678  : i32 {
      %parallel_loop3A_849 = arith.constant 0 : i32
      %parallel_loop3A_850 = arith.constant 64 : i32
      %parallel_loop3A_851 = arith.constant 1 : i32
      scf.for %parallel_loop3A_852 = %parallel_loop3A_849 to %parallel_loop3A_850 step %parallel_loop3A_851  : i32 {
        %parallel_loop3A_853 = arith.constant 16 : i32
        %parallel_loop3A_854 = arith.muli %parallel_loop3A_852, %parallel_loop3A_853 : i32
        %parallel_loop3A_855 = arith.constant 0 : i32
        %parallel_loop3A_856 = arith.index_cast %parallel_loop3A_855 : i32 to index
        %parallel_loop3A_857 = arith.index_cast %parallel_loop3A_848 : i32 to index
        %parallel_loop3A_858 = arith.index_cast %parallel_loop3A_854 : i32 to index
        %parallel_loop3A_859 = tpu.vector_load %arg6[%parallel_loop3A_856, %parallel_loop3A_857, %parallel_loop3A_858] {strides = array<i32>} : memref<3x32x1024xf32, #tpu.memory_space<vmem>>, vector<1x1x16xf32>,
        %parallel_loop3A_860 = vector.shape_cast %parallel_loop3A_859 : vector<1x1x16xf32> to vector<16xf32>
        %parallel_loop3A_861 = arith.constant 3.200000e+01 : f32
        %parallel_loop3A_862 = vector.broadcast %parallel_loop3A_861 : f32 to vector<16xf32>
        %parallel_loop3A_863 = arith.mulf %parallel_loop3A_860, %parallel_loop3A_862 : vector<16xf32>
        %parallel_loop3A_864 = arith.constant 0 : i32
        %parallel_loop3A_865 = arith.index_cast %parallel_loop3A_864 : i32 to index
        %parallel_loop3A_866 = arith.index_cast %parallel_loop3A_848 : i32 to index
        %parallel_loop3A_867 = arith.index_cast %parallel_loop3A_854 : i32 to index
        %parallel_loop3A_868 = tpu.vector_load %arg6[%parallel_loop3A_865, %parallel_loop3A_866, %parallel_loop3A_867] {strides = array<i32>} : memref<3x32x1024xf32, #tpu.memory_space<vmem>>, vector<1x1x16xf32>,
        %parallel_loop3A_869 = vector.shape_cast %parallel_loop3A_868 : vector<1x1x16xf32> to vector<16xf32>
        %parallel_loop3A_870 = vector.shape_cast %parallel_loop3A_863 : vector<16xf32> to vector<1x1x16xf32>
        tpu.vector_store %arg6[%parallel_loop3A_865, %parallel_loop3A_866, %parallel_loop3A_867], %parallel_loop3A_870 {strides = array<i32>} : memref<3x32x1024xf32, #tpu.memory_space<vmem>>, vector<1x1x16xf32>,
      } {sc.loop_unroll_factor = 8 : i64, sc.parallel_access}
    } {sc.loop_unroll_factor = 1 : i64, sc.parallel_access}
    %add3A_679 = arith.constant 384 : i32
    %add3A_680 = arith.addi %mul3A_2, %add3A_679 : i32
    %dma_start3A_681 = arith.constant 0 : i32
    %dma_start3A_682 = arith.constant 0 : i32
    %dma_start3A_683 = arith.constant 0 : i32
    %dma_start3A_684 = tpu.memref_slice %arg6[%dma_start3A_681, %dma_start3A_682, %dma_start3A_683] : memref<3x32x1024xf32, #tpu.memory_space<vmem>> -> memref<1x32x1024xf32, #tpu.memory_space<vmem>>
    %dma_start3A_685 = tpu.memref_squeeze %dma_start3A_684 : memref<1x32x1024xf32, #tpu.memory_space<vmem>> -> memref<32x1024xf32, #tpu.memory_space<vmem>>
    %dma_start3A_686 = arith.constant 0 : i32
    %dma_start3A_687 = tpu.memref_slice %arg4[%add3A_680, %dma_start3A_686] : memref<16384x1024xf32, #tpu.memory_space<hbm>> -> memref<32x1024xf32, #tpu.memory_space<hbm>>
    %dma_start3A_688 = arith.constant 0 : i32
    %dma_start3A_689 = tpu.memref_slice %arg4[%add3A_680, %dma_start3A_688] : memref<16384x1024xf32, #tpu.memory_space<hbm>> -> memref<32x1024xf32, #tpu.memory_space<hbm>>
    %dma_start3A_690 = arith.constant 0 : i32
    %dma_start3A_691 = arith.constant 0 : i32
    %dma_start3A_692 = tpu.memref_slice %arg6[%dma_start3A_681, %dma_start3A_690, %dma_start3A_691] : memref<3x32x1024xf32, #tpu.memory_space<vmem>> -> memref<1x32x1024xf32, #tpu.memory_space<vmem>>
    %dma_start3A_693 = tpu.memref_squeeze %dma_start3A_692 : memref<1x32x1024xf32, #tpu.memory_space<vmem>> -> memref<32x1024xf32, #tpu.memory_space<vmem>>
    tpu.enqueue_dma source(%dma_start3A_693 : memref<32x1024xf32, #tpu.memory_space<vmem>>) target(%dma_start3A_689 : memref<32x1024xf32, #tpu.memory_space<hbm>>) target_semaphore(%arg10 : memref<!tpu.dma_semaphore, #tpu.memory_space<semaphore_mem>>)
    %dma_wait3A_694 = arith.constant 1 : i32
    %dma_wait3A_695 = arith.constant 0 : i32
    %dma_wait3A_696 = arith.constant 0 : i32
    %dma_wait3A_697 = tpu.memref_slice %arg6[%dma_wait3A_694, %dma_wait3A_695, %dma_wait3A_696] : memref<3x32x1024xf32, #tpu.memory_space<vmem>> -> memref<1x32x1024xf32, #tpu.memory_space<vmem>>
    %dma_wait3A_698 = tpu.memref_squeeze %dma_wait3A_697 : memref<1x32x1024xf32, #tpu.memory_space<vmem>> -> memref<32x1024xf32, #tpu.memory_space<vmem>>
    %dma_wait3A_699 = arith.constant 416 : i32
    %dma_wait3A_700 = tpu.memref_slice %arg5[%dma_wait3A_699] : memref<512xi32, #tpu.memory_space<vmem>> -> memref<32xi32, #tpu.memory_space<vmem>>
    %dma_wait3A_701 = arith.constant 0 : i32
    %dma_wait3A_702 = arith.constant 0 : i32
    %dma_wait3A_703 = tpu.memref_slice %arg2[%dma_wait3A_701, %dma_wait3A_702] : memref<100000x1024xf32, #tpu.memory_space<hbm>> -> memref<100000x1024xf32, #tpu.memory_space<hbm>>
    tpu.wait_indirect_dma semaphore(%arg8 : memref<!tpu.dma_semaphore, #tpu.memory_space<semaphore_mem>>) src(%dma_wait3A_703 : memref<100000x1024xf32, #tpu.memory_space<hbm>>) dst(%dma_wait3A_698 : memref<32x1024xf32, #tpu.memory_space<vmem>>)
    %add3A_704 = arith.constant 384 : i32
    %add3A_705 = arith.addi %mul3A_2, %add3A_704 : i32
    %dma_wait3A_706 = arith.constant 0 : i32
    %dma_wait3A_707 = arith.constant 0 : i32
    %dma_wait3A_708 = arith.constant 0 : i32
    %dma_wait3A_709 = tpu.memref_slice %arg6[%dma_wait3A_706, %dma_wait3A_707, %dma_wait3A_708] : memref<3x32x1024xf32, #tpu.memory_space<vmem>> -> memref<1x32x1024xf32, #tpu.memory_space<vmem>>
    %dma_wait3A_710 = tpu.memref_squeeze %dma_wait3A_709 : memref<1x32x1024xf32, #tpu.memory_space<vmem>> -> memref<32x1024xf32, #tpu.memory_space<vmem>>
    %dma_wait3A_711 = arith.constant 0 : i32
    %dma_wait3A_712 = tpu.memref_slice %arg4[%add3A_705, %dma_wait3A_711] : memref<16384x1024xf32, #tpu.memory_space<hbm>> -> memref<32x1024xf32, #tpu.memory_space<hbm>>
    %dma_wait3A_713 = arith.constant 0 : i32
    %dma_wait3A_714 = tpu.memref_slice %arg4[%add3A_705, %dma_wait3A_713] : memref<16384x1024xf32, #tpu.memory_space<hbm>> -> memref<32x1024xf32, #tpu.memory_space<hbm>>
    %dma_wait3A_715 = arith.constant 0 : i32
    %dma_wait3A_716 = arith.constant 0 : i32
    %dma_wait3A_717 = tpu.memref_slice %arg6[%dma_wait3A_706, %dma_wait3A_715, %dma_wait3A_716] : memref<3x32x1024xf32, #tpu.memory_space<vmem>> -> memref<1x32x1024xf32, #tpu.memory_space<vmem>>
    %dma_wait3A_718 = tpu.memref_squeeze %dma_wait3A_717 : memref<1x32x1024xf32, #tpu.memory_space<vmem>> -> memref<32x1024xf32, #tpu.memory_space<vmem>>
    tpu.wait_dma2 semaphore(%arg10 : memref<!tpu.dma_semaphore, #tpu.memory_space<semaphore_mem>>) src(%dma_wait3A_718 : memref<32x1024xf32, #tpu.memory_space<vmem>>) dst(%dma_wait3A_714 : memref<32x1024xf32, #tpu.memory_space<hbm>>)
    %dma_start3A_719 = arith.constant 0 : i32
    %dma_start3A_720 = arith.constant 0 : i32
    %dma_start3A_721 = arith.constant 0 : i32
    %dma_start3A_722 = tpu.memref_slice %arg6[%dma_start3A_719, %dma_start3A_720, %dma_start3A_721] : memref<3x32x1024xf32, #tpu.memory_space<vmem>> -> memref<1x32x1024xf32, #tpu.memory_space<vmem>>
    %dma_start3A_723 = tpu.memref_squeeze %dma_start3A_722 : memref<1x32x1024xf32, #tpu.memory_space<vmem>> -> memref<32x1024xf32, #tpu.memory_space<vmem>>
    %dma_start3A_724 = arith.constant 480 : i32
    %dma_start3A_725 = tpu.memref_slice %arg5[%dma_start3A_724] : memref<512xi32, #tpu.memory_space<vmem>> -> memref<32xi32, #tpu.memory_space<vmem>>
    %dma_start3A_726 = arith.constant 0 : i32
    %dma_start3A_727 = arith.constant 0 : i32
    %dma_start3A_728 = tpu.memref_slice %arg2[%dma_start3A_726, %dma_start3A_727] : memref<100000x1024xf32, #tpu.memory_space<hbm>> -> memref<100000x1024xf32, #tpu.memory_space<hbm>>
    tpu.enqueue_indirect_dma source(%dma_start3A_728 : memref<100000x1024xf32, #tpu.memory_space<hbm>>) target(%dma_start3A_723 : memref<32x1024xf32, #tpu.memory_space<vmem>>) offsets(%dma_start3A_725 : memref<32xi32, #tpu.memory_space<vmem>>) semaphore(%arg7 : memref<!tpu.dma_semaphore, #tpu.memory_space<semaphore_mem>>)
    %parallel_loop3A_729 = arith.constant 0 : i32
    %parallel_loop3A_730 = arith.constant 32 : i32
    %parallel_loop3A_731 = arith.constant 1 : i32
    scf.for %parallel_loop3A_848 = %parallel_loop3A_729 to %parallel_loop3A_730 step %parallel_loop3A_731  : i32 {
      %parallel_loop3A_849 = arith.constant 0 : i32
      %parallel_loop3A_850 = arith.constant 64 : i32
      %parallel_loop3A_851 = arith.constant 1 : i32
      scf.for %parallel_loop3A_852 = %parallel_loop3A_849 to %parallel_loop3A_850 step %parallel_loop3A_851  : i32 {
        %parallel_loop3A_853 = arith.constant 16 : i32
        %parallel_loop3A_854 = arith.muli %parallel_loop3A_852, %parallel_loop3A_853 : i32
        %parallel_loop3A_855 = arith.constant 1 : i32
        %parallel_loop3A_856 = arith.index_cast %parallel_loop3A_855 : i32 to index
        %parallel_loop3A_857 = arith.index_cast %parallel_loop3A_848 : i32 to index
        %parallel_loop3A_858 = arith.index_cast %parallel_loop3A_854 : i32 to index
        %parallel_loop3A_859 = tpu.vector_load %arg6[%parallel_loop3A_856, %parallel_loop3A_857, %parallel_loop3A_858] {strides = array<i32>} : memref<3x32x1024xf32, #tpu.memory_space<vmem>>, vector<1x1x16xf32>,
        %parallel_loop3A_860 = vector.shape_cast %parallel_loop3A_859 : vector<1x1x16xf32> to vector<16xf32>
        %parallel_loop3A_861 = arith.constant 3.200000e+01 : f32
        %parallel_loop3A_862 = vector.broadcast %parallel_loop3A_861 : f32 to vector<16xf32>
        %parallel_loop3A_863 = arith.mulf %parallel_loop3A_860, %parallel_loop3A_862 : vector<16xf32>
        %parallel_loop3A_864 = arith.constant 1 : i32
        %parallel_loop3A_865 = arith.index_cast %parallel_loop3A_864 : i32 to index
        %parallel_loop3A_866 = arith.index_cast %parallel_loop3A_848 : i32 to index
        %parallel_loop3A_867 = arith.index_cast %parallel_loop3A_854 : i32 to index
        %parallel_loop3A_868 = tpu.vector_load %arg6[%parallel_loop3A_865, %parallel_loop3A_866, %parallel_loop3A_867] {strides = array<i32>} : memref<3x32x1024xf32, #tpu.memory_space<vmem>>, vector<1x1x16xf32>,
        %parallel_loop3A_869 = vector.shape_cast %parallel_loop3A_868 : vector<1x1x16xf32> to vector<16xf32>
        %parallel_loop3A_870 = vector.shape_cast %parallel_loop3A_863 : vector<16xf32> to vector<1x1x16xf32>
        tpu.vector_store %arg6[%parallel_loop3A_865, %parallel_loop3A_866, %parallel_loop3A_867], %parallel_loop3A_870 {strides = array<i32>} : memref<3x32x1024xf32, #tpu.memory_space<vmem>>, vector<1x1x16xf32>,
      } {sc.loop_unroll_factor = 8 : i64, sc.parallel_access}
    } {sc.loop_unroll_factor = 1 : i64, sc.parallel_access}
    %add3A_732 = arith.constant 416 : i32
    %add3A_733 = arith.addi %mul3A_2, %add3A_732 : i32
    %dma_start3A_734 = arith.constant 1 : i32
    %dma_start3A_735 = arith.constant 0 : i32
    %dma_start3A_736 = arith.constant 0 : i32
    %dma_start3A_737 = tpu.memref_slice %arg6[%dma_start3A_734, %dma_start3A_735, %dma_start3A_736] : memref<3x32x1024xf32, #tpu.memory_space<vmem>> -> memref<1x32x1024xf32, #tpu.memory_space<vmem>>
    %dma_start3A_738 = tpu.memref_squeeze %dma_start3A_737 : memref<1x32x1024xf32, #tpu.memory_space<vmem>> -> memref<32x1024xf32, #tpu.memory_space<vmem>>
    %dma_start3A_739 = arith.constant 0 : i32
    %dma_start3A_740 = tpu.memref_slice %arg4[%add3A_733, %dma_start3A_739] : memref<16384x1024xf32, #tpu.memory_space<hbm>> -> memref<32x1024xf32, #tpu.memory_space<hbm>>
    %dma_start3A_741 = arith.constant 0 : i32
    %dma_start3A_742 = tpu.memref_slice %arg4[%add3A_733, %dma_start3A_741] : memref<16384x1024xf32, #tpu.memory_space<hbm>> -> memref<32x1024xf32, #tpu.memory_space<hbm>>
    %dma_start3A_743 = arith.constant 0 : i32
    %dma_start3A_744 = arith.constant 0 : i32
    %dma_start3A_745 = tpu.memref_slice %arg6[%dma_start3A_734, %dma_start3A_743, %dma_start3A_744] : memref<3x32x1024xf32, #tpu.memory_space<vmem>> -> memref<1x32x1024xf32, #tpu.memory_space<vmem>>
    %dma_start3A_746 = tpu.memref_squeeze %dma_start3A_745 : memref<1x32x1024xf32, #tpu.memory_space<vmem>> -> memref<32x1024xf32, #tpu.memory_space<vmem>>
    tpu.enqueue_dma source(%dma_start3A_746 : memref<32x1024xf32, #tpu.memory_space<vmem>>) target(%dma_start3A_742 : memref<32x1024xf32, #tpu.memory_space<hbm>>) target_semaphore(%arg11 : memref<!tpu.dma_semaphore, #tpu.memory_space<semaphore_mem>>)
    %dma_wait3A_747 = arith.constant 2 : i32
    %dma_wait3A_748 = arith.constant 0 : i32
    %dma_wait3A_749 = arith.constant 0 : i32
    %dma_wait3A_750 = tpu.memref_slice %arg6[%dma_wait3A_747, %dma_wait3A_748, %dma_wait3A_749] : memref<3x32x1024xf32, #tpu.memory_space<vmem>> -> memref<1x32x1024xf32, #tpu.memory_space<vmem>>
    %dma_wait3A_751 = tpu.memref_squeeze %dma_wait3A_750 : memref<1x32x1024xf32, #tpu.memory_space<vmem>> -> memref<32x1024xf32, #tpu.memory_space<vmem>>
    %dma_wait3A_752 = arith.constant 448 : i32
    %dma_wait3A_753 = tpu.memref_slice %arg5[%dma_wait3A_752] : memref<512xi32, #tpu.memory_space<vmem>> -> memref<32xi32, #tpu.memory_space<vmem>>
    %dma_wait3A_754 = arith.constant 0 : i32
    %dma_wait3A_755 = arith.constant 0 : i32
    %dma_wait3A_756 = tpu.memref_slice %arg2[%dma_wait3A_754, %dma_wait3A_755] : memref<100000x1024xf32, #tpu.memory_space<hbm>> -> memref<100000x1024xf32, #tpu.memory_space<hbm>>
    tpu.wait_indirect_dma semaphore(%arg9 : memref<!tpu.dma_semaphore, #tpu.memory_space<semaphore_mem>>) src(%dma_wait3A_756 : memref<100000x1024xf32, #tpu.memory_space<hbm>>) dst(%dma_wait3A_751 : memref<32x1024xf32, #tpu.memory_space<vmem>>)
    %parallel_loop3A_757 = arith.constant 0 : i32
    %parallel_loop3A_758 = arith.constant 32 : i32
    %parallel_loop3A_759 = arith.constant 1 : i32
    scf.for %parallel_loop3A_848 = %parallel_loop3A_757 to %parallel_loop3A_758 step %parallel_loop3A_759  : i32 {
      %parallel_loop3A_849 = arith.constant 0 : i32
      %parallel_loop3A_850 = arith.constant 64 : i32
      %parallel_loop3A_851 = arith.constant 1 : i32
      scf.for %parallel_loop3A_852 = %parallel_loop3A_849 to %parallel_loop3A_850 step %parallel_loop3A_851  : i32 {
        %parallel_loop3A_853 = arith.constant 16 : i32
        %parallel_loop3A_854 = arith.muli %parallel_loop3A_852, %parallel_loop3A_853 : i32
        %parallel_loop3A_855 = arith.constant 2 : i32
        %parallel_loop3A_856 = arith.index_cast %parallel_loop3A_855 : i32 to index
        %parallel_loop3A_857 = arith.index_cast %parallel_loop3A_848 : i32 to index
        %parallel_loop3A_858 = arith.index_cast %parallel_loop3A_854 : i32 to index
        %parallel_loop3A_859 = tpu.vector_load %arg6[%parallel_loop3A_856, %parallel_loop3A_857, %parallel_loop3A_858] {strides = array<i32>} : memref<3x32x1024xf32, #tpu.memory_space<vmem>>, vector<1x1x16xf32>,
        %parallel_loop3A_860 = vector.shape_cast %parallel_loop3A_859 : vector<1x1x16xf32> to vector<16xf32>
        %parallel_loop3A_861 = arith.constant 3.200000e+01 : f32
        %parallel_loop3A_862 = vector.broadcast %parallel_loop3A_861 : f32 to vector<16xf32>
        %parallel_loop3A_863 = arith.mulf %parallel_loop3A_860, %parallel_loop3A_862 : vector<16xf32>
        %parallel_loop3A_864 = arith.constant 2 : i32
        %parallel_loop3A_865 = arith.index_cast %parallel_loop3A_864 : i32 to index
        %parallel_loop3A_866 = arith.index_cast %parallel_loop3A_848 : i32 to index
        %parallel_loop3A_867 = arith.index_cast %parallel_loop3A_854 : i32 to index
        %parallel_loop3A_868 = tpu.vector_load %arg6[%parallel_loop3A_865, %parallel_loop3A_866, %parallel_loop3A_867] {strides = array<i32>} : memref<3x32x1024xf32, #tpu.memory_space<vmem>>, vector<1x1x16xf32>,
        %parallel_loop3A_869 = vector.shape_cast %parallel_loop3A_868 : vector<1x1x16xf32> to vector<16xf32>
        %parallel_loop3A_870 = vector.shape_cast %parallel_loop3A_863 : vector<16xf32> to vector<1x1x16xf32>
        tpu.vector_store %arg6[%parallel_loop3A_865, %parallel_loop3A_866, %parallel_loop3A_867], %parallel_loop3A_870 {strides = array<i32>} : memref<3x32x1024xf32, #tpu.memory_space<vmem>>, vector<1x1x16xf32>,
      } {sc.loop_unroll_factor = 8 : i64, sc.parallel_access}
    } {sc.loop_unroll_factor = 1 : i64, sc.parallel_access}
    %add3A_760 = arith.constant 448 : i32
    %add3A_761 = arith.addi %mul3A_2, %add3A_760 : i32
    %dma_start3A_762 = arith.constant 2 : i32
    %dma_start3A_763 = arith.constant 0 : i32
    %dma_start3A_764 = arith.constant 0 : i32
    %dma_start3A_765 = tpu.memref_slice %arg6[%dma_start3A_762, %dma_start3A_763, %dma_start3A_764] : memref<3x32x1024xf32, #tpu.memory_space<vmem>> -> memref<1x32x1024xf32, #tpu.memory_space<vmem>>
    %dma_start3A_766 = tpu.memref_squeeze %dma_start3A_765 : memref<1x32x1024xf32, #tpu.memory_space<vmem>> -> memref<32x1024xf32, #tpu.memory_space<vmem>>
    %dma_start3A_767 = arith.constant 0 : i32
    %dma_start3A_768 = tpu.memref_slice %arg4[%add3A_761, %dma_start3A_767] : memref<16384x1024xf32, #tpu.memory_space<hbm>> -> memref<32x1024xf32, #tpu.memory_space<hbm>>
    %dma_start3A_769 = arith.constant 0 : i32
    %dma_start3A_770 = tpu.memref_slice %arg4[%add3A_761, %dma_start3A_769] : memref<16384x1024xf32, #tpu.memory_space<hbm>> -> memref<32x1024xf32, #tpu.memory_space<hbm>>
    %dma_start3A_771 = arith.constant 0 : i32
    %dma_start3A_772 = arith.constant 0 : i32
    %dma_start3A_773 = tpu.memref_slice %arg6[%dma_start3A_762, %dma_start3A_771, %dma_start3A_772] : memref<3x32x1024xf32, #tpu.memory_space<vmem>> -> memref<1x32x1024xf32, #tpu.memory_space<vmem>>
    %dma_start3A_774 = tpu.memref_squeeze %dma_start3A_773 : memref<1x32x1024xf32, #tpu.memory_space<vmem>> -> memref<32x1024xf32, #tpu.memory_space<vmem>>
    tpu.enqueue_dma source(%dma_start3A_774 : memref<32x1024xf32, #tpu.memory_space<vmem>>) target(%dma_start3A_770 : memref<32x1024xf32, #tpu.memory_space<hbm>>) target_semaphore(%arg12 : memref<!tpu.dma_semaphore, #tpu.memory_space<semaphore_mem>>)
    %dma_wait3A_775 = arith.constant 0 : i32
    %dma_wait3A_776 = arith.constant 0 : i32
    %dma_wait3A_777 = arith.constant 0 : i32
    %dma_wait3A_778 = tpu.memref_slice %arg6[%dma_wait3A_775, %dma_wait3A_776, %dma_wait3A_777] : memref<3x32x1024xf32, #tpu.memory_space<vmem>> -> memref<1x32x1024xf32, #tpu.memory_space<vmem>>
    %dma_wait3A_779 = tpu.memref_squeeze %dma_wait3A_778 : memref<1x32x1024xf32, #tpu.memory_space<vmem>> -> memref<32x1024xf32, #tpu.memory_space<vmem>>
    %dma_wait3A_780 = arith.constant 480 : i32
    %dma_wait3A_781 = tpu.memref_slice %arg5[%dma_wait3A_780] : memref<512xi32, #tpu.memory_space<vmem>> -> memref<32xi32, #tpu.memory_space<vmem>>
    %dma_wait3A_782 = arith.constant 0 : i32
    %dma_wait3A_783 = arith.constant 0 : i32
    %dma_wait3A_784 = tpu.memref_slice %arg2[%dma_wait3A_782, %dma_wait3A_783] : memref<100000x1024xf32, #tpu.memory_space<hbm>> -> memref<100000x1024xf32, #tpu.memory_space<hbm>>
    tpu.wait_indirect_dma semaphore(%arg7 : memref<!tpu.dma_semaphore, #tpu.memory_space<semaphore_mem>>) src(%dma_wait3A_784 : memref<100000x1024xf32, #tpu.memory_space<hbm>>) dst(%dma_wait3A_779 : memref<32x1024xf32, #tpu.memory_space<vmem>>)
    %parallel_loop3A_785 = arith.constant 0 : i32
    %parallel_loop3A_786 = arith.constant 32 : i32
    %parallel_loop3A_787 = arith.constant 1 : i32
    scf.for %parallel_loop3A_848 = %parallel_loop3A_785 to %parallel_loop3A_786 step %parallel_loop3A_787  : i32 {
      %parallel_loop3A_849 = arith.constant 0 : i32
      %parallel_loop3A_850 = arith.constant 64 : i32
      %parallel_loop3A_851 = arith.constant 1 : i32
      scf.for %parallel_loop3A_852 = %parallel_loop3A_849 to %parallel_loop3A_850 step %parallel_loop3A_851  : i32 {
        %parallel_loop3A_853 = arith.constant 16 : i32
        %parallel_loop3A_854 = arith.muli %parallel_loop3A_852, %parallel_loop3A_853 : i32
        %parallel_loop3A_855 = arith.constant 0 : i32
        %parallel_loop3A_856 = arith.index_cast %parallel_loop3A_855 : i32 to index
        %parallel_loop3A_857 = arith.index_cast %parallel_loop3A_848 : i32 to index
        %parallel_loop3A_858 = arith.index_cast %parallel_loop3A_854 : i32 to index
        %parallel_loop3A_859 = tpu.vector_load %arg6[%parallel_loop3A_856, %parallel_loop3A_857, %parallel_loop3A_858] {strides = array<i32>} : memref<3x32x1024xf32, #tpu.memory_space<vmem>>, vector<1x1x16xf32>,
        %parallel_loop3A_860 = vector.shape_cast %parallel_loop3A_859 : vector<1x1x16xf32> to vector<16xf32>
        %parallel_loop3A_861 = arith.constant 3.200000e+01 : f32
        %parallel_loop3A_862 = vector.broadcast %parallel_loop3A_861 : f32 to vector<16xf32>
        %parallel_loop3A_863 = arith.mulf %parallel_loop3A_860, %parallel_loop3A_862 : vector<16xf32>
        %parallel_loop3A_864 = arith.constant 0 : i32
        %parallel_loop3A_865 = arith.index_cast %parallel_loop3A_864 : i32 to index
        %parallel_loop3A_866 = arith.index_cast %parallel_loop3A_848 : i32 to index
        %parallel_loop3A_867 = arith.index_cast %parallel_loop3A_854 : i32 to index
        %parallel_loop3A_868 = tpu.vector_load %arg6[%parallel_loop3A_865, %parallel_loop3A_866, %parallel_loop3A_867] {strides = array<i32>} : memref<3x32x1024xf32, #tpu.memory_space<vmem>>, vector<1x1x16xf32>,
        %parallel_loop3A_869 = vector.shape_cast %parallel_loop3A_868 : vector<1x1x16xf32> to vector<16xf32>
        %parallel_loop3A_870 = vector.shape_cast %parallel_loop3A_863 : vector<16xf32> to vector<1x1x16xf32>
        tpu.vector_store %arg6[%parallel_loop3A_865, %parallel_loop3A_866, %parallel_loop3A_867], %parallel_loop3A_870 {strides = array<i32>} : memref<3x32x1024xf32, #tpu.memory_space<vmem>>, vector<1x1x16xf32>,
      } {sc.loop_unroll_factor = 8 : i64, sc.parallel_access}
    } {sc.loop_unroll_factor = 1 : i64, sc.parallel_access}
    %add3A_788 = arith.constant 480 : i32
    %add3A_789 = arith.addi %mul3A_2, %add3A_788 : i32
    %dma_start3A_790 = arith.constant 0 : i32
    %dma_start3A_791 = arith.constant 0 : i32
    %dma_start3A_792 = arith.constant 0 : i32
    %dma_start3A_793 = tpu.memref_slice %arg6[%dma_start3A_790, %dma_start3A_791, %dma_start3A_792] : memref<3x32x1024xf32, #tpu.memory_space<vmem>> -> memref<1x32x1024xf32, #tpu.memory_space<vmem>>
    %dma_start3A_794 = tpu.memref_squeeze %dma_start3A_793 : memref<1x32x1024xf32, #tpu.memory_space<vmem>> -> memref<32x1024xf32, #tpu.memory_space<vmem>>
    %dma_start3A_795 = arith.constant 0 : i32
    %dma_start3A_796 = tpu.memref_slice %arg4[%add3A_789, %dma_start3A_795] : memref<16384x1024xf32, #tpu.memory_space<hbm>> -> memref<32x1024xf32, #tpu.memory_space<hbm>>
    %dma_start3A_797 = arith.constant 0 : i32
    %dma_start3A_798 = tpu.memref_slice %arg4[%add3A_789, %dma_start3A_797] : memref<16384x1024xf32, #tpu.memory_space<hbm>> -> memref<32x1024xf32, #tpu.memory_space<hbm>>
    %dma_start3A_799 = arith.constant 0 : i32
    %dma_start3A_800 = arith.constant 0 : i32
    %dma_start3A_801 = tpu.memref_slice %arg6[%dma_start3A_790, %dma_start3A_799, %dma_start3A_800] : memref<3x32x1024xf32, #tpu.memory_space<vmem>> -> memref<1x32x1024xf32, #tpu.memory_space<vmem>>
    %dma_start3A_802 = tpu.memref_squeeze %dma_start3A_801 : memref<1x32x1024xf32, #tpu.memory_space<vmem>> -> memref<32x1024xf32, #tpu.memory_space<vmem>>
    tpu.enqueue_dma source(%dma_start3A_802 : memref<32x1024xf32, #tpu.memory_space<vmem>>) target(%dma_start3A_798 : memref<32x1024xf32, #tpu.memory_space<hbm>>) target_semaphore(%arg10 : memref<!tpu.dma_semaphore, #tpu.memory_space<semaphore_mem>>)
    %add3A_803 = arith.constant 416 : i32
    %add3A_804 = arith.addi %mul3A_2, %add3A_803 : i32
    %dma_wait3A_805 = arith.constant 1 : i32
    %dma_wait3A_806 = arith.constant 0 : i32
    %dma_wait3A_807 = arith.constant 0 : i32
    %dma_wait3A_808 = tpu.memref_slice %arg6[%dma_wait3A_805, %dma_wait3A_806, %dma_wait3A_807] : memref<3x32x1024xf32, #tpu.memory_space<vmem>> -> memref<1x32x1024xf32, #tpu.memory_space<vmem>>
    %dma_wait3A_809 = tpu.memref_squeeze %dma_wait3A_808 : memref<1x32x1024xf32, #tpu.memory_space<vmem>> -> memref<32x1024xf32, #tpu.memory_space<vmem>>
    %dma_wait3A_810 = arith.constant 0 : i32
    %dma_wait3A_811 = tpu.memref_slice %arg4[%add3A_804, %dma_wait3A_810] : memref<16384x1024xf32, #tpu.memory_space<hbm>> -> memref<32x1024xf32, #tpu.memory_space<hbm>>
    %dma_wait3A_812 = arith.constant 0 : i32
    %dma_wait3A_813 = tpu.memref_slice %arg4[%add3A_804, %dma_wait3A_812] : memref<16384x1024xf32, #tpu.memory_space<hbm>> -> memref<32x1024xf32, #tpu.memory_space<hbm>>
    %dma_wait3A_814 = arith.constant 0 : i32
    %dma_wait3A_815 = arith.constant 0 : i32
    %dma_wait3A_816 = tpu.memref_slice %arg6[%dma_wait3A_805, %dma_wait3A_814, %dma_wait3A_815] : memref<3x32x1024xf32, #tpu.memory_space<vmem>> -> memref<1x32x1024xf32, #tpu.memory_space<vmem>>
    %dma_wait3A_817 = tpu.memref_squeeze %dma_wait3A_816 : memref<1x32x1024xf32, #tpu.memory_space<vmem>> -> memref<32x1024xf32, #tpu.memory_space<vmem>>
    tpu.wait_dma2 semaphore(%arg11 : memref<!tpu.dma_semaphore, #tpu.memory_space<semaphore_mem>>) src(%dma_wait3A_817 : memref<32x1024xf32, #tpu.memory_space<vmem>>) dst(%dma_wait3A_813 : memref<32x1024xf32, #tpu.memory_space<hbm>>)
    %add3A_818 = arith.constant 448 : i32
    %add3A_819 = arith.addi %mul3A_2, %add3A_818 : i32
    %dma_wait3A_820 = arith.constant 2 : i32
    %dma_wait3A_821 = arith.constant 0 : i32
    %dma_wait3A_822 = arith.constant 0 : i32
    %dma_wait3A_823 = tpu.memref_slice %arg6[%dma_wait3A_820, %dma_wait3A_821, %dma_wait3A_822] : memref<3x32x1024xf32, #tpu.memory_space<vmem>> -> memref<1x32x1024xf32, #tpu.memory_space<vmem>>
    %dma_wait3A_824 = tpu.memref_squeeze %dma_wait3A_823 : memref<1x32x1024xf32, #tpu.memory_space<vmem>> -> memref<32x1024xf32, #tpu.memory_space<vmem>>
    %dma_wait3A_825 = arith.constant 0 : i32
    %dma_wait3A_826 = tpu.memref_slice %arg4[%add3A_819, %dma_wait3A_825] : memref<16384x1024xf32, #tpu.memory_space<hbm>> -> memref<32x1024xf32, #tpu.memory_space<hbm>>
    %dma_wait3A_827 = arith.constant 0 : i32
    %dma_wait3A_828 = tpu.memref_slice %arg4[%add3A_819, %dma_wait3A_827] : memref<16384x1024xf32, #tpu.memory_space<hbm>> -> memref<32x1024xf32, #tpu.memory_space<hbm>>
    %dma_wait3A_829 = arith.constant 0 : i32
    %dma_wait3A_830 = arith.constant 0 : i32
    %dma_wait3A_831 = tpu.memref_slice %arg6[%dma_wait3A_820, %dma_wait3A_829, %dma_wait3A_830] : memref<3x32x1024xf32, #tpu.memory_space<vmem>> -> memref<1x32x1024xf32, #tpu.memory_space<vmem>>
    %dma_wait3A_832 = tpu.memref_squeeze %dma_wait3A_831 : memref<1x32x1024xf32, #tpu.memory_space<vmem>> -> memref<32x1024xf32, #tpu.memory_space<vmem>>
    tpu.wait_dma2 semaphore(%arg12 : memref<!tpu.dma_semaphore, #tpu.memory_space<semaphore_mem>>) src(%dma_wait3A_832 : memref<32x1024xf32, #tpu.memory_space<vmem>>) dst(%dma_wait3A_828 : memref<32x1024xf32, #tpu.memory_space<hbm>>)
    %add3A_833 = arith.constant 480 : i32
    %add3A_834 = arith.addi %mul3A_2, %add3A_833 : i32
    %dma_wait3A_835 = arith.constant 0 : i32
    %dma_wait3A_836 = arith.constant 0 : i32
    %dma_wait3A_837 = arith.constant 0 : i32
    %dma_wait3A_838 = tpu.memref_slice %arg6[%dma_wait3A_835, %dma_wait3A_836, %dma_wait3A_837] : memref<3x32x1024xf32, #tpu.memory_space<vmem>> -> memref<1x32x1024xf32, #tpu.memory_space<vmem>>
    %dma_wait3A_839 = tpu.memref_squeeze %dma_wait3A_838 : memref<1x32x1024xf32, #tpu.memory_space<vmem>> -> memref<32x1024xf32, #tpu.memory_space<vmem>>
    %dma_wait3A_840 = arith.constant 0 : i32
    %dma_wait3A_841 = tpu.memref_slice %arg4[%add3A_834, %dma_wait3A_840] : memref<16384x1024xf32, #tpu.memory_space<hbm>> -> memref<32x1024xf32, #tpu.memory_space<hbm>>
    %dma_wait3A_842 = arith.constant 0 : i32
    %dma_wait3A_843 = tpu.memref_slice %arg4[%add3A_834, %dma_wait3A_842] : memref<16384x1024xf32, #tpu.memory_space<hbm>> -> memref<32x1024xf32, #tpu.memory_space<hbm>>
    %dma_wait3A_844 = arith.constant 0 : i32
    %dma_wait3A_845 = arith.constant 0 : i32
    %dma_wait3A_846 = tpu.memref_slice %arg6[%dma_wait3A_835, %dma_wait3A_844, %dma_wait3A_845] : memref<3x32x1024xf32, #tpu.memory_space<vmem>> -> memref<1x32x1024xf32, #tpu.memory_space<vmem>>
    %dma_wait3A_847 = tpu.memref_squeeze %dma_wait3A_846 : memref<1x32x1024xf32, #tpu.memory_space<vmem>> -> memref<32x1024xf32, #tpu.memory_space<vmem>>
    tpu.wait_dma2 semaphore(%arg10 : memref<!tpu.dma_semaphore, #tpu.memory_space<semaphore_mem>>) src(%dma_wait3A_847 : memref<32x1024xf32, #tpu.memory_space<vmem>>) dst(%dma_wait3A_843 : memref<32x1024xf32, #tpu.memory_space<hbm>>)
    return
  }
}

</mosaic_0001>

<sc_bundles>
// kernel: kernel.3.cloned.1.call-start
scs
__scs_entry_jumppad:
0x0: {  	(pc) =	sbr.rel $0x88, $3  }
0x1: {  	(tag) =	ssettag $0x0;
	lr =	simm.s32 $0x1  }
0x2: {  	[smem:$0x3F9F] =	sst lr;
	_ =	strace $0xD0000000  }
0x3: {  	_ = 	snop  }
0x4: {  	_ = 	snop  }
0x5: {  	_ = 	snop  }
0x6: {  	_ = 	snop  }
0x7: {  	_ = 	snop  }
__scs_overlays_trampoline_lowered:
0x8: {  	[smem:$0x3FAE] =	sst s0  }
0x9: {  	[smem:$0x3FAF] =	sst s1  }
0xa: {  	[smem:$0x3FB0] =	sst s2  }
0xb: {  	[smem:$0x3FB1] =	sst s3  }
0xc: {  	[smem:$0x3FB2] =	sst s4  }
0xd: {  	[smem:$0x3FB3] =	sst s5  }
0xe: {  	[smem:$0x3FB4] =	sst s6  }
0xf: {  	[smem:$0x3FB5] =	sst s7  }
0x10: {  	[smem:$0x3FB6] =	sst s8  }
0x11: {  	[smem:$0x3FB7] =	sst s9;
	s0 =	simm.s32 @!p0 $0x0  }
0x12: {  	s1 =	sld [smem:$0x3F9D];
	s0 =	simm.s32 @p0 $0x1  }
0x13: {  	[smem:$0x3FB8] =	sst s0;
	s0 =	simm.s32 @!p1 $0x0  }
0x14: {  	s2 =	sld [smem:$0x3F9C];
	s0 =	simm.s32 @p1 $0x1  }
0x15: {  	[smem:$0x3FB9] =	sst s0;
	s0 =	simm.s32 @!p2 $0x0  }
0x16: {  	s3 =	sld [smem:$0x3FDB];
	s0 =	simm.s32 @p2 $0x1  }
0x17: {  	s4 =	simm.s32 $0x1BF5;
	[smem:$0x3FBB] =	sst s0  }
0x18: {  	s0 =	sld [smem:$0x3F9E];
	_ =	swait.ge [sflag:s4], $0x0  }
0x19: {  	s7 =	sld [smem:$0x3F9F]  }
0x1a: {  	s8 =	sadd.s32 $0xFFFFE003, lr  }
0x1b: {  	s9 =	sadd.s32 $0xFFFFFEF7, lr;
	s5 =	simm.s32 $0xFFFFFFFF;
	p2 =	slt.u32 s8, $0xFFFFF086  }
0x1c: {  	p1 =	slt.u32 s9, $0xF7A;
	s5 =	simm.s32 @!p2 $0x0  }
0x1d: {  	s5 =	simm.s32 @p1 $0x1;
	p0 =	seq.s32 s7, s2  }
0x1e: {  	s7 =	smul.u32 @!p0 $0xF7A, s2;
	p2 =	seq.s32 @!p0 s5, $0x0  }
0x1f: {  	s9 =	smul.u32 $0xF7A, s1;
	s8 =	simm.s32 @!p0 $0x1BF5;
	p2 =	por !p2, p0  }
0x20: {  	[sflag:s8] =	ssyncset.s32 @!p0 $0xFFFFF086;
	s6 =	sadd.s32 @!p0 s3, s7;
	s7 =	simm.s32 @!p0 $0x108  }
0x21: {  	s3 =	sadd.s32 s3, s9;
	s6 =	sadd.s32 @!p0 $0x88, s6;
	s7 =	simm.s32 @p2 $0x1082  }
0x22: {  	[simem:s7], [sflag:s8] =	dma.local @!p0 [hbm:s6], $0xF7A  }
0x23: {  	s9 =	sor.u32 $0xD0000000, s2;
	s6 =	simm.s32 $0x108;
	_ =	swait.ge @!p0 [sflag:s8], $0x0  }
0x24: {  	s3 =	sadd.s32 $0x88, s3;
	s6 =	simm.s32 @!p1 $0x1082;
	[sflag:s4] =	ssyncset.s32 $0xFFFFF086  }
0x25: {  	[simem:s6], [sflag:s4] =	dma.local [hbm:s3], $0xF7A  }
0x26: {  	[smem:$0x3F9F] =	sst s1;
	(tag) =	ssettag s2;
	_ =	strace s9  }
0x27: {  	s1 =	sld [smem:$0x3FAF]  }
0x28: {  	s2 =	sld [smem:$0x3FB0]  }
0x29: {  	s4 =	sld [smem:$0x3FB2]  }
0x2a: {  	p0 =	seq.s32 s5, $0x0;
	s5 =	sld [smem:$0x3FB3]  }
0x2b: {  	s6 =	sld [smem:$0x3FB4]  }
0x2c: {  	s7 =	sld [smem:$0x3FB5]  }
0x2d: {  	s3 =	simm.s32 $0x108;
	s8 =	sld [smem:$0x3FB6]  }
0x2e: {  	s3 =	simm.s32 @!p0 $0x1082;
	s9 =	sld [smem:$0x3FB7]  }
0x2f: {  	lr =	sadd.s32 s0, s3;
	s0 =	sld [smem:$0x3FAE]  }
0x30: {  	s3 =	sld [smem:$0x3FB1]  }
0x31: {  	[smem:$0x3FBA] =	sst s10  }
0x32: {  	s10 =	sld [smem:$0x3FB8];
	_ =	sdelay $0x3  }
0x33: {  	p0 =	seq.s32 s10, $0x1;
	s10 =	sld [smem:$0x3FBA];
	_ =	sdelay $0x3  }
0x34: {  	[smem:$0x3FBA] =	sst s10  }
0x35: {  	s10 =	sld [smem:$0x3FB9];
	_ =	sdelay $0x3  }
0x36: {  	p1 =	seq.s32 s10, $0x1;
	s10 =	sld [smem:$0x3FBA];
	_ =	sdelay $0x3  }
0x37: {  	[smem:$0x3FBA] =	sst s10  }
0x38: {  	s10 =	sld [smem:$0x3FBB]  }
0x39: {  	_ = 	snop;
	(pc) =	sbr.ind lr, $3  }
0x3a: {  	_ = 	snop  }
0x3b: {  	_ = 	snop  }
0x3c: {  	p2 =	seq.s32 s10, $0x1;
	s10 =	sld [smem:$0x3FBA]  }
0x3d: {  	_ =	shalt  }
0x3e: {  	_ =	shalt  }
0x3f: {  	_ =	shalt  }
0x40: {  	_ =	shalt  }
0x41: {  	_ =	shalt  }
0x42: {  	_ =	shalt  }
0x43: {  	_ =	shalt  }
0x44: {  	_ =	shalt  }
0x45: {  	_ =	shalt  }
0x46: {  	_ =	shalt  }
0x47: {  	_ =	shalt  }
0x48: {  	_ =	shalt  }
0x49: {  	_ =	shalt  }
0x4a: {  	_ =	shalt  }
0x4b: {  	_ =	shalt  }
0x4c: {  	_ =	shalt  }
0x4d: {  	_ =	shalt  }
0x4e: {  	_ =	shalt  }
0x4f: {  	_ =	shalt  }
0x50: {  	_ =	shalt  }
0x51: {  	_ =	shalt  }
0x52: {  	_ =	shalt  }
0x53: {  	_ =	shalt  }
0x54: {  	_ =	shalt  }
0x55: {  	_ =	shalt  }
0x56: {  	_ =	shalt  }
0x57: {  	_ =	shalt  }
0x58: {  	_ =	shalt  }
0x59: {  	_ =	shalt  }
0x5a: {  	_ =	shalt  }
0x5b: {  	_ =	shalt  }
0x5c: {  	_ =	shalt  }
0x5d: {  	_ =	shalt  }
0x5e: {  	_ =	shalt  }
0x5f: {  	_ =	shalt  }
0x60: {  	_ =	shalt  }
0x61: {  	_ =	shalt  }
0x62: {  	_ =	shalt  }
0x63: {  	_ =	shalt  }
0x64: {  	_ =	shalt  }
0x65: {  	_ =	shalt  }
0x66: {  	_ =	shalt  }
0x67: {  	_ =	shalt  }
0x68: {  	_ =	shalt  }
0x69: {  	_ =	shalt  }
0x6a: {  	_ =	shalt  }
0x6b: {  	_ =	shalt  }
0x6c: {  	_ =	shalt  }
0x6d: {  	_ =	shalt  }
0x6e: {  	_ =	shalt  }
0x6f: {  	_ =	shalt  }
0x70: {  	_ =	shalt  }
0x71: {  	_ =	shalt  }
0x72: {  	_ =	shalt  }
0x73: {  	_ =	shalt  }
0x74: {  	_ =	shalt  }
0x75: {  	_ =	shalt  }
0x76: {  	_ =	shalt  }
0x77: {  	_ =	shalt  }
0x78: {  	_ =	shalt  }
0x79: {  	_ =	shalt  }
0x7a: {  	_ =	shalt  }
0x7b: {  	_ =	shalt  }
0x7c: {  	_ =	shalt  }
0x7d: {  	_ =	shalt  }
0x7e: {  	_ =	shalt  }
0x7f: {  	_ =	shalt  }
0x80: {  	_ =	shalt  }
0x81: {  	_ =	shalt  }
0x82: {  	_ =	shalt  }
0x83: {  	_ =	shalt  }
0x84: {  	_ =	shalt  }
0x85: {  	_ =	shalt  }
0x86: {  	_ =	shalt  }
0x87: {  	_ =	shalt  }
.Lfunc_end0:
.L_simem_size_0:
called_computation_lowered:
.L_overlay_start_0:
0x88: {  	s2 =	sld [smem:$0x3FD9]  }
0x89: {  	s3 =	sld [smem:$0x3FFE];
	_ =	sdelay $0x1  }
0x8a: {  	s1 =	srdreg.scid  }
0x8b: {  	s0 =	sand.u32 $0x1, s1  }
0x8c: {  	s17 =	sshll.u32 s0, $0xA;
	s2 =	sadd.s32 s3, s2  }
0x8d: {  	s2 =	sadd.s32 s2, s17  }
0x8e: {  	[smem:$0x3FC6] =	sst s2  }
0x8f: {  	_ = 	snop  }
0x90: {  	s2 =	sld [smem:$0x3FC8]  }
0x91: {  	s18 =	sld [smem:$0x3FD0];
	(tm) =	ssettm $0x1  }
0x92: {  	s4 =	sld [smem:$0x3FFB];
	_ =	sdelay $0x3  }
0x93: {  	_ =	strace s4  }
0x94: {  	s4 =	sld [smem:$0x3FFC];
	_ =	sdelay $0x3  }
0x95: {  	_ =	strace s4  }
0x96: {  	s4 =	sld [smem:$0x3FFD];
	_ =	sdelay $0x3  }
0x97: {  	_ =	strace s4  }
0x98: {  	_ =	strace $0x8FFFFFFF  }
0x99: {  	s19 =	sld [smem:$0x3FDB];
	_ =	sdelay $0x1  }
0x9a: {  	s5 =	simm.s32 $_scs_section_size  }
0x9b: {  	s6 =	simm.s32 $_size__tile_overlayer_lowered;
	s7 =	simm.s32 $_tile_overlayer_lowered  }
0x9c: {  	s22 =	simm.s32 $0x1BFF;
	s21 =	sshll.u32 s7, $0x1;
	s4 =	sadd.s32 s5, s19  }
0x9d: {  	s8 =	simm.s32 $0x0;
	s20 =	sshll.u32 s6, $0x1;
	s6 =	sadd.s32 s21, s4  }
0x9e: {  	[timem:s8], [sflag:s22] =	dma.local [hbm:s6], s20  }
0x9f: {  	_ =	swait.ge [sflag:s22], s20  }
0xa0: {  	s5 =	ssub.s32 $0x0, s20;
	[sflag:s22] =	ssyncset.done $0x0  }
0xa1: {  	[sflag:s22] =	ssyncadd.s32 s5;
	_ =	sdelay $0x1  }
0xa2: {  	s23 =	simm.s32 $0x1B8B  }
0xa3: {  	_ =	swait.ge [sflag:s23], $0x1  }
0xa4: {  	[sflag:s23] =	ssyncset.done $0x0  }
0xa5: {  	s25 =	simm.s32 $0x1B8E;
	s24 =	sld [smem:$0x3FFE];
	[sflag:s23] =	ssyncadd.s32 $0xFFFFFFFF  }
0xa6: {  	s26 =	simm.s32 $execute0_lowered;
	[smem:$0x3FD2] =	sst s25  }
0xa7: {  	s6 =	sshll.u32 s26, $0x1;
	_ =	strace $0x80000046;
	[dreg:$0x1] =	wrdreg $0xFFFFFFFF  }
0xa8: {  	s28 =	simm.s32 $_size_execute0_lowered;
	s4 =	sadd.s32 s4, s6;
	[dreg:$0x0] =	wrdreg $0x0  }
0xa9: {  	s6 =	sshll.u32 s28, $0x1;
	[dreg:$0x2] =	wrdreg s4  }
0xaa: {  	[dreg:$0x3] =	wrdreg s6  }
0xab: {  	[dreg:$0x4] =	wrdreg $0xC0  }
0xac: {  	_ =	task [dreg:s8], $0x5FFFF  }
0xad: {  	[dreg:$0x1] =	wrdreg $0xFFFFFFFF  }
0xae: {  	[dreg:$0x0] =	wrdreg $0x60  }
0xaf: {  	[dreg:$0x2] =	wrdreg s2  }
0xb0: {  	[dreg:$0x3] =	wrdreg s24  }
0xb1: {  	[dreg:$0x4] =	wrdreg s18  }
0xb2: {  	[dreg:$0x5] =	wrdreg $0x9  }
0xb3: {  	_ =	task.clear_ibuf [dreg:s8], $0x6FFFF;
	_ =	strace $0x90000046  }
0xb4: {  	s29 =	simm.s32 $0x9;
	_ =	strace $0x80000048  }
0xb5: {  	_ =	swait.ge [sflag:s29], $0x1  }
0xb6: {  	[sflag:s29] =	ssyncadd.s32 $0xFFFFFFFF  }
0xb7: {  	_ =	strace $0x90000048  }
0xb8: {  	_ =	sfence  }
0xb9: {  	s30 =	sld [smem:$0x0];
	_ =	sdelay $0x2  }
0xba: {  	s31 =	sshll.u32 s1, $0xD;
	s1 =	sshrl.u32 s1, $0x2  }
0xbb: {  	s3 =	sand.u32 $0x4000, s31;
	s1 =	sadd.s32 s1, s30  }
0xbc: {  	s0 =	sor.u32 s3, s0;
	s1 =	sshll.u32 s1, $0x11  }
0xbd: {  	s0 =	sor.u32 s1, s0  }
0xbe: {  	s0 =	sadd.s32 $0x8F2B, s0  }
0xbf: {  	[sflag:s0] =	ssyncadd.remote.s32 $0x1  }
0xc0: {  	_ =	sfence.sel $0xFFFF  }
0xc1: {  	[dreg:$0x0] =	wrdreg $0xFFFFFFFF;
	(pc) =	sbr.abs _section_cstart, $3  }
0xc2: {  	[dreg:$0x1] =	wrdreg $0xFFFFFFFF  }
0xc3: {  	_ =	task.clear_ibuf [dreg:s8], $0x2FFFF;
	_ =	strace $0x9FFFFFFF  }
0xc4: {  	(tm) =	ssettm $0x7FFFFFFF  }
0xc5: {  	_ =	shalt  }
tec
execute0_lowered:
.L_overlay_start_1:
0x0: {  	(tag) =	ssettag $0x1  }
0x1: {  	s2 =	rddreg [dreg:$0x0]  }
0x2: {  	s0 =	rddreg [dreg:$0x1];
	s1 =	srdreg.scid  }
0x3: {  	s4 =	rddreg [dreg:$0x2];
	s3 =	stileid.u32;
	s1 =	sand.u32 $0x1, s1  }
0x4: {  	s5 =	sshll.u32 s3, $0xA;
	s6 =	sshll.u32 s1, $0x9;
	s1 =	ssub.s32 $0x2, s1  }
0x5: {  	s3 =	simm.s32 $0x0;
	s6 =	sor.u32 s6, s5;
	s7 =	sshrl.u32 s1, $0x1  }
0x6: {  	[smem:$0x7FF] =	sst s3;
	s5 =	sshrl.u32 s6, $0x3;
	s1 =	ssub.s32 s1, s7  }
0x7: {  	_ =	strace $0x80000047;
	s0 =	sadd.s32 s5, s0;
	s31 =	smax.u32 s1, $0x1  }
0x8: {  	s16 =	sshll.u32 s6, $0x7;
	s0 =	sadd.s32 $0x400, s0;
	[dreg:$0x15] =	wrdreg s31  }
0x9: {  	[dreg:$0x4] =	wrdreg s0;
	s0 =	sadd.s32 s4, s16  }
0xa: {  	s4 =	sadd.s32 $0x1000, s0;
	[dreg:$0x5] =	wrdreg s0  }
0xb: {  	s17 =	sadd.s32 $0x2000, s0;
	[dreg:$0x6] =	wrdreg s4  }
0xc: {  	s18 =	sadd.s32 $0x3000, s0;
	[dreg:$0x7] =	wrdreg s17  }
0xd: {  	s9 =	simm.s32 $0x4200;
	s19 =	sadd.s32 $0x4000, s0;
	[dreg:$0x8] =	wrdreg s18  }
0xe: {  	s10 =	simm.s32 $0x4A00;
	s20 =	sadd.s32 $0x5000, s0;
	[dreg:$0x9] =	wrdreg s19  }
0xf: {  	s11 =	simm.s32 $0x5200;
	s21 =	sadd.s32 $0x6000, s0;
	[dreg:$0xa] =	wrdreg s20  }
0x10: {  	s12 =	simm.s32 $0x5A00;
	s22 =	sadd.s32 $0x7000, s0;
	[dreg:$0xb] =	wrdreg s21  }
0x11: {  	s13 =	simm.s32 $0x6200;
	s23 =	sadd.s32 $0x8000, s0;
	[dreg:$0xc] =	wrdreg s22  }
0x12: {  	s14 =	simm.s32 $0x6A00;
	s24 =	sadd.s32 $0x9000, s0;
	[dreg:$0xd] =	wrdreg s23  }
0x13: {  	s15 =	simm.s32 $0x7200;
	s25 =	sadd.s32 $0xA000, s0;
	[dreg:$0xe] =	wrdreg s24  }
0x14: {  	s8 =	simm.s32 $0x10200;
	s26 =	sadd.s32 $0xB000, s0;
	[dreg:$0xf] =	wrdreg s25  }
0x15: {  	s6 =	sadd.s32 $0x200, s2;
	s28 =	sadd.s32 $0xC000, s0;
	[dreg:$0x10] =	wrdreg s26  }
0x16: {  	s7 =	sadd.s32 $0x300, s2;
	s29 =	sadd.s32 $0xD000, s0;
	[dreg:$0x11] =	wrdreg s28  }
0x17: {  	s5 =	sadd.s32 $0x100, s2;
	s30 =	sadd.s32 $0xE000, s0;
	[dreg:$0x12] =	wrdreg s29  }
0x18: {  	s1 =	simm.s32 $0x3200;
	s0 =	sadd.s32 $0xF000, s0;
	[dreg:$0x13] =	wrdreg s30  }
0x19: {  	s16 =	simm.s32 $0x7A00;
	[dreg:$0x14] =	wrdreg s0;
	s26 =	simm.s32 $0x200  }
0x1a: {  	v2 =	vlaneseq.u32;
	s4 =	simm.s32 $0x3A00;
	s17 =	simm.s32 $0x8200;
	s24 =	simm.s32 $0x1  }
0x1b: {  	vm0 =	vmmov $0xffff;
	v1 =	vshrl.u32 v2, $0x3;
	s18 =	simm.s32 $0x2;
	s19 =	simm.s32 $0x4;
	s20 =	simm.s32 $0x3  }
0x1c: {  	v0 =	vand.u32 $0x7, v2;
	v2 =	vor.u32 $0x8, v2;
	v1 =	vmul.u32 $0x8, v1;
	s21 =	simm.s32 $0x5;
	s22 =	simm.s32 $0x6;
	s23 =	simm.s32 $0x0  }
.LBB2_1:
0x1d: {  	s0 =	rddreg [dreg:$0x4];
	s25 =	simm.s32 $0x7  }
0x1e: {  	[tilespmem:s3], [sflag:$0x7] =	stream.linear.gather [hbm4b:s0+s3], $0x200, $0x38;
	[tilespmem:$0x18200] =	vst v63  }
0x1f: {  	_ =	swait.ge [sflag:s25], $0x200  }
0x20: {  	[sflag:s25] =	ssyncset.done $0x0  }
0x21: {  	[sflag:s25] =	ssyncadd.s32 $0xFFFFFE00  }
0x22: {  	v3 =	vld [tilespmem:$0x0];
	_ =	sdelay $0x4  }
0x23: {  	v4 =	vshll.u32 v3, $0x3  }
0x24: {  	v3 =	vand.u32 $0x7, v3;
	v4 =	vand.u32 $0xFFFFFFC0, v4  }
0x25: {  	v3 =	vor.u32 v3, v4  }
0x26: {  	v4 =	vperm.xlane v3, v0;
	_ =	sdelay $0x1  }
0x27: {  	v4 =	vadd.s32 v1, v4;
	_ =	sdelay $0x4  }
0x28: {  	[tilespmem:s26], [sflag:$0x1] =	stream.indirect_vreg.gather [hbm4b:s2+s3], $0x80, v4, vm0, $0xb8;
	[tilespmem:$0x18200] =	vst v63  }
0x29: {  	s30 =	simm.s32 $0xA00;
	v3 =	vperm.xlane v3, v2  }
0x2a: {  	[tilespmem:s30], [sflag:$0x1] =	stream.indirect_vreg.gather [hbm4b:s5+s3], $0x80, v4, vm0, $0xb8;
	[tilespmem:$0x18200] =	vst v63  }
0x2b: {  	s31 =	simm.s32 $0x1200;
	v3 =	vadd.s32 v1, v3  }
0x2c: {  	[tilespmem:s31], [sflag:$0x1] =	stream.indirect_vreg.gather [hbm4b:s6+s3], $0x80, v4, vm0, $0xb8;
	[tilespmem:$0x18200] =	vst v63  }
0x2d: {  	s25 =	simm.s32 $0x1A00  }
0x2e: {  	[tilespmem:s25], [sflag:$0x1] =	stream.indirect_vreg.gather [hbm4b:s7+s3], $0x80, v4, vm0, $0xb8;
	[tilespmem:$0x18200] =	vst v63  }
0x2f: {  	s30 =	simm.s32 $0x2200  }
0x30: {  	[tilespmem:s30], [sflag:$0x1] =	stream.indirect_vreg.gather [hbm4b:s2+s3], $0x80, v3, vm0, $0xb8;
	[tilespmem:$0x18200] =	vst v63  }
0x31: {  	s31 =	simm.s32 $0x2A00  }
0x32: {  	[tilespmem:s31], [sflag:$0x1] =	stream.indirect_vreg.gather [hbm4b:s5+s3], $0x80, v3, vm0, $0xb8;
	[tilespmem:$0x18200] =	vst v63  }
0x33: {  	_ = 	snop  }
0x34: {  	[tilespmem:s1], [sflag:$0x1] =	stream.indirect_vreg.gather [hbm4b:s6+s3], $0x80, v3, vm0, $0xb8;
	[tilespmem:$0x18200] =	vst v63  }
0x35: {  	_ = 	snop  }
0x36: {  	[tilespmem:s4], [sflag:$0x1] =	stream.indirect_vreg.gather [hbm4b:s7+s3], $0x80, v3, vm0, $0xb8;
	[tilespmem:$0x18200] =	vst v63  }
0x37: {  	v3 =	vld [tilespmem:$0x10];
	_ =	sdelay $0x4  }
0x38: {  	v59 =	vshll.u32 v3, $0x3  }
0x39: {  	v3 =	vand.u32 $0x7, v3;
	v4 =	vand.u32 $0xFFFFFFC0, v59  }
0x3a: {  	v3 =	vor.u32 v3, v4  }
0x3b: {  	v4 =	vperm.xlane v3, v0;
	_ =	sdelay $0x1  }
0x3c: {  	v4 =	vadd.s32 v1, v4;
	_ =	sdelay $0x4  }
0x3d: {  	[tilespmem:s9], [sflag:$0x1] =	stream.indirect_vreg.gather [hbm4b:s2+s3], $0x80, v4, vm0, $0xb8;
	[tilespmem:$0x18200] =	vst v63  }
0x3e: {  	v3 =	vperm.xlane v3, v2  }
0x3f: {  	[tilespmem:s10], [sflag:$0x1] =	stream.indirect_vreg.gather [hbm4b:s5+s3], $0x80, v4, vm0, $0xb8;
	[tilespmem:$0x18200] =	vst v63  }
0x40: {  	v3 =	vadd.s32 v1, v3  }
0x41: {  	[tilespmem:s11], [sflag:$0x1] =	stream.indirect_vreg.gather [hbm4b:s6+s3], $0x80, v4, vm0, $0xb8;
	[tilespmem:$0x18200] =	vst v63  }
0x42: {  	_ = 	snop  }
0x43: {  	[tilespmem:s12], [sflag:$0x1] =	stream.indirect_vreg.gather [hbm4b:s7+s3], $0x80, v4, vm0, $0xb8;
	[tilespmem:$0x18200] =	vst v63  }
0x44: {  	_ = 	snop  }
0x45: {  	[tilespmem:s13], [sflag:$0x1] =	stream.indirect_vreg.gather [hbm4b:s2+s3], $0x80, v3, vm0, $0xb8;
	[tilespmem:$0x18200] =	vst v63  }
0x46: {  	_ = 	snop  }
0x47: {  	[tilespmem:s14], [sflag:$0x1] =	stream.indirect_vreg.gather [hbm4b:s5+s3], $0x80, v3, vm0, $0xb8;
	[tilespmem:$0x18200] =	vst v63  }
0x48: {  	_ = 	snop  }
0x49: {  	[tilespmem:s15], [sflag:$0x1] =	stream.indirect_vreg.gather [hbm4b:s6+s3], $0x80, v3, vm0, $0xb8;
	[tilespmem:$0x18200] =	vst v63  }
0x4a: {  	_ = 	snop  }
0x4b: {  	[tilespmem:s16], [sflag:$0x1] =	stream.indirect_vreg.gather [hbm4b:s7+s3], $0x80, v3, vm0, $0xb8;
	[tilespmem:$0x18200] =	vst v63  }
0x4c: {  	v3 =	vld [tilespmem:$0x20];
	_ =	sdelay $0x4  }
0x4d: {  	v60 =	vshll.u32 v3, $0x3  }
0x4e: {  	v3 =	vand.u32 $0x7, v3;
	v4 =	vand.u32 $0xFFFFFFC0, v60  }
0x4f: {  	v3 =	vor.u32 v3, v4  }
0x50: {  	v4 =	vperm.xlane v3, v0;
	_ =	sdelay $0x1  }
0x51: {  	v4 =	vadd.s32 v1, v4;
	_ =	sdelay $0x4  }
0x52: {  	[tilespmem:s17], [sflag:$0x2] =	stream.indirect_vreg.gather [hbm4b:s2+s3], $0x80, v4, vm0, $0xb8;
	[tilespmem:$0x18200] =	vst v63  }
0x53: {  	s25 =	simm.s32 $0x8A00;
	v3 =	vperm.xlane v3, v2  }
0x54: {  	[tilespmem:s25], [sflag:$0x2] =	stream.indirect_vreg.gather [hbm4b:s5+s3], $0x80, v4, vm0, $0xb8;
	[tilespmem:$0x18200] =	vst v63  }
0x55: {  	s30 =	simm.s32 $0x9200;
	v3 =	vadd.s32 v1, v3  }
0x56: {  	[tilespmem:s30], [sflag:$0x2] =	stream.indirect_vreg.gather [hbm4b:s6+s3], $0x80, v4, vm0, $0xb8;
	[tilespmem:$0x18200] =	vst v63  }
0x57: {  	s31 =	simm.s32 $0x9A00  }
0x58: {  	[tilespmem:s31], [sflag:$0x2] =	stream.indirect_vreg.gather [hbm4b:s7+s3], $0x80, v4, vm0, $0xb8;
	[tilespmem:$0x18200] =	vst v63  }
0x59: {  	s25 =	simm.s32 $0xA200  }
0x5a: {  	[tilespmem:s25], [sflag:$0x2] =	stream.indirect_vreg.gather [hbm4b:s2+s3], $0x80, v3, vm0, $0xb8;
	[tilespmem:$0x18200] =	vst v63  }
0x5b: {  	s30 =	simm.s32 $0xAA00  }
0x5c: {  	[tilespmem:s30], [sflag:$0x2] =	stream.indirect_vreg.gather [hbm4b:s5+s3], $0x80, v3, vm0, $0xb8;
	[tilespmem:$0x18200] =	vst v63  }
0x5d: {  	s31 =	simm.s32 $0xB200  }
0x5e: {  	[tilespmem:s31], [sflag:$0x2] =	stream.indirect_vreg.gather [hbm4b:s6+s3], $0x80, v3, vm0, $0xb8;
	[tilespmem:$0x18200] =	vst v63  }
0x5f: {  	s25 =	simm.s32 $0xBA00  }
0x60: {  	[tilespmem:s25], [sflag:$0x2] =	stream.indirect_vreg.gather [hbm4b:s7+s3], $0x80, v3, vm0, $0xb8;
	[tilespmem:$0x18200] =	vst v63  }
0x61: {  	v3 =	vld [tilespmem:$0x30];
	_ =	sdelay $0x4  }
0x62: {  	v61 =	vshll.u32 v3, $0x3  }
0x63: {  	v3 =	vand.u32 $0x7, v3;
	v4 =	vand.u32 $0xFFFFFFC0, v61  }
0x64: {  	v3 =	vor.u32 v3, v4  }
0x65: {  	v4 =	vperm.xlane v3, v0;
	_ =	sdelay $0x1  }
0x66: {  	v4 =	vadd.s32 v1, v4;
	_ =	sdelay $0x3  }
0x67: {  	s30 =	simm.s32 $0xC200  }
0x68: {  	[tilespmem:s30], [sflag:$0x2] =	stream.indirect_vreg.gather [hbm4b:s2+s3], $0x80, v4, vm0, $0xb8;
	[tilespmem:$0x18200] =	vst v63  }
0x69: {  	s31 =	simm.s32 $0xCA00;
	v3 =	vperm.xlane v3, v2  }
0x6a: {  	[tilespmem:s31], [sflag:$0x2] =	stream.indirect_vreg.gather [hbm4b:s5+s3], $0x80, v4, vm0, $0xb8;
	[tilespmem:$0x18200] =	vst v63  }
0x6b: {  	s25 =	simm.s32 $0xD200;
	v3 =	vadd.s32 v1, v3  }
0x6c: {  	[tilespmem:s25], [sflag:$0x2] =	stream.indirect_vreg.gather [hbm4b:s6+s3], $0x80, v4, vm0, $0xb8;
	[tilespmem:$0x18200] =	vst v63  }
0x6d: {  	s30 =	simm.s32 $0xDA00  }
0x6e: {  	[tilespmem:s30], [sflag:$0x2] =	stream.indirect_vreg.gather [hbm4b:s7+s3], $0x80, v4, vm0, $0xb8;
	[tilespmem:$0x18200] =	vst v63  }
0x6f: {  	s31 =	simm.s32 $0xE200  }
0x70: {  	[tilespmem:s31], [sflag:$0x2] =	stream.indirect_vreg.gather [hbm4b:s2+s3], $0x80, v3, vm0, $0xb8;
	[tilespmem:$0x18200] =	vst v63  }
0x71: {  	s25 =	simm.s32 $0xEA00  }
0x72: {  	[tilespmem:s25], [sflag:$0x2] =	stream.indirect_vreg.gather [hbm4b:s5+s3], $0x80, v3, vm0, $0xb8;
	[tilespmem:$0x18200] =	vst v63  }
0x73: {  	s30 =	simm.s32 $0xF200  }
0x74: {  	[tilespmem:s30], [sflag:$0x2] =	stream.indirect_vreg.gather [hbm4b:s6+s3], $0x80, v3, vm0, $0xb8;
	[tilespmem:$0x18200] =	vst v63  }
0x75: {  	s31 =	simm.s32 $0xFA00  }
0x76: {  	[tilespmem:s31], [sflag:$0x2] =	stream.indirect_vreg.gather [hbm4b:s7+s3], $0x80, v3, vm0, $0xb8;
	[tilespmem:$0x18200] =	vst v63  }
0x77: {  	_ =	swait.ge [sflag:s24], $0x8000  }
0x78: {  	[sflag:s24] =	ssyncset.done $0x0  }
0x79: {  	[sflag:s24] =	ssyncadd.s32 $0xFFFF8000  }
0x7a: {  	v3 =	vld [tilespmem:$0x40];
	_ =	sdelay $0x4  }
0x7b: {  	v62 =	vshll.u32 v3, $0x3  }
0x7c: {  	v3 =	vand.u32 $0x7, v3;
	v4 =	vand.u32 $0xFFFFFFC0, v62  }
0x7d: {  	v3 =	vor.u32 v3, v4  }
0x7e: {  	v4 =	vperm.xlane v3, v0;
	_ =	sdelay $0x1  }
0x7f: {  	v4 =	vadd.s32 v1, v4;
	_ =	sdelay $0x4  }
0x80: {  	[tilespmem:s8], [sflag:$0x3] =	stream.indirect_vreg.gather [hbm4b:s2+s3], $0x80, v4, vm0, $0xb8;
	[tilespmem:$0x18200] =	vst v63  }
0x81: {  	s25 =	simm.s32 $0x10A00;
	v3 =	vperm.xlane v3, v2  }
0x82: {  	[tilespmem:s25], [sflag:$0x3] =	stream.indirect_vreg.gather [hbm4b:s5+s3], $0x80, v4, vm0, $0xb8;
	[tilespmem:$0x18200] =	vst v63  }
0x83: {  	s30 =	simm.s32 $0x11200;
	v3 =	vadd.s32 v1, v3  }
0x84: {  	[tilespmem:s30], [sflag:$0x3] =	stream.indirect_vreg.gather [hbm4b:s6+s3], $0x80, v4, vm0, $0xb8;
	[tilespmem:$0x18200] =	vst v63  }
0x85: {  	s31 =	simm.s32 $0x11A00  }
0x86: {  	[tilespmem:s31], [sflag:$0x3] =	stream.indirect_vreg.gather [hbm4b:s7+s3], $0x80, v4, vm0, $0xb8;
	[tilespmem:$0x18200] =	vst v63  }
0x87: {  	s25 =	simm.s32 $0x12200  }
0x88: {  	[tilespmem:s25], [sflag:$0x3] =	stream.indirect_vreg.gather [hbm4b:s2+s3], $0x80, v3, vm0, $0xb8;
	[tilespmem:$0x18200] =	vst v63  }
0x89: {  	s30 =	simm.s32 $0x12A00  }
0x8a: {  	[tilespmem:s30], [sflag:$0x3] =	stream.indirect_vreg.gather [hbm4b:s5+s3], $0x80, v3, vm0, $0xb8;
	[tilespmem:$0x18200] =	vst v63  }
0x8b: {  	s31 =	simm.s32 $0x13200  }
0x8c: {  	[tilespmem:s31], [sflag:$0x3] =	stream.indirect_vreg.gather [hbm4b:s6+s3], $0x80, v3, vm0, $0xb8;
	[tilespmem:$0x18200] =	vst v63  }
0x8d: {  	s25 =	simm.s32 $0x13A00  }
0x8e: {  	[tilespmem:s25], [sflag:$0x3] =	stream.indirect_vreg.gather [hbm4b:s7+s3], $0x80, v3, vm0, $0xb8;
	[tilespmem:$0x18200] =	vst v63  }
0x8f: {  	v3 =	vld [tilespmem:$0x50];
	_ =	sdelay $0x4  }
0x90: {  	v63 =	vshll.u32 v3, $0x3  }
0x91: {  	v3 =	vand.u32 $0x7, v3;
	v4 =	vand.u32 $0xFFFFFFC0, v63  }
0x92: {  	v3 =	vor.u32 v3, v4  }
0x93: {  	v4 =	vperm.xlane v3, v0;
	_ =	sdelay $0x1  }
0x94: {  	v4 =	vadd.s32 v1, v4;
	_ =	sdelay $0x3  }
0x95: {  	s30 =	simm.s32 $0x14200  }
0x96: {  	[tilespmem:s30], [sflag:$0x3] =	stream.indirect_vreg.gather [hbm4b:s2+s3], $0x80, v4, vm0, $0xb8;
	[tilespmem:$0x18200] =	vst v63  }
0x97: {  	s31 =	simm.s32 $0x14A00;
	v3 =	vperm.xlane v3, v2  }
0x98: {  	[tilespmem:s31], [sflag:$0x3] =	stream.indirect_vreg.gather [hbm4b:s5+s3], $0x80, v4, vm0, $0xb8;
	[tilespmem:$0x18200] =	vst v63  }
0x99: {  	s25 =	simm.s32 $0x15200;
	v3 =	vadd.s32 v1, v3  }
0x9a: {  	[tilespmem:s25], [sflag:$0x3] =	stream.indirect_vreg.gather [hbm4b:s6+s3], $0x80, v4, vm0, $0xb8;
	[tilespmem:$0x18200] =	vst v63  }
0x9b: {  	s30 =	simm.s32 $0x15A00  }
0x9c: {  	[tilespmem:s30], [sflag:$0x3] =	stream.indirect_vreg.gather [hbm4b:s7+s3], $0x80, v4, vm0, $0xb8;
	[tilespmem:$0x18200] =	vst v63  }
0x9d: {  	s31 =	simm.s32 $0x16200  }
0x9e: {  	[tilespmem:s31], [sflag:$0x3] =	stream.indirect_vreg.gather [hbm4b:s2+s3], $0x80, v3, vm0, $0xb8;
	[tilespmem:$0x18200] =	vst v63  }
0x9f: {  	s25 =	simm.s32 $0x16A00  }
0xa0: {  	[tilespmem:s25], [sflag:$0x3] =	stream.indirect_vreg.gather [hbm4b:s5+s3], $0x80, v3, vm0, $0xb8;
	[tilespmem:$0x18200] =	vst v63  }
0xa1: {  	s28 =	simm.s32 $0x0;
	s30 =	simm.s32 $0x17200  }
0xa2: {  	[tilespmem:s30], [sflag:$0x3] =	stream.indirect_vreg.gather [hbm4b:s6+s3], $0x80, v3, vm0, $0xb8;
	[tilespmem:$0x18200] =	vst v63  }
0xa3: {  	s29 =	simm.s32 $0x0;
	s31 =	simm.s32 $0x17A00;
	s25 =	simm.s32 $0x0  }
0xa4: {  	[tilespmem:s31], [sflag:$0x3] =	stream.indirect_vreg.gather [hbm4b:s7+s3], $0x80, v3, vm0, $0xb8;
	[tilespmem:$0x18200] =	vst v63  }
.LBB2_2:
0xa5: {  	s0 =	sshll.u32 s28, $0x2;
	s30 =	sand.u32 $0x7, s25  }
0xa6: {  	s0 =	sand.u32 $0xFFFF8000, s0;
	s30 =	sshll.u32 s30, $0x9  }
0xa7: {  	s0 =	sor.u32 s30, s0  }
0xa8: {  	s0 =	sshrl.u32 s0, $0x2  }
0xa9: {  	s30 =	sadd.s32 $0x240, s0  }
0xaa: {  	v5 =	vld [tilespmem:s30+$0x30]  }
0xab: {  	v7 =	vld [tilespmem:s30+$0xFFFFFFD0]  }
0xac: {  	v9 =	vld [tilespmem:s30+$0xFFFFFFE0]  }
0xad: {  	v6 =	vld [tilespmem:s30+$0xFFFFFFF0]  }
0xae: {  	v4 =	vld [tilespmem:s30+$0x0]  }
0xaf: {  	v3 =	vld [tilespmem:s30+$0x10];
	v10 =	vmul.f32 $3.200000000e+01, v5  }
0xb0: {  	v5 =	vld [tilespmem:s30+$0x20];
	v8 =	vmul.f32 $3.200000000e+01, v7  }
0xb1: {  	s31 =	simm.s32 $0x0;
	s0 =	sadd.s32 $0x400, s30;
	v7 =	vld [tilespmem:s30+$0xFFFFFFC0];
	v9 =	vmul.f32 $3.200000000e+01, v9;
	[tilespmem:s30+$0x30] =	vst v10  }
.LBB2_3:
0xb2: {  	v10 =	vld [tilespmem:s0+$0x30];
	s31 =	sadd.s32 $0x8, s31;
	[tilespmem:s30+$0xFFFFFFD0] =	vst v8;
	v6 =	vmul.f32 $3.200000000e+01, v6  }
0xb3: {  	v8 =	vld [tilespmem:s0+$0xFFFFFFD0];
	p0 =	slt.u32 s31, $0x38;
	[tilespmem:s30+$0xFFFFFFE0] =	vst v9;
	v4 =	vmul.f32 $3.200000000e+01, v4  }
0xb4: {  	v9 =	vld [tilespmem:s0+$0xFFFFFFE0];
	[tilespmem:s30+$0xFFFFFFF0] =	vst v6;
	v3 =	vmul.f32 $3.200000000e+01, v3  }
.Ltmp0:
0xb5: {  	v6 =	vld [tilespmem:s0+$0xFFFFFFF0];
	[tilespmem:s30+$0x0] =	vst v4;
	v5 =	vmul.f32 $3.200000000e+01, v5;
	(pc) =	sbr.rel @p0 .LBB2_3-.Ltmp0, $4  }
0xb6: {  	v4 =	vld [tilespmem:s0+$0x0];
	v7 =	vmul.f32 $3.200000000e+01, v7;
	[tilespmem:s30+$0x10] =	vst v3  }
0xb7: {  	v3 =	vld [tilespmem:s0+$0x10];
	v10 =	vmul.f32 $3.200000000e+01, v10;
	[tilespmem:s30+$0x20] =	vst v5  }
0xb8: {  	v8 =	vmul.f32 $3.200000000e+01, v8;
	v5 =	vld [tilespmem:s0+$0x20];
	[tilespmem:s30+$0xFFFFFFC0] =	vst v7;
	s30 =	smov.u32 s0  }
0xb9: {  	s0 =	sadd.s32 $0x400, s0;
	v7 =	vld [tilespmem:s30+$0xFFFFFFC0];
	v9 =	vmul.f32 $3.200000000e+01, v9;
	[tilespmem:s30+$0x30] =	vst v10  }
0xba: {  	[tilespmem:s30+$0xFFFFFFD0] =	vst v8;
	v6 =	vmul.f32 $3.200000000e+01, v6;
	s29 =	sadd.s32 $0x1, s29  }
0xbb: {  	[tilespmem:s30+$0xFFFFFFE0] =	vst v9;
	v4 =	vmul.f32 $3.200000000e+01, v4;
	p0 =	sne.s32 s29, $0x20  }
.Ltmp1:
0xbc: {  	[tilespmem:s30+$0xFFFFFFF0] =	vst v6;
	v3 =	vmul.f32 $3.200000000e+01, v3;
	(pc) =	sbr.rel @p0 .LBB2_2-.Ltmp1, $4  }
0xbd: {  	[tilespmem:s30+$0x0] =	vst v4;
	v62 =	vmul.f32 $3.200000000e+01, v5  }
0xbe: {  	v63 =	vmul.f32 $3.200000000e+01, v7;
	[tilespmem:s30+$0x10] =	vst v3  }
0xbf: {  	[tilespmem:s30+$0x20] =	vst v62  }
0xc0: {  	s28 =	sadd.s32 $0x400, s28;
	s25 =	sadd.s32 $0x1, s25;
	[tilespmem:s30+$0xFFFFFFC0] =	vst v63  }
0xc1: {  	s25 =	simm.s32 $0x0;
	s0 =	rddreg [dreg:$0x5]  }
0xc2: {  	[hbm4b:s0+s25] =	stream.linear.scatter [tilespmem:s26], [sflag:$0x4], $0x8000, $0x38;
	[tilespmem:$0x18200] =	vst v63  }
0xc3: {  	_ =	swait.ge [sflag:s18], $0x8000  }
0xc4: {  	[sflag:s18] =	ssyncset.done $0x0  }
0xc5: {  	[sflag:s18] =	ssyncadd.s32 $0xFFFF8000  }
0xc6: {  	_ =	swait.ge [sflag:s19], $0x8000  }
0xc7: {  	[sflag:s19] =	ssyncset.done $0x0  }
0xc8: {  	[sflag:s19] =	ssyncadd.s32 $0xFFFF8000  }
0xc9: {  	v3 =	vld [tilespmem:$0x60];
	_ =	sdelay $0x4  }
0xca: {  	v4 =	vshll.u32 v3, $0x3  }
0xcb: {  	v3 =	vand.u32 $0x7, v3;
	v4 =	vand.u32 $0xFFFFFFC0, v4  }
0xcc: {  	v3 =	vor.u32 v3, v4  }
0xcd: {  	v4 =	vperm.xlane v3, v0;
	_ =	sdelay $0x1  }
0xce: {  	v4 =	vadd.s32 v1, v4;
	_ =	sdelay $0x4  }
0xcf: {  	[tilespmem:s26], [sflag:$0x1] =	stream.indirect_vreg.gather [hbm4b:s2+s25], $0x80, v4, vm0, $0xb8;
	[tilespmem:$0x18200] =	vst v63  }
0xd0: {  	s31 =	simm.s32 $0xA00;
	v3 =	vperm.xlane v3, v2  }
0xd1: {  	[tilespmem:s31], [sflag:$0x1] =	stream.indirect_vreg.gather [hbm4b:s5+s25], $0x80, v4, vm0, $0xb8;
	[tilespmem:$0x18200] =	vst v63  }
0xd2: {  	s30 =	simm.s32 $0x1200;
	v3 =	vadd.s32 v1, v3  }
0xd3: {  	[tilespmem:s30], [sflag:$0x1] =	stream.indirect_vreg.gather [hbm4b:s6+s25], $0x80, v4, vm0, $0xb8;
	[tilespmem:$0x18200] =	vst v63  }
0xd4: {  	s31 =	simm.s32 $0x1A00  }
0xd5: {  	[tilespmem:s31], [sflag:$0x1] =	stream.indirect_vreg.gather [hbm4b:s7+s25], $0x80, v4, vm0, $0xb8;
	[tilespmem:$0x18200] =	vst v63  }
0xd6: {  	s30 =	simm.s32 $0x2200  }
0xd7: {  	[tilespmem:s30], [sflag:$0x1] =	stream.indirect_vreg.gather [hbm4b:s2+s25], $0x80, v3, vm0, $0xb8;
	[tilespmem:$0x18200] =	vst v63  }
0xd8: {  	s31 =	simm.s32 $0x2A00  }
0xd9: {  	[tilespmem:s31], [sflag:$0x1] =	stream.indirect_vreg.gather [hbm4b:s5+s25], $0x80, v3, vm0, $0xb8;
	[tilespmem:$0x18200] =	vst v63  }
0xda: {  	_ = 	snop  }
0xdb: {  	[tilespmem:s1], [sflag:$0x1] =	stream.indirect_vreg.gather [hbm4b:s6+s25], $0x80, v3, vm0, $0xb8;
	[tilespmem:$0x18200] =	vst v63  }
0xdc: {  	_ = 	snop  }
0xdd: {  	[tilespmem:s4], [sflag:$0x1] =	stream.indirect_vreg.gather [hbm4b:s7+s25], $0x80, v3, vm0, $0xb8;
	[tilespmem:$0x18200] =	vst v63  }
0xde: {  	v3 =	vld [tilespmem:$0x70];
	_ =	sdelay $0x4  }
0xdf: {  	v63 =	vshll.u32 v3, $0x3  }
0xe0: {  	v3 =	vand.u32 $0x7, v3;
	v4 =	vand.u32 $0xFFFFFFC0, v63  }
0xe1: {  	v3 =	vor.u32 v3, v4  }
0xe2: {  	v4 =	vperm.xlane v3, v0;
	_ =	sdelay $0x1  }
0xe3: {  	v4 =	vadd.s32 v1, v4;
	_ =	sdelay $0x4  }
0xe4: {  	[tilespmem:s9], [sflag:$0x1] =	stream.indirect_vreg.gather [hbm4b:s2+s25], $0x80, v4, vm0, $0xb8;
	[tilespmem:$0x18200] =	vst v63  }
0xe5: {  	v3 =	vperm.xlane v3, v2  }
0xe6: {  	[tilespmem:s10], [sflag:$0x1] =	stream.indirect_vreg.gather [hbm4b:s5+s25], $0x80, v4, vm0, $0xb8;
	[tilespmem:$0x18200] =	vst v63  }
0xe7: {  	v3 =	vadd.s32 v1, v3  }
0xe8: {  	[tilespmem:s11], [sflag:$0x1] =	stream.indirect_vreg.gather [hbm4b:s6+s25], $0x80, v4, vm0, $0xb8;
	[tilespmem:$0x18200] =	vst v63  }
0xe9: {  	_ = 	snop  }
0xea: {  	[tilespmem:s12], [sflag:$0x1] =	stream.indirect_vreg.gather [hbm4b:s7+s25], $0x80, v4, vm0, $0xb8;
	[tilespmem:$0x18200] =	vst v63  }
0xeb: {  	_ = 	snop  }
0xec: {  	[tilespmem:s13], [sflag:$0x1] =	stream.indirect_vreg.gather [hbm4b:s2+s25], $0x80, v3, vm0, $0xb8;
	[tilespmem:$0x18200] =	vst v63  }
0xed: {  	_ = 	snop  }
0xee: {  	[tilespmem:s14], [sflag:$0x1] =	stream.indirect_vreg.gather [hbm4b:s5+s25], $0x80, v3, vm0, $0xb8;
	[tilespmem:$0x18200] =	vst v63  }
0xef: {  	_ = 	snop  }
0xf0: {  	[tilespmem:s15], [sflag:$0x1] =	stream.indirect_vreg.gather [hbm4b:s6+s25], $0x80, v3, vm0, $0xb8;
	[tilespmem:$0x18200] =	vst v63  }
0xf1: {  	s28 =	simm.s32 $0x0;
	s29 =	simm.s32 $0x0  }
0xf2: {  	[tilespmem:s16], [sflag:$0x1] =	stream.indirect_vreg.gather [hbm4b:s7+s25], $0x80, v3, vm0, $0xb8;
	[tilespmem:$0x18200] =	vst v63  }
.LBB2_6:
0xf3: {  	s0 =	sshll.u32 s28, $0x2;
	s30 =	sand.u32 $0x7, s25  }
0xf4: {  	s0 =	sand.u32 $0xFFFF8000, s0;
	s30 =	sshll.u32 s30, $0x9  }
0xf5: {  	s0 =	sor.u32 s30, s0  }
0xf6: {  	s0 =	sshrl.u32 s0, $0x2  }
0xf7: {  	s30 =	sadd.s32 $0x8200, s0  }
0xf8: {  	v5 =	vld [tilespmem:s30+$0x70]  }
0xf9: {  	v7 =	vld [tilespmem:s30+$0x10]  }
0xfa: {  	v9 =	vld [tilespmem:s30+$0x20]  }
0xfb: {  	v6 =	vld [tilespmem:s30+$0x30]  }
0xfc: {  	v4 =	vld [tilespmem:s30+$0x40]  }
0xfd: {  	v3 =	vld [tilespmem:s30+$0x50];
	v10 =	vmul.f32 $3.200000000e+01, v5  }
0xfe: {  	v5 =	vld [tilespmem:s30+$0x60];
	v8 =	vmul.f32 $3.200000000e+01, v7  }
0xff: {  	s31 =	simm.s32 $0x0;
	s0 =	sadd.s32 $0x400, s30;
	v7 =	vld [tilespmem:s30+$0x0];
	v9 =	vmul.f32 $3.200000000e+01, v9;
	[tilespmem:s30+$0x70] =	vst v10  }
.LBB2_7:
0x100: {  	v10 =	vld [tilespmem:s0+$0x70];
	s31 =	sadd.s32 $0x8, s31;
	[tilespmem:s30+$0x10] =	vst v8;
	v6 =	vmul.f32 $3.200000000e+01, v6  }
0x101: {  	v8 =	vld [tilespmem:s0+$0x10];
	p0 =	slt.u32 s31, $0x38;
	[tilespmem:s30+$0x20] =	vst v9;
	v4 =	vmul.f32 $3.200000000e+01, v4  }
0x102: {  	v9 =	vld [tilespmem:s0+$0x20];
	[tilespmem:s30+$0x30] =	vst v6;
	v3 =	vmul.f32 $3.200000000e+01, v3  }
.Ltmp2:
0x103: {  	v6 =	vld [tilespmem:s0+$0x30];
	[tilespmem:s30+$0x40] =	vst v4;
	v5 =	vmul.f32 $3.200000000e+01, v5;
	(pc) =	sbr.rel @p0 .LBB2_7-.Ltmp2, $4  }
0x104: {  	v4 =	vld [tilespmem:s0+$0x40];
	v7 =	vmul.f32 $3.200000000e+01, v7;
	[tilespmem:s30+$0x50] =	vst v3  }
0x105: {  	v3 =	vld [tilespmem:s0+$0x50];
	v10 =	vmul.f32 $3.200000000e+01, v10;
	[tilespmem:s30+$0x60] =	vst v5  }
0x106: {  	v8 =	vmul.f32 $3.200000000e+01, v8;
	v5 =	vld [tilespmem:s0+$0x60];
	[tilespmem:s30+$0x0] =	vst v7;
	s30 =	smov.u32 s0  }
0x107: {  	s0 =	sadd.s32 $0x400, s0;
	v7 =	vld [tilespmem:s30+$0x0];
	v9 =	vmul.f32 $3.200000000e+01, v9;
	[tilespmem:s30+$0x70] =	vst v10  }
0x108: {  	[tilespmem:s30+$0x10] =	vst v8;
	v6 =	vmul.f32 $3.200000000e+01, v6;
	s29 =	sadd.s32 $0x1, s29  }
0x109: {  	[tilespmem:s30+$0x20] =	vst v9;
	v4 =	vmul.f32 $3.200000000e+01, v4;
	p0 =	sne.s32 s29, $0x20  }
.Ltmp3:
0x10a: {  	[tilespmem:s30+$0x30] =	vst v6;
	v3 =	vmul.f32 $3.200000000e+01, v3;
	(pc) =	sbr.rel @p0 .LBB2_6-.Ltmp3, $4  }
0x10b: {  	[tilespmem:s30+$0x40] =	vst v4;
	v62 =	vmul.f32 $3.200000000e+01, v5  }
0x10c: {  	v63 =	vmul.f32 $3.200000000e+01, v7;
	[tilespmem:s30+$0x50] =	vst v3  }
0x10d: {  	[tilespmem:s30+$0x60] =	vst v62  }
0x10e: {  	s28 =	sadd.s32 $0x400, s28;
	s25 =	sadd.s32 $0x1, s25;
	[tilespmem:s30+$0x0] =	vst v63  }
0x10f: {  	s25 =	simm.s32 $0x0;
	s0 =	rddreg [dreg:$0x6]  }
0x110: {  	[hbm4b:s0+s25] =	stream.linear.scatter [tilespmem:s17], [sflag:$0x5], $0x8000, $0x38;
	[tilespmem:$0x18200] =	vst v63  }
0x111: {  	_ =	swait.ge [sflag:s20], $0x8000  }
0x112: {  	[sflag:s20] =	ssyncset.done $0x0  }
0x113: {  	[sflag:s20] =	ssyncadd.s32 $0xFFFF8000  }
0x114: {  	_ =	swait.ge [sflag:s21], $0x8000  }
0x115: {  	[sflag:s21] =	ssyncset.done $0x0  }
0x116: {  	[sflag:s21] =	ssyncadd.s32 $0xFFFF8000  }
0x117: {  	v3 =	vld [tilespmem:$0x80];
	_ =	sdelay $0x4  }
0x118: {  	v4 =	vshll.u32 v3, $0x3  }
0x119: {  	v3 =	vand.u32 $0x7, v3;
	v4 =	vand.u32 $0xFFFFFFC0, v4  }
0x11a: {  	v3 =	vor.u32 v3, v4  }
0x11b: {  	v4 =	vperm.xlane v3, v0;
	_ =	sdelay $0x1  }
0x11c: {  	v4 =	vadd.s32 v1, v4;
	_ =	sdelay $0x4  }
0x11d: {  	[tilespmem:s17], [sflag:$0x2] =	stream.indirect_vreg.gather [hbm4b:s2+s25], $0x80, v4, vm0, $0xb8;
	[tilespmem:$0x18200] =	vst v63  }
0x11e: {  	s31 =	simm.s32 $0x8A00;
	v3 =	vperm.xlane v3, v2  }
0x11f: {  	[tilespmem:s31], [sflag:$0x2] =	stream.indirect_vreg.gather [hbm4b:s5+s25], $0x80, v4, vm0, $0xb8;
	[tilespmem:$0x18200] =	vst v63  }
0x120: {  	s30 =	simm.s32 $0x9200;
	v3 =	vadd.s32 v1, v3  }
0x121: {  	[tilespmem:s30], [sflag:$0x2] =	stream.indirect_vreg.gather [hbm4b:s6+s25], $0x80, v4, vm0, $0xb8;
	[tilespmem:$0x18200] =	vst v63  }
0x122: {  	s31 =	simm.s32 $0x9A00  }
0x123: {  	[tilespmem:s31], [sflag:$0x2] =	stream.indirect_vreg.gather [hbm4b:s7+s25], $0x80, v4, vm0, $0xb8;
	[tilespmem:$0x18200] =	vst v63  }
0x124: {  	s30 =	simm.s32 $0xA200  }
0x125: {  	[tilespmem:s30], [sflag:$0x2] =	stream.indirect_vreg.gather [hbm4b:s2+s25], $0x80, v3, vm0, $0xb8;
	[tilespmem:$0x18200] =	vst v63  }
0x126: {  	s31 =	simm.s32 $0xAA00  }
0x127: {  	[tilespmem:s31], [sflag:$0x2] =	stream.indirect_vreg.gather [hbm4b:s5+s25], $0x80, v3, vm0, $0xb8;
	[tilespmem:$0x18200] =	vst v63  }
0x128: {  	s30 =	simm.s32 $0xB200  }
0x129: {  	[tilespmem:s30], [sflag:$0x2] =	stream.indirect_vreg.gather [hbm4b:s6+s25], $0x80, v3, vm0, $0xb8;
	[tilespmem:$0x18200] =	vst v63  }
0x12a: {  	s31 =	simm.s32 $0xBA00  }
0x12b: {  	[tilespmem:s31], [sflag:$0x2] =	stream.indirect_vreg.gather [hbm4b:s7+s25], $0x80, v3, vm0, $0xb8;
	[tilespmem:$0x18200] =	vst v63  }
0x12c: {  	v3 =	vld [tilespmem:$0x90];
	_ =	sdelay $0x4  }
0x12d: {  	v63 =	vshll.u32 v3, $0x3  }
0x12e: {  	v3 =	vand.u32 $0x7, v3;
	v4 =	vand.u32 $0xFFFFFFC0, v63  }
0x12f: {  	v3 =	vor.u32 v3, v4  }
0x130: {  	v4 =	vperm.xlane v3, v0;
	_ =	sdelay $0x1  }
0x131: {  	v4 =	vadd.s32 v1, v4;
	_ =	sdelay $0x3  }
0x132: {  	s30 =	simm.s32 $0xC200  }
0x133: {  	[tilespmem:s30], [sflag:$0x2] =	stream.indirect_vreg.gather [hbm4b:s2+s25], $0x80, v4, vm0, $0xb8;
	[tilespmem:$0x18200] =	vst v63  }
0x134: {  	s31 =	simm.s32 $0xCA00;
	v3 =	vperm.xlane v3, v2  }
0x135: {  	[tilespmem:s31], [sflag:$0x2] =	stream.indirect_vreg.gather [hbm4b:s5+s25], $0x80, v4, vm0, $0xb8;
	[tilespmem:$0x18200] =	vst v63  }
0x136: {  	v3 =	vadd.s32 v1, v3;
	s30 =	simm.s32 $0xD200  }
0x137: {  	[tilespmem:s30], [sflag:$0x2] =	stream.indirect_vreg.gather [hbm4b:s6+s25], $0x80, v4, vm0, $0xb8;
	[tilespmem:$0x18200] =	vst v63  }
0x138: {  	s31 =	simm.s32 $0xDA00  }
0x139: {  	[tilespmem:s31], [sflag:$0x2] =	stream.indirect_vreg.gather [hbm4b:s7+s25], $0x80, v4, vm0, $0xb8;
	[tilespmem:$0x18200] =	vst v63  }
0x13a: {  	s30 =	simm.s32 $0xE200  }
0x13b: {  	[tilespmem:s30], [sflag:$0x2] =	stream.indirect_vreg.gather [hbm4b:s2+s25], $0x80, v3, vm0, $0xb8;
	[tilespmem:$0x18200] =	vst v63  }
0x13c: {  	s31 =	simm.s32 $0xEA00  }
0x13d: {  	[tilespmem:s31], [sflag:$0x2] =	stream.indirect_vreg.gather [hbm4b:s5+s25], $0x80, v3, vm0, $0xb8;
	[tilespmem:$0x18200] =	vst v63  }
0x13e: {  	s30 =	simm.s32 $0xF200  }
0x13f: {  	[tilespmem:s30], [sflag:$0x2] =	stream.indirect_vreg.gather [hbm4b:s6+s25], $0x80, v3, vm0, $0xb8;
	[tilespmem:$0x18200] =	vst v63  }
0x140: {  	s28 =	simm.s32 $0x0;
	s29 =	simm.s32 $0x0;
	s31 =	simm.s32 $0xFA00  }
0x141: {  	[tilespmem:s31], [sflag:$0x2] =	stream.indirect_vreg.gather [hbm4b:s7+s25], $0x80, v3, vm0, $0xb8;
	[tilespmem:$0x18200] =	vst v63  }
.LBB2_10:
0x142: {  	s0 =	sshll.u32 s28, $0x2;
	s30 =	sand.u32 $0x7, s25  }
0x143: {  	s0 =	sand.u32 $0xFFFF8000, s0;
	s30 =	sshll.u32 s30, $0x9  }
0x144: {  	s0 =	sor.u32 s30, s0  }
0x145: {  	s0 =	sshrl.u32 s0, $0x2  }
0x146: {  	s30 =	sadd.s32 $0x10200, s0  }
0x147: {  	v5 =	vld [tilespmem:s30+$0x70]  }
0x148: {  	v7 =	vld [tilespmem:s30+$0x10]  }
0x149: {  	v9 =	vld [tilespmem:s30+$0x20]  }
0x14a: {  	v6 =	vld [tilespmem:s30+$0x30]  }
0x14b: {  	v4 =	vld [tilespmem:s30+$0x40]  }
0x14c: {  	v3 =	vld [tilespmem:s30+$0x50];
	v10 =	vmul.f32 $3.200000000e+01, v5  }
0x14d: {  	v5 =	vld [tilespmem:s30+$0x60];
	v8 =	vmul.f32 $3.200000000e+01, v7  }
0x14e: {  	s31 =	simm.s32 $0x0;
	s0 =	sadd.s32 $0x400, s30;
	v7 =	vld [tilespmem:s30+$0x0];
	v9 =	vmul.f32 $3.200000000e+01, v9;
	[tilespmem:s30+$0x70] =	vst v10  }
.LBB2_11:
0x14f: {  	v10 =	vld [tilespmem:s0+$0x70];
	s31 =	sadd.s32 $0x8, s31;
	[tilespmem:s30+$0x10] =	vst v8;
	v6 =	vmul.f32 $3.200000000e+01, v6  }
0x150: {  	v8 =	vld [tilespmem:s0+$0x10];
	p0 =	slt.u32 s31, $0x38;
	[tilespmem:s30+$0x20] =	vst v9;
	v4 =	vmul.f32 $3.200000000e+01, v4  }
0x151: {  	v9 =	vld [tilespmem:s0+$0x20];
	[tilespmem:s30+$0x30] =	vst v6;
	v3 =	vmul.f32 $3.200000000e+01, v3  }
.Ltmp4:
0x152: {  	v6 =	vld [tilespmem:s0+$0x30];
	[tilespmem:s30+$0x40] =	vst v4;
	v5 =	vmul.f32 $3.200000000e+01, v5;
	(pc) =	sbr.rel @p0 .LBB2_11-.Ltmp4, $4  }
0x153: {  	v4 =	vld [tilespmem:s0+$0x40];
	v7 =	vmul.f32 $3.200000000e+01, v7;
	[tilespmem:s30+$0x50] =	vst v3  }
0x154: {  	v3 =	vld [tilespmem:s0+$0x50];
	v10 =	vmul.f32 $3.200000000e+01, v10;
	[tilespmem:s30+$0x60] =	vst v5  }
0x155: {  	v8 =	vmul.f32 $3.200000000e+01, v8;
	v5 =	vld [tilespmem:s0+$0x60];
	[tilespmem:s30+$0x0] =	vst v7;
	s30 =	smov.u32 s0  }
0x156: {  	s0 =	sadd.s32 $0x400, s0;
	v7 =	vld [tilespmem:s30+$0x0];
	v9 =	vmul.f32 $3.200000000e+01, v9;
	[tilespmem:s30+$0x70] =	vst v10  }
0x157: {  	[tilespmem:s30+$0x10] =	vst v8;
	v6 =	vmul.f32 $3.200000000e+01, v6;
	s29 =	sadd.s32 $0x1, s29  }
0x158: {  	[tilespmem:s30+$0x20] =	vst v9;
	v4 =	vmul.f32 $3.200000000e+01, v4;
	p0 =	sne.s32 s29, $0x20  }
.Ltmp5:
0x159: {  	[tilespmem:s30+$0x30] =	vst v6;
	v3 =	vmul.f32 $3.200000000e+01, v3;
	(pc) =	sbr.rel @p0 .LBB2_10-.Ltmp5, $4  }
0x15a: {  	[tilespmem:s30+$0x40] =	vst v4;
	v62 =	vmul.f32 $3.200000000e+01, v5  }
0x15b: {  	v63 =	vmul.f32 $3.200000000e+01, v7;
	[tilespmem:s30+$0x50] =	vst v3  }
0x15c: {  	[tilespmem:s30+$0x60] =	vst v62  }
0x15d: {  	s28 =	sadd.s32 $0x400, s28;
	s25 =	sadd.s32 $0x1, s25;
	[tilespmem:s30+$0x0] =	vst v63  }
0x15e: {  	s25 =	simm.s32 $0x0;
	s0 =	rddreg [dreg:$0x7]  }
0x15f: {  	[hbm4b:s0+s25] =	stream.linear.scatter [tilespmem:s8], [sflag:$0x6], $0x8000, $0x38;
	[tilespmem:$0x18200] =	vst v63  }
0x160: {  	_ =	swait.ge [sflag:s24], $0x8000  }
0x161: {  	[sflag:s24] =	ssyncset.done $0x0  }
0x162: {  	[sflag:s24] =	ssyncadd.s32 $0xFFFF8000  }
0x163: {  	_ =	swait.ge [sflag:s22], $0x8000  }
0x164: {  	[sflag:s22] =	ssyncset.done $0x0  }
0x165: {  	[sflag:s22] =	ssyncadd.s32 $0xFFFF8000  }
0x166: {  	v3 =	vld [tilespmem:$0xA0];
	_ =	sdelay $0x4  }
0x167: {  	v4 =	vshll.u32 v3, $0x3  }
0x168: {  	v3 =	vand.u32 $0x7, v3;
	v4 =	vand.u32 $0xFFFFFFC0, v4  }
0x169: {  	v3 =	vor.u32 v3, v4  }
0x16a: {  	v4 =	vperm.xlane v3, v0;
	_ =	sdelay $0x1  }
0x16b: {  	v4 =	vadd.s32 v1, v4;
	_ =	sdelay $0x4  }
0x16c: {  	[tilespmem:s8], [sflag:$0x3] =	stream.indirect_vreg.gather [hbm4b:s2+s25], $0x80, v4, vm0, $0xb8;
	[tilespmem:$0x18200] =	vst v63  }
0x16d: {  	s31 =	simm.s32 $0x10A00;
	v3 =	vperm.xlane v3, v2  }
0x16e: {  	[tilespmem:s31], [sflag:$0x3] =	stream.indirect_vreg.gather [hbm4b:s5+s25], $0x80, v4, vm0, $0xb8;
	[tilespmem:$0x18200] =	vst v63  }
0x16f: {  	s30 =	simm.s32 $0x11200;
	v3 =	vadd.s32 v1, v3  }
0x170: {  	[tilespmem:s30], [sflag:$0x3] =	stream.indirect_vreg.gather [hbm4b:s6+s25], $0x80, v4, vm0, $0xb8;
	[tilespmem:$0x18200] =	vst v63  }
0x171: {  	s31 =	simm.s32 $0x11A00  }
0x172: {  	[tilespmem:s31], [sflag:$0x3] =	stream.indirect_vreg.gather [hbm4b:s7+s25], $0x80, v4, vm0, $0xb8;
	[tilespmem:$0x18200] =	vst v63  }
0x173: {  	s30 =	simm.s32 $0x12200  }
0x174: {  	[tilespmem:s30], [sflag:$0x3] =	stream.indirect_vreg.gather [hbm4b:s2+s25], $0x80, v3, vm0, $0xb8;
	[tilespmem:$0x18200] =	vst v63  }
0x175: {  	s31 =	simm.s32 $0x12A00  }
0x176: {  	[tilespmem:s31], [sflag:$0x3] =	stream.indirect_vreg.gather [hbm4b:s5+s25], $0x80, v3, vm0, $0xb8;
	[tilespmem:$0x18200] =	vst v63  }
0x177: {  	s30 =	simm.s32 $0x13200  }
0x178: {  	[tilespmem:s30], [sflag:$0x3] =	stream.indirect_vreg.gather [hbm4b:s6+s25], $0x80, v3, vm0, $0xb8;
	[tilespmem:$0x18200] =	vst v63  }
0x179: {  	s31 =	simm.s32 $0x13A00  }
0x17a: {  	[tilespmem:s31], [sflag:$0x3] =	stream.indirect_vreg.gather [hbm4b:s7+s25], $0x80, v3, vm0, $0xb8;
	[tilespmem:$0x18200] =	vst v63  }
0x17b: {  	v3 =	vld [tilespmem:$0xB0];
	_ =	sdelay $0x4  }
0x17c: {  	v63 =	vshll.u32 v3, $0x3  }
0x17d: {  	v3 =	vand.u32 $0x7, v3;
	v4 =	vand.u32 $0xFFFFFFC0, v63  }
0x17e: {  	v3 =	vor.u32 v3, v4  }
0x17f: {  	v4 =	vperm.xlane v3, v0;
	_ =	sdelay $0x1  }
0x180: {  	v4 =	vadd.s32 v1, v4;
	_ =	sdelay $0x3  }
0x181: {  	s30 =	simm.s32 $0x14200  }
0x182: {  	[tilespmem:s30], [sflag:$0x3] =	stream.indirect_vreg.gather [hbm4b:s2+s25], $0x80, v4, vm0, $0xb8;
	[tilespmem:$0x18200] =	vst v63  }
0x183: {  	s31 =	simm.s32 $0x14A00;
	v3 =	vperm.xlane v3, v2  }
0x184: {  	[tilespmem:s31], [sflag:$0x3] =	stream.indirect_vreg.gather [hbm4b:s5+s25], $0x80, v4, vm0, $0xb8;
	[tilespmem:$0x18200] =	vst v63  }
0x185: {  	v3 =	vadd.s32 v1, v3;
	s30 =	simm.s32 $0x15200  }
0x186: {  	[tilespmem:s30], [sflag:$0x3] =	stream.indirect_vreg.gather [hbm4b:s6+s25], $0x80, v4, vm0, $0xb8;
	[tilespmem:$0x18200] =	vst v63  }
0x187: {  	s31 =	simm.s32 $0x15A00  }
0x188: {  	[tilespmem:s31], [sflag:$0x3] =	stream.indirect_vreg.gather [hbm4b:s7+s25], $0x80, v4, vm0, $0xb8;
	[tilespmem:$0x18200] =	vst v63  }
0x189: {  	s30 =	simm.s32 $0x16200  }
0x18a: {  	[tilespmem:s30], [sflag:$0x3] =	stream.indirect_vreg.gather [hbm4b:s2+s25], $0x80, v3, vm0, $0xb8;
	[tilespmem:$0x18200] =	vst v63  }
0x18b: {  	s31 =	simm.s32 $0x16A00  }
0x18c: {  	[tilespmem:s31], [sflag:$0x3] =	stream.indirect_vreg.gather [hbm4b:s5+s25], $0x80, v3, vm0, $0xb8;
	[tilespmem:$0x18200] =	vst v63  }
0x18d: {  	s30 =	simm.s32 $0x17200  }
0x18e: {  	[tilespmem:s30], [sflag:$0x3] =	stream.indirect_vreg.gather [hbm4b:s6+s25], $0x80, v3, vm0, $0xb8;
	[tilespmem:$0x18200] =	vst v63  }
0x18f: {  	s28 =	simm.s32 $0x0;
	s29 =	simm.s32 $0x0;
	s31 =	simm.s32 $0x17A00  }
0x190: {  	[tilespmem:s31], [sflag:$0x3] =	stream.indirect_vreg.gather [hbm4b:s7+s25], $0x80, v3, vm0, $0xb8;
	[tilespmem:$0x18200] =	vst v63  }
.LBB2_14:
0x191: {  	s0 =	sshll.u32 s28, $0x2;
	s30 =	sand.u32 $0x7, s25  }
0x192: {  	s0 =	sand.u32 $0xFFFF8000, s0;
	s30 =	sshll.u32 s30, $0x9  }
0x193: {  	s0 =	sor.u32 s30, s0  }
0x194: {  	s0 =	sshrl.u32 s0, $0x2  }
0x195: {  	s30 =	sadd.s32 $0x240, s0  }
0x196: {  	v5 =	vld [tilespmem:s30+$0x30]  }
0x197: {  	v7 =	vld [tilespmem:s30+$0xFFFFFFD0]  }
0x198: {  	v9 =	vld [tilespmem:s30+$0xFFFFFFE0]  }
0x199: {  	v6 =	vld [tilespmem:s30+$0xFFFFFFF0]  }
0x19a: {  	v4 =	vld [tilespmem:s30+$0x0]  }
0x19b: {  	v3 =	vld [tilespmem:s30+$0x10];
	v10 =	vmul.f32 $3.200000000e+01, v5  }
0x19c: {  	v5 =	vld [tilespmem:s30+$0x20];
	v8 =	vmul.f32 $3.200000000e+01, v7  }
0x19d: {  	s31 =	simm.s32 $0x0;
	s0 =	sadd.s32 $0x400, s30;
	v7 =	vld [tilespmem:s30+$0xFFFFFFC0];
	v9 =	vmul.f32 $3.200000000e+01, v9;
	[tilespmem:s30+$0x30] =	vst v10  }
.LBB2_15:
0x19e: {  	v10 =	vld [tilespmem:s0+$0x30];
	s31 =	sadd.s32 $0x8, s31;
	[tilespmem:s30+$0xFFFFFFD0] =	vst v8;
	v6 =	vmul.f32 $3.200000000e+01, v6  }
0x19f: {  	v8 =	vld [tilespmem:s0+$0xFFFFFFD0];
	p0 =	slt.u32 s31, $0x38;
	[tilespmem:s30+$0xFFFFFFE0] =	vst v9;
	v4 =	vmul.f32 $3.200000000e+01, v4  }
0x1a0: {  	v9 =	vld [tilespmem:s0+$0xFFFFFFE0];
	[tilespmem:s30+$0xFFFFFFF0] =	vst v6;
	v3 =	vmul.f32 $3.200000000e+01, v3  }
.Ltmp6:
0x1a1: {  	v6 =	vld [tilespmem:s0+$0xFFFFFFF0];
	[tilespmem:s30+$0x0] =	vst v4;
	v5 =	vmul.f32 $3.200000000e+01, v5;
	(pc) =	sbr.rel @p0 .LBB2_15-.Ltmp6, $4  }
0x1a2: {  	v4 =	vld [tilespmem:s0+$0x0];
	v7 =	vmul.f32 $3.200000000e+01, v7;
	[tilespmem:s30+$0x10] =	vst v3  }
0x1a3: {  	v3 =	vld [tilespmem:s0+$0x10];
	v10 =	vmul.f32 $3.200000000e+01, v10;
	[tilespmem:s30+$0x20] =	vst v5  }
0x1a4: {  	v8 =	vmul.f32 $3.200000000e+01, v8;
	v5 =	vld [tilespmem:s0+$0x20];
	[tilespmem:s30+$0xFFFFFFC0] =	vst v7;
	s30 =	smov.u32 s0  }
0x1a5: {  	s0 =	sadd.s32 $0x400, s0;
	v7 =	vld [tilespmem:s30+$0xFFFFFFC0];
	v9 =	vmul.f32 $3.200000000e+01, v9;
	[tilespmem:s30+$0x30] =	vst v10  }
0x1a6: {  	[tilespmem:s30+$0xFFFFFFD0] =	vst v8;
	v6 =	vmul.f32 $3.200000000e+01, v6;
	s29 =	sadd.s32 $0x1, s29  }
0x1a7: {  	[tilespmem:s30+$0xFFFFFFE0] =	vst v9;
	v4 =	vmul.f32 $3.200000000e+01, v4;
	p0 =	sne.s32 s29, $0x20  }
.Ltmp7:
0x1a8: {  	[tilespmem:s30+$0xFFFFFFF0] =	vst v6;
	v3 =	vmul.f32 $3.200000000e+01, v3;
	(pc) =	sbr.rel @p0 .LBB2_14-.Ltmp7, $4  }
0x1a9: {  	[tilespmem:s30+$0x0] =	vst v4;
	v62 =	vmul.f32 $3.200000000e+01, v5  }
0x1aa: {  	v63 =	vmul.f32 $3.200000000e+01, v7;
	[tilespmem:s30+$0x10] =	vst v3  }
0x1ab: {  	[tilespmem:s30+$0x20] =	vst v62  }
0x1ac: {  	s28 =	sadd.s32 $0x400, s28;
	s25 =	sadd.s32 $0x1, s25;
	[tilespmem:s30+$0xFFFFFFC0] =	vst v63  }
0x1ad: {  	s25 =	simm.s32 $0x0;
	s0 =	rddreg [dreg:$0x8]  }
0x1ae: {  	[hbm4b:s0+s25] =	stream.linear.scatter [tilespmem:s26], [sflag:$0x4], $0x8000, $0x38;
	[tilespmem:$0x18200] =	vst v63  }
0x1af: {  	_ =	swait.ge [sflag:s18], $0x8000  }
0x1b0: {  	[sflag:s18] =	ssyncset.done $0x0  }
0x1b1: {  	[sflag:s18] =	ssyncadd.s32 $0xFFFF8000  }
0x1b2: {  	_ =	swait.ge [sflag:s19], $0x8000  }
0x1b3: {  	[sflag:s19] =	ssyncset.done $0x0  }
0x1b4: {  	[sflag:s19] =	ssyncadd.s32 $0xFFFF8000  }
0x1b5: {  	v3 =	vld [tilespmem:$0xC0];
	_ =	sdelay $0x4  }
0x1b6: {  	v4 =	vshll.u32 v3, $0x3  }
0x1b7: {  	v3 =	vand.u32 $0x7, v3;
	v4 =	vand.u32 $0xFFFFFFC0, v4  }
0x1b8: {  	v3 =	vor.u32 v3, v4  }
0x1b9: {  	v4 =	vperm.xlane v3, v0;
	_ =	sdelay $0x1  }
0x1ba: {  	v4 =	vadd.s32 v1, v4;
	_ =	sdelay $0x4  }
0x1bb: {  	[tilespmem:s26], [sflag:$0x1] =	stream.indirect_vreg.gather [hbm4b:s2+s25], $0x80, v4, vm0, $0xb8;
	[tilespmem:$0x18200] =	vst v63  }
0x1bc: {  	s31 =	simm.s32 $0xA00;
	v3 =	vperm.xlane v3, v2  }
0x1bd: {  	[tilespmem:s31], [sflag:$0x1] =	stream.indirect_vreg.gather [hbm4b:s5+s25], $0x80, v4, vm0, $0xb8;
	[tilespmem:$0x18200] =	vst v63  }
0x1be: {  	s30 =	simm.s32 $0x1200;
	v3 =	vadd.s32 v1, v3  }
0x1bf: {  	[tilespmem:s30], [sflag:$0x1] =	stream.indirect_vreg.gather [hbm4b:s6+s25], $0x80, v4, vm0, $0xb8;
	[tilespmem:$0x18200] =	vst v63  }
0x1c0: {  	s31 =	simm.s32 $0x1A00  }
0x1c1: {  	[tilespmem:s31], [sflag:$0x1] =	stream.indirect_vreg.gather [hbm4b:s7+s25], $0x80, v4, vm0, $0xb8;
	[tilespmem:$0x18200] =	vst v63  }
0x1c2: {  	s30 =	simm.s32 $0x2200  }
0x1c3: {  	[tilespmem:s30], [sflag:$0x1] =	stream.indirect_vreg.gather [hbm4b:s2+s25], $0x80, v3, vm0, $0xb8;
	[tilespmem:$0x18200] =	vst v63  }
0x1c4: {  	s31 =	simm.s32 $0x2A00  }
0x1c5: {  	[tilespmem:s31], [sflag:$0x1] =	stream.indirect_vreg.gather [hbm4b:s5+s25], $0x80, v3, vm0, $0xb8;
	[tilespmem:$0x18200] =	vst v63  }
0x1c6: {  	_ = 	snop  }
0x1c7: {  	[tilespmem:s1], [sflag:$0x1] =	stream.indirect_vreg.gather [hbm4b:s6+s25], $0x80, v3, vm0, $0xb8;
	[tilespmem:$0x18200] =	vst v63  }
0x1c8: {  	_ = 	snop  }
0x1c9: {  	[tilespmem:s4], [sflag:$0x1] =	stream.indirect_vreg.gather [hbm4b:s7+s25], $0x80, v3, vm0, $0xb8;
	[tilespmem:$0x18200] =	vst v63  }
0x1ca: {  	v3 =	vld [tilespmem:$0xD0];
	_ =	sdelay $0x4  }
0x1cb: {  	v63 =	vshll.u32 v3, $0x3  }
0x1cc: {  	v3 =	vand.u32 $0x7, v3;
	v4 =	vand.u32 $0xFFFFFFC0, v63  }
0x1cd: {  	v3 =	vor.u32 v3, v4  }
0x1ce: {  	v4 =	vperm.xlane v3, v0;
	_ =	sdelay $0x1  }
0x1cf: {  	v4 =	vadd.s32 v1, v4;
	_ =	sdelay $0x4  }
0x1d0: {  	[tilespmem:s9], [sflag:$0x1] =	stream.indirect_vreg.gather [hbm4b:s2+s25], $0x80, v4, vm0, $0xb8;
	[tilespmem:$0x18200] =	vst v63  }
0x1d1: {  	v3 =	vperm.xlane v3, v2  }
0x1d2: {  	[tilespmem:s10], [sflag:$0x1] =	stream.indirect_vreg.gather [hbm4b:s5+s25], $0x80, v4, vm0, $0xb8;
	[tilespmem:$0x18200] =	vst v63  }
0x1d3: {  	v3 =	vadd.s32 v1, v3  }
0x1d4: {  	[tilespmem:s11], [sflag:$0x1] =	stream.indirect_vreg.gather [hbm4b:s6+s25], $0x80, v4, vm0, $0xb8;
	[tilespmem:$0x18200] =	vst v63  }
0x1d5: {  	_ = 	snop  }
0x1d6: {  	[tilespmem:s12], [sflag:$0x1] =	stream.indirect_vreg.gather [hbm4b:s7+s25], $0x80, v4, vm0, $0xb8;
	[tilespmem:$0x18200] =	vst v63  }
0x1d7: {  	_ = 	snop  }
0x1d8: {  	[tilespmem:s13], [sflag:$0x1] =	stream.indirect_vreg.gather [hbm4b:s2+s25], $0x80, v3, vm0, $0xb8;
	[tilespmem:$0x18200] =	vst v63  }
0x1d9: {  	_ = 	snop  }
0x1da: {  	[tilespmem:s14], [sflag:$0x1] =	stream.indirect_vreg.gather [hbm4b:s5+s25], $0x80, v3, vm0, $0xb8;
	[tilespmem:$0x18200] =	vst v63  }
0x1db: {  	_ = 	snop  }
0x1dc: {  	[tilespmem:s15], [sflag:$0x1] =	stream.indirect_vreg.gather [hbm4b:s6+s25], $0x80, v3, vm0, $0xb8;
	[tilespmem:$0x18200] =	vst v63  }
0x1dd: {  	s28 =	simm.s32 $0x0;
	s29 =	simm.s32 $0x0  }
0x1de: {  	[tilespmem:s16], [sflag:$0x1] =	stream.indirect_vreg.gather [hbm4b:s7+s25], $0x80, v3, vm0, $0xb8;
	[tilespmem:$0x18200] =	vst v63  }
.LBB2_18:
0x1df: {  	s0 =	sshll.u32 s28, $0x2;
	s30 =	sand.u32 $0x7, s25  }
0x1e0: {  	s0 =	sand.u32 $0xFFFF8000, s0;
	s30 =	sshll.u32 s30, $0x9  }
0x1e1: {  	s0 =	sor.u32 s30, s0  }
0x1e2: {  	s0 =	sshrl.u32 s0, $0x2  }
0x1e3: {  	s30 =	sadd.s32 $0x8200, s0  }
0x1e4: {  	v5 =	vld [tilespmem:s30+$0x70]  }
0x1e5: {  	v7 =	vld [tilespmem:s30+$0x10]  }
0x1e6: {  	v9 =	vld [tilespmem:s30+$0x20]  }
0x1e7: {  	v6 =	vld [tilespmem:s30+$0x30]  }
0x1e8: {  	v4 =	vld [tilespmem:s30+$0x40]  }
0x1e9: {  	v3 =	vld [tilespmem:s30+$0x50];
	v10 =	vmul.f32 $3.200000000e+01, v5  }
0x1ea: {  	v5 =	vld [tilespmem:s30+$0x60];
	v8 =	vmul.f32 $3.200000000e+01, v7  }
0x1eb: {  	s31 =	simm.s32 $0x0;
	s0 =	sadd.s32 $0x400, s30;
	v7 =	vld [tilespmem:s30+$0x0];
	v9 =	vmul.f32 $3.200000000e+01, v9;
	[tilespmem:s30+$0x70] =	vst v10  }
.LBB2_19:
0x1ec: {  	v10 =	vld [tilespmem:s0+$0x70];
	s31 =	sadd.s32 $0x8, s31;
	[tilespmem:s30+$0x10] =	vst v8;
	v6 =	vmul.f32 $3.200000000e+01, v6  }
0x1ed: {  	v8 =	vld [tilespmem:s0+$0x10];
	p0 =	slt.u32 s31, $0x38;
	[tilespmem:s30+$0x20] =	vst v9;
	v4 =	vmul.f32 $3.200000000e+01, v4  }
0x1ee: {  	v9 =	vld [tilespmem:s0+$0x20];
	[tilespmem:s30+$0x30] =	vst v6;
	v3 =	vmul.f32 $3.200000000e+01, v3  }
.Ltmp8:
0x1ef: {  	v6 =	vld [tilespmem:s0+$0x30];
	[tilespmem:s30+$0x40] =	vst v4;
	v5 =	vmul.f32 $3.200000000e+01, v5;
	(pc) =	sbr.rel @p0 .LBB2_19-.Ltmp8, $4  }
0x1f0: {  	v4 =	vld [tilespmem:s0+$0x40];
	v7 =	vmul.f32 $3.200000000e+01, v7;
	[tilespmem:s30+$0x50] =	vst v3  }
0x1f1: {  	v3 =	vld [tilespmem:s0+$0x50];
	v10 =	vmul.f32 $3.200000000e+01, v10;
	[tilespmem:s30+$0x60] =	vst v5  }
0x1f2: {  	v8 =	vmul.f32 $3.200000000e+01, v8;
	v5 =	vld [tilespmem:s0+$0x60];
	[tilespmem:s30+$0x0] =	vst v7;
	s30 =	smov.u32 s0  }
0x1f3: {  	s0 =	sadd.s32 $0x400, s0;
	v7 =	vld [tilespmem:s30+$0x0];
	v9 =	vmul.f32 $3.200000000e+01, v9;
	[tilespmem:s30+$0x70] =	vst v10  }
0x1f4: {  	[tilespmem:s30+$0x10] =	vst v8;
	v6 =	vmul.f32 $3.200000000e+01, v6;
	s29 =	sadd.s32 $0x1, s29  }
0x1f5: {  	[tilespmem:s30+$0x20] =	vst v9;
	v4 =	vmul.f32 $3.200000000e+01, v4;
	p0 =	sne.s32 s29, $0x20  }
.Ltmp9:
0x1f6: {  	[tilespmem:s30+$0x30] =	vst v6;
	v3 =	vmul.f32 $3.200000000e+01, v3;
	(pc) =	sbr.rel @p0 .LBB2_18-.Ltmp9, $4  }
0x1f7: {  	[tilespmem:s30+$0x40] =	vst v4;
	v62 =	vmul.f32 $3.200000000e+01, v5  }
0x1f8: {  	v63 =	vmul.f32 $3.200000000e+01, v7;
	[tilespmem:s30+$0x50] =	vst v3  }
0x1f9: {  	[tilespmem:s30+$0x60] =	vst v62  }
0x1fa: {  	s28 =	sadd.s32 $0x400, s28;
	s25 =	sadd.s32 $0x1, s25;
	[tilespmem:s30+$0x0] =	vst v63  }
0x1fb: {  	s25 =	simm.s32 $0x0;
	s0 =	rddreg [dreg:$0x9]  }
0x1fc: {  	[hbm4b:s0+s25] =	stream.linear.scatter [tilespmem:s17], [sflag:$0x5], $0x8000, $0x38;
	[tilespmem:$0x18200] =	vst v63  }
0x1fd: {  	_ =	swait.ge [sflag:s20], $0x8000  }
0x1fe: {  	[sflag:s20] =	ssyncset.done $0x0  }
0x1ff: {  	[sflag:s20] =	ssyncadd.s32 $0xFFFF8000  }
0x200: {  	_ =	swait.ge [sflag:s21], $0x8000  }
0x201: {  	[sflag:s21] =	ssyncset.done $0x0  }
0x202: {  	[sflag:s21] =	ssyncadd.s32 $0xFFFF8000  }
0x203: {  	v3 =	vld [tilespmem:$0xE0];
	_ =	sdelay $0x4  }
0x204: {  	v4 =	vshll.u32 v3, $0x3  }
0x205: {  	v3 =	vand.u32 $0x7, v3;
	v4 =	vand.u32 $0xFFFFFFC0, v4  }
0x206: {  	v3 =	vor.u32 v3, v4  }
0x207: {  	v4 =	vperm.xlane v3, v0;
	_ =	sdelay $0x1  }
0x208: {  	v4 =	vadd.s32 v1, v4;
	_ =	sdelay $0x4  }
0x209: {  	[tilespmem:s17], [sflag:$0x2] =	stream.indirect_vreg.gather [hbm4b:s2+s25], $0x80, v4, vm0, $0xb8;
	[tilespmem:$0x18200] =	vst v63  }
0x20a: {  	s31 =	simm.s32 $0x8A00;
	v3 =	vperm.xlane v3, v2  }
0x20b: {  	[tilespmem:s31], [sflag:$0x2] =	stream.indirect_vreg.gather [hbm4b:s5+s25], $0x80, v4, vm0, $0xb8;
	[tilespmem:$0x18200] =	vst v63  }
0x20c: {  	s30 =	simm.s32 $0x9200;
	v3 =	vadd.s32 v1, v3  }
0x20d: {  	[tilespmem:s30], [sflag:$0x2] =	stream.indirect_vreg.gather [hbm4b:s6+s25], $0x80, v4, vm0, $0xb8;
	[tilespmem:$0x18200] =	vst v63  }
0x20e: {  	s31 =	simm.s32 $0x9A00  }
0x20f: {  	[tilespmem:s31], [sflag:$0x2] =	stream.indirect_vreg.gather [hbm4b:s7+s25], $0x80, v4, vm0, $0xb8;
	[tilespmem:$0x18200] =	vst v63  }
0x210: {  	s30 =	simm.s32 $0xA200  }
0x211: {  	[tilespmem:s30], [sflag:$0x2] =	stream.indirect_vreg.gather [hbm4b:s2+s25], $0x80, v3, vm0, $0xb8;
	[tilespmem:$0x18200] =	vst v63  }
0x212: {  	s31 =	simm.s32 $0xAA00  }
0x213: {  	[tilespmem:s31], [sflag:$0x2] =	stream.indirect_vreg.gather [hbm4b:s5+s25], $0x80, v3, vm0, $0xb8;
	[tilespmem:$0x18200] =	vst v63  }
0x214: {  	s30 =	simm.s32 $0xB200  }
0x215: {  	[tilespmem:s30], [sflag:$0x2] =	stream.indirect_vreg.gather [hbm4b:s6+s25], $0x80, v3, vm0, $0xb8;
	[tilespmem:$0x18200] =	vst v63  }
0x216: {  	s31 =	simm.s32 $0xBA00  }
0x217: {  	[tilespmem:s31], [sflag:$0x2] =	stream.indirect_vreg.gather [hbm4b:s7+s25], $0x80, v3, vm0, $0xb8;
	[tilespmem:$0x18200] =	vst v63  }
0x218: {  	v3 =	vld [tilespmem:$0xF0];
	_ =	sdelay $0x4  }
0x219: {  	v63 =	vshll.u32 v3, $0x3  }
0x21a: {  	v3 =	vand.u32 $0x7, v3;
	v4 =	vand.u32 $0xFFFFFFC0, v63  }
0x21b: {  	v3 =	vor.u32 v3, v4  }
0x21c: {  	v4 =	vperm.xlane v3, v0;
	_ =	sdelay $0x1  }
0x21d: {  	v4 =	vadd.s32 v1, v4;
	_ =	sdelay $0x3  }
0x21e: {  	s30 =	simm.s32 $0xC200  }
0x21f: {  	[tilespmem:s30], [sflag:$0x2] =	stream.indirect_vreg.gather [hbm4b:s2+s25], $0x80, v4, vm0, $0xb8;
	[tilespmem:$0x18200] =	vst v63  }
0x220: {  	s31 =	simm.s32 $0xCA00;
	v3 =	vperm.xlane v3, v2  }
0x221: {  	[tilespmem:s31], [sflag:$0x2] =	stream.indirect_vreg.gather [hbm4b:s5+s25], $0x80, v4, vm0, $0xb8;
	[tilespmem:$0x18200] =	vst v63  }
0x222: {  	v3 =	vadd.s32 v1, v3;
	s30 =	simm.s32 $0xD200  }
0x223: {  	[tilespmem:s30], [sflag:$0x2] =	stream.indirect_vreg.gather [hbm4b:s6+s25], $0x80, v4, vm0, $0xb8;
	[tilespmem:$0x18200] =	vst v63  }
0x224: {  	s31 =	simm.s32 $0xDA00  }
0x225: {  	[tilespmem:s31], [sflag:$0x2] =	stream.indirect_vreg.gather [hbm4b:s7+s25], $0x80, v4, vm0, $0xb8;
	[tilespmem:$0x18200] =	vst v63  }
0x226: {  	s30 =	simm.s32 $0xE200  }
0x227: {  	[tilespmem:s30], [sflag:$0x2] =	stream.indirect_vreg.gather [hbm4b:s2+s25], $0x80, v3, vm0, $0xb8;
	[tilespmem:$0x18200] =	vst v63  }
0x228: {  	s31 =	simm.s32 $0xEA00  }
0x229: {  	[tilespmem:s31], [sflag:$0x2] =	stream.indirect_vreg.gather [hbm4b:s5+s25], $0x80, v3, vm0, $0xb8;
	[tilespmem:$0x18200] =	vst v63  }
0x22a: {  	s30 =	simm.s32 $0xF200  }
0x22b: {  	[tilespmem:s30], [sflag:$0x2] =	stream.indirect_vreg.gather [hbm4b:s6+s25], $0x80, v3, vm0, $0xb8;
	[tilespmem:$0x18200] =	vst v63  }
0x22c: {  	s28 =	simm.s32 $0x0;
	s29 =	simm.s32 $0x0;
	s31 =	simm.s32 $0xFA00  }
0x22d: {  	[tilespmem:s31], [sflag:$0x2] =	stream.indirect_vreg.gather [hbm4b:s7+s25], $0x80, v3, vm0, $0xb8;
	[tilespmem:$0x18200] =	vst v63  }
.LBB2_22:
0x22e: {  	s0 =	sshll.u32 s28, $0x2;
	s30 =	sand.u32 $0x7, s25  }
0x22f: {  	s0 =	sand.u32 $0xFFFF8000, s0;
	s30 =	sshll.u32 s30, $0x9  }
0x230: {  	s0 =	sor.u32 s30, s0  }
0x231: {  	s0 =	sshrl.u32 s0, $0x2  }
0x232: {  	s30 =	sadd.s32 $0x10200, s0  }
0x233: {  	v5 =	vld [tilespmem:s30+$0x70]  }
0x234: {  	v7 =	vld [tilespmem:s30+$0x10]  }
0x235: {  	v9 =	vld [tilespmem:s30+$0x20]  }
0x236: {  	v6 =	vld [tilespmem:s30+$0x30]  }
0x237: {  	v4 =	vld [tilespmem:s30+$0x40]  }
0x238: {  	v3 =	vld [tilespmem:s30+$0x50];
	v10 =	vmul.f32 $3.200000000e+01, v5  }
0x239: {  	v5 =	vld [tilespmem:s30+$0x60];
	v8 =	vmul.f32 $3.200000000e+01, v7  }
0x23a: {  	s31 =	simm.s32 $0x0;
	s0 =	sadd.s32 $0x400, s30;
	v7 =	vld [tilespmem:s30+$0x0];
	v9 =	vmul.f32 $3.200000000e+01, v9;
	[tilespmem:s30+$0x70] =	vst v10  }
.LBB2_23:
0x23b: {  	v10 =	vld [tilespmem:s0+$0x70];
	s31 =	sadd.s32 $0x8, s31;
	[tilespmem:s30+$0x10] =	vst v8;
	v6 =	vmul.f32 $3.200000000e+01, v6  }
0x23c: {  	v8 =	vld [tilespmem:s0+$0x10];
	p0 =	slt.u32 s31, $0x38;
	[tilespmem:s30+$0x20] =	vst v9;
	v4 =	vmul.f32 $3.200000000e+01, v4  }
0x23d: {  	v9 =	vld [tilespmem:s0+$0x20];
	[tilespmem:s30+$0x30] =	vst v6;
	v3 =	vmul.f32 $3.200000000e+01, v3  }
.Ltmp10:
0x23e: {  	v6 =	vld [tilespmem:s0+$0x30];
	[tilespmem:s30+$0x40] =	vst v4;
	v5 =	vmul.f32 $3.200000000e+01, v5;
	(pc) =	sbr.rel @p0 .LBB2_23-.Ltmp10, $4  }
0x23f: {  	v4 =	vld [tilespmem:s0+$0x40];
	v7 =	vmul.f32 $3.200000000e+01, v7;
	[tilespmem:s30+$0x50] =	vst v3  }
0x240: {  	v3 =	vld [tilespmem:s0+$0x50];
	v10 =	vmul.f32 $3.200000000e+01, v10;
	[tilespmem:s30+$0x60] =	vst v5  }
0x241: {  	v8 =	vmul.f32 $3.200000000e+01, v8;
	v5 =	vld [tilespmem:s0+$0x60];
	[tilespmem:s30+$0x0] =	vst v7;
	s30 =	smov.u32 s0  }
0x242: {  	s0 =	sadd.s32 $0x400, s0;
	v7 =	vld [tilespmem:s30+$0x0];
	v9 =	vmul.f32 $3.200000000e+01, v9;
	[tilespmem:s30+$0x70] =	vst v10  }
0x243: {  	[tilespmem:s30+$0x10] =	vst v8;
	v6 =	vmul.f32 $3.200000000e+01, v6;
	s29 =	sadd.s32 $0x1, s29  }
0x244: {  	[tilespmem:s30+$0x20] =	vst v9;
	v4 =	vmul.f32 $3.200000000e+01, v4;
	p0 =	sne.s32 s29, $0x20  }
.Ltmp11:
0x245: {  	[tilespmem:s30+$0x30] =	vst v6;
	v3 =	vmul.f32 $3.200000000e+01, v3;
	(pc) =	sbr.rel @p0 .LBB2_22-.Ltmp11, $4  }
0x246: {  	[tilespmem:s30+$0x40] =	vst v4;
	v62 =	vmul.f32 $3.200000000e+01, v5  }
0x247: {  	v63 =	vmul.f32 $3.200000000e+01, v7;
	[tilespmem:s30+$0x50] =	vst v3  }
0x248: {  	[tilespmem:s30+$0x60] =	vst v62  }
0x249: {  	s28 =	sadd.s32 $0x400, s28;
	s25 =	sadd.s32 $0x1, s25;
	[tilespmem:s30+$0x0] =	vst v63  }
0x24a: {  	s25 =	simm.s32 $0x0;
	s0 =	rddreg [dreg:$0xa]  }
0x24b: {  	[hbm4b:s0+s25] =	stream.linear.scatter [tilespmem:s8], [sflag:$0x6], $0x8000, $0x38;
	[tilespmem:$0x18200] =	vst v63  }
0x24c: {  	_ =	swait.ge [sflag:s24], $0x8000  }
0x24d: {  	[sflag:s24] =	ssyncset.done $0x0  }
0x24e: {  	[sflag:s24] =	ssyncadd.s32 $0xFFFF8000  }
0x24f: {  	_ =	swait.ge [sflag:s22], $0x8000  }
0x250: {  	[sflag:s22] =	ssyncset.done $0x0  }
0x251: {  	[sflag:s22] =	ssyncadd.s32 $0xFFFF8000  }
0x252: {  	v3 =	vld [tilespmem:$0x100];
	_ =	sdelay $0x4  }
0x253: {  	v4 =	vshll.u32 v3, $0x3  }
0x254: {  	v3 =	vand.u32 $0x7, v3;
	v4 =	vand.u32 $0xFFFFFFC0, v4  }
0x255: {  	v3 =	vor.u32 v3, v4  }
0x256: {  	v4 =	vperm.xlane v3, v0;
	_ =	sdelay $0x1  }
0x257: {  	v4 =	vadd.s32 v1, v4;
	_ =	sdelay $0x4  }
0x258: {  	[tilespmem:s8], [sflag:$0x3] =	stream.indirect_vreg.gather [hbm4b:s2+s25], $0x80, v4, vm0, $0xb8;
	[tilespmem:$0x18200] =	vst v63  }
0x259: {  	s31 =	simm.s32 $0x10A00;
	v3 =	vperm.xlane v3, v2  }
0x25a: {  	[tilespmem:s31], [sflag:$0x3] =	stream.indirect_vreg.gather [hbm4b:s5+s25], $0x80, v4, vm0, $0xb8;
	[tilespmem:$0x18200] =	vst v63  }
0x25b: {  	s30 =	simm.s32 $0x11200;
	v3 =	vadd.s32 v1, v3  }
0x25c: {  	[tilespmem:s30], [sflag:$0x3] =	stream.indirect_vreg.gather [hbm4b:s6+s25], $0x80, v4, vm0, $0xb8;
	[tilespmem:$0x18200] =	vst v63  }
0x25d: {  	s31 =	simm.s32 $0x11A00  }
0x25e: {  	[tilespmem:s31], [sflag:$0x3] =	stream.indirect_vreg.gather [hbm4b:s7+s25], $0x80, v4, vm0, $0xb8;
	[tilespmem:$0x18200] =	vst v63  }
0x25f: {  	s30 =	simm.s32 $0x12200  }
0x260: {  	[tilespmem:s30], [sflag:$0x3] =	stream.indirect_vreg.gather [hbm4b:s2+s25], $0x80, v3, vm0, $0xb8;
	[tilespmem:$0x18200] =	vst v63  }
0x261: {  	s31 =	simm.s32 $0x12A00  }
0x262: {  	[tilespmem:s31], [sflag:$0x3] =	stream.indirect_vreg.gather [hbm4b:s5+s25], $0x80, v3, vm0, $0xb8;
	[tilespmem:$0x18200] =	vst v63  }
0x263: {  	s30 =	simm.s32 $0x13200  }
0x264: {  	[tilespmem:s30], [sflag:$0x3] =	stream.indirect_vreg.gather [hbm4b:s6+s25], $0x80, v3, vm0, $0xb8;
	[tilespmem:$0x18200] =	vst v63  }
0x265: {  	s31 =	simm.s32 $0x13A00  }
0x266: {  	[tilespmem:s31], [sflag:$0x3] =	stream.indirect_vreg.gather [hbm4b:s7+s25], $0x80, v3, vm0, $0xb8;
	[tilespmem:$0x18200] =	vst v63  }
0x267: {  	v3 =	vld [tilespmem:$0x110];
	_ =	sdelay $0x4  }
0x268: {  	v63 =	vshll.u32 v3, $0x3  }
0x269: {  	v3 =	vand.u32 $0x7, v3;
	v4 =	vand.u32 $0xFFFFFFC0, v63  }
0x26a: {  	v3 =	vor.u32 v3, v4  }
0x26b: {  	v4 =	vperm.xlane v3, v0;
	_ =	sdelay $0x1  }
0x26c: {  	v4 =	vadd.s32 v1, v4;
	_ =	sdelay $0x3  }
0x26d: {  	s30 =	simm.s32 $0x14200  }
0x26e: {  	[tilespmem:s30], [sflag:$0x3] =	stream.indirect_vreg.gather [hbm4b:s2+s25], $0x80, v4, vm0, $0xb8;
	[tilespmem:$0x18200] =	vst v63  }
0x26f: {  	s31 =	simm.s32 $0x14A00;
	v3 =	vperm.xlane v3, v2  }
0x270: {  	[tilespmem:s31], [sflag:$0x3] =	stream.indirect_vreg.gather [hbm4b:s5+s25], $0x80, v4, vm0, $0xb8;
	[tilespmem:$0x18200] =	vst v63  }
0x271: {  	v3 =	vadd.s32 v1, v3;
	s30 =	simm.s32 $0x15200  }
0x272: {  	[tilespmem:s30], [sflag:$0x3] =	stream.indirect_vreg.gather [hbm4b:s6+s25], $0x80, v4, vm0, $0xb8;
	[tilespmem:$0x18200] =	vst v63  }
0x273: {  	s31 =	simm.s32 $0x15A00  }
0x274: {  	[tilespmem:s31], [sflag:$0x3] =	stream.indirect_vreg.gather [hbm4b:s7+s25], $0x80, v4, vm0, $0xb8;
	[tilespmem:$0x18200] =	vst v63  }
0x275: {  	s30 =	simm.s32 $0x16200  }
0x276: {  	[tilespmem:s30], [sflag:$0x3] =	stream.indirect_vreg.gather [hbm4b:s2+s25], $0x80, v3, vm0, $0xb8;
	[tilespmem:$0x18200] =	vst v63  }
0x277: {  	s31 =	simm.s32 $0x16A00  }
0x278: {  	[tilespmem:s31], [sflag:$0x3] =	stream.indirect_vreg.gather [hbm4b:s5+s25], $0x80, v3, vm0, $0xb8;
	[tilespmem:$0x18200] =	vst v63  }
0x279: {  	s30 =	simm.s32 $0x17200  }
0x27a: {  	[tilespmem:s30], [sflag:$0x3] =	stream.indirect_vreg.gather [hbm4b:s6+s25], $0x80, v3, vm0, $0xb8;
	[tilespmem:$0x18200] =	vst v63  }
0x27b: {  	s28 =	simm.s32 $0x0;
	s29 =	simm.s32 $0x0;
	s31 =	simm.s32 $0x17A00  }
0x27c: {  	[tilespmem:s31], [sflag:$0x3] =	stream.indirect_vreg.gather [hbm4b:s7+s25], $0x80, v3, vm0, $0xb8;
	[tilespmem:$0x18200] =	vst v63  }
.LBB2_26:
0x27d: {  	s0 =	sshll.u32 s28, $0x2;
	s30 =	sand.u32 $0x7, s25  }
0x27e: {  	s0 =	sand.u32 $0xFFFF8000, s0;
	s30 =	sshll.u32 s30, $0x9  }
0x27f: {  	s0 =	sor.u32 s30, s0  }
0x280: {  	s0 =	sshrl.u32 s0, $0x2  }
0x281: {  	s30 =	sadd.s32 $0x240, s0  }
0x282: {  	v5 =	vld [tilespmem:s30+$0x30]  }
0x283: {  	v7 =	vld [tilespmem:s30+$0xFFFFFFD0]  }
0x284: {  	v9 =	vld [tilespmem:s30+$0xFFFFFFE0]  }
0x285: {  	v6 =	vld [tilespmem:s30+$0xFFFFFFF0]  }
0x286: {  	v4 =	vld [tilespmem:s30+$0x0]  }
0x287: {  	v3 =	vld [tilespmem:s30+$0x10];
	v10 =	vmul.f32 $3.200000000e+01, v5  }
0x288: {  	v5 =	vld [tilespmem:s30+$0x20];
	v8 =	vmul.f32 $3.200000000e+01, v7  }
0x289: {  	s31 =	simm.s32 $0x0;
	s0 =	sadd.s32 $0x400, s30;
	v7 =	vld [tilespmem:s30+$0xFFFFFFC0];
	v9 =	vmul.f32 $3.200000000e+01, v9;
	[tilespmem:s30+$0x30] =	vst v10  }
.LBB2_27:
0x28a: {  	v10 =	vld [tilespmem:s0+$0x30];
	s31 =	sadd.s32 $0x8, s31;
	[tilespmem:s30+$0xFFFFFFD0] =	vst v8;
	v6 =	vmul.f32 $3.200000000e+01, v6  }
0x28b: {  	v8 =	vld [tilespmem:s0+$0xFFFFFFD0];
	p0 =	slt.u32 s31, $0x38;
	[tilespmem:s30+$0xFFFFFFE0] =	vst v9;
	v4 =	vmul.f32 $3.200000000e+01, v4  }
0x28c: {  	v9 =	vld [tilespmem:s0+$0xFFFFFFE0];
	[tilespmem:s30+$0xFFFFFFF0] =	vst v6;
	v3 =	vmul.f32 $3.200000000e+01, v3  }
.Ltmp12:
0x28d: {  	v6 =	vld [tilespmem:s0+$0xFFFFFFF0];
	[tilespmem:s30+$0x0] =	vst v4;
	v5 =	vmul.f32 $3.200000000e+01, v5;
	(pc) =	sbr.rel @p0 .LBB2_27-.Ltmp12, $4  }
0x28e: {  	v4 =	vld [tilespmem:s0+$0x0];
	v7 =	vmul.f32 $3.200000000e+01, v7;
	[tilespmem:s30+$0x10] =	vst v3  }
0x28f: {  	v3 =	vld [tilespmem:s0+$0x10];
	v10 =	vmul.f32 $3.200000000e+01, v10;
	[tilespmem:s30+$0x20] =	vst v5  }
0x290: {  	v8 =	vmul.f32 $3.200000000e+01, v8;
	v5 =	vld [tilespmem:s0+$0x20];
	[tilespmem:s30+$0xFFFFFFC0] =	vst v7;
	s30 =	smov.u32 s0  }
0x291: {  	s0 =	sadd.s32 $0x400, s0;
	v7 =	vld [tilespmem:s30+$0xFFFFFFC0];
	v9 =	vmul.f32 $3.200000000e+01, v9;
	[tilespmem:s30+$0x30] =	vst v10  }
0x292: {  	[tilespmem:s30+$0xFFFFFFD0] =	vst v8;
	v6 =	vmul.f32 $3.200000000e+01, v6;
	s29 =	sadd.s32 $0x1, s29  }
0x293: {  	[tilespmem:s30+$0xFFFFFFE0] =	vst v9;
	v4 =	vmul.f32 $3.200000000e+01, v4;
	p0 =	sne.s32 s29, $0x20  }
.Ltmp13:
0x294: {  	[tilespmem:s30+$0xFFFFFFF0] =	vst v6;
	v3 =	vmul.f32 $3.200000000e+01, v3;
	(pc) =	sbr.rel @p0 .LBB2_26-.Ltmp13, $4  }
0x295: {  	[tilespmem:s30+$0x0] =	vst v4;
	v62 =	vmul.f32 $3.200000000e+01, v5  }
0x296: {  	v63 =	vmul.f32 $3.200000000e+01, v7;
	[tilespmem:s30+$0x10] =	vst v3  }
0x297: {  	[tilespmem:s30+$0x20] =	vst v62  }
0x298: {  	s28 =	sadd.s32 $0x400, s28;
	s25 =	sadd.s32 $0x1, s25;
	[tilespmem:s30+$0xFFFFFFC0] =	vst v63  }
0x299: {  	s25 =	simm.s32 $0x0;
	s0 =	rddreg [dreg:$0xb]  }
0x29a: {  	[hbm4b:s0+s25] =	stream.linear.scatter [tilespmem:s26], [sflag:$0x4], $0x8000, $0x38;
	[tilespmem:$0x18200] =	vst v63  }
0x29b: {  	_ =	swait.ge [sflag:s18], $0x8000  }
0x29c: {  	[sflag:s18] =	ssyncset.done $0x0  }
0x29d: {  	[sflag:s18] =	ssyncadd.s32 $0xFFFF8000  }
0x29e: {  	_ =	swait.ge [sflag:s19], $0x8000  }
0x29f: {  	[sflag:s19] =	ssyncset.done $0x0  }
0x2a0: {  	[sflag:s19] =	ssyncadd.s32 $0xFFFF8000  }
0x2a1: {  	v3 =	vld [tilespmem:$0x120];
	_ =	sdelay $0x4  }
0x2a2: {  	v4 =	vshll.u32 v3, $0x3  }
0x2a3: {  	v3 =	vand.u32 $0x7, v3;
	v4 =	vand.u32 $0xFFFFFFC0, v4  }
0x2a4: {  	v3 =	vor.u32 v3, v4  }
0x2a5: {  	v4 =	vperm.xlane v3, v0;
	_ =	sdelay $0x1  }
0x2a6: {  	v4 =	vadd.s32 v1, v4;
	_ =	sdelay $0x4  }
0x2a7: {  	[tilespmem:s26], [sflag:$0x1] =	stream.indirect_vreg.gather [hbm4b:s2+s25], $0x80, v4, vm0, $0xb8;
	[tilespmem:$0x18200] =	vst v63  }
0x2a8: {  	s31 =	simm.s32 $0xA00;
	v3 =	vperm.xlane v3, v2  }
0x2a9: {  	[tilespmem:s31], [sflag:$0x1] =	stream.indirect_vreg.gather [hbm4b:s5+s25], $0x80, v4, vm0, $0xb8;
	[tilespmem:$0x18200] =	vst v63  }
0x2aa: {  	s30 =	simm.s32 $0x1200;
	v3 =	vadd.s32 v1, v3  }
0x2ab: {  	[tilespmem:s30], [sflag:$0x1] =	stream.indirect_vreg.gather [hbm4b:s6+s25], $0x80, v4, vm0, $0xb8;
	[tilespmem:$0x18200] =	vst v63  }
0x2ac: {  	s31 =	simm.s32 $0x1A00  }
0x2ad: {  	[tilespmem:s31], [sflag:$0x1] =	stream.indirect_vreg.gather [hbm4b:s7+s25], $0x80, v4, vm0, $0xb8;
	[tilespmem:$0x18200] =	vst v63  }
0x2ae: {  	s30 =	simm.s32 $0x2200  }
0x2af: {  	[tilespmem:s30], [sflag:$0x1] =	stream.indirect_vreg.gather [hbm4b:s2+s25], $0x80, v3, vm0, $0xb8;
	[tilespmem:$0x18200] =	vst v63  }
0x2b0: {  	s31 =	simm.s32 $0x2A00  }
0x2b1: {  	[tilespmem:s31], [sflag:$0x1] =	stream.indirect_vreg.gather [hbm4b:s5+s25], $0x80, v3, vm0, $0xb8;
	[tilespmem:$0x18200] =	vst v63  }
0x2b2: {  	_ = 	snop  }
0x2b3: {  	[tilespmem:s1], [sflag:$0x1] =	stream.indirect_vreg.gather [hbm4b:s6+s25], $0x80, v3, vm0, $0xb8;
	[tilespmem:$0x18200] =	vst v63  }
0x2b4: {  	_ = 	snop  }
0x2b5: {  	[tilespmem:s4], [sflag:$0x1] =	stream.indirect_vreg.gather [hbm4b:s7+s25], $0x80, v3, vm0, $0xb8;
	[tilespmem:$0x18200] =	vst v63  }
0x2b6: {  	v3 =	vld [tilespmem:$0x130];
	_ =	sdelay $0x4  }
0x2b7: {  	v63 =	vshll.u32 v3, $0x3  }
0x2b8: {  	v3 =	vand.u32 $0x7, v3;
	v4 =	vand.u32 $0xFFFFFFC0, v63  }
0x2b9: {  	v3 =	vor.u32 v3, v4  }
0x2ba: {  	v4 =	vperm.xlane v3, v0;
	_ =	sdelay $0x1  }
0x2bb: {  	v4 =	vadd.s32 v1, v4;
	_ =	sdelay $0x4  }
0x2bc: {  	[tilespmem:s9], [sflag:$0x1] =	stream.indirect_vreg.gather [hbm4b:s2+s25], $0x80, v4, vm0, $0xb8;
	[tilespmem:$0x18200] =	vst v63  }
0x2bd: {  	v3 =	vperm.xlane v3, v2  }
0x2be: {  	[tilespmem:s10], [sflag:$0x1] =	stream.indirect_vreg.gather [hbm4b:s5+s25], $0x80, v4, vm0, $0xb8;
	[tilespmem:$0x18200] =	vst v63  }
0x2bf: {  	v3 =	vadd.s32 v1, v3  }
0x2c0: {  	[tilespmem:s11], [sflag:$0x1] =	stream.indirect_vreg.gather [hbm4b:s6+s25], $0x80, v4, vm0, $0xb8;
	[tilespmem:$0x18200] =	vst v63  }
0x2c1: {  	_ = 	snop  }
0x2c2: {  	[tilespmem:s12], [sflag:$0x1] =	stream.indirect_vreg.gather [hbm4b:s7+s25], $0x80, v4, vm0, $0xb8;
	[tilespmem:$0x18200] =	vst v63  }
0x2c3: {  	_ = 	snop  }
0x2c4: {  	[tilespmem:s13], [sflag:$0x1] =	stream.indirect_vreg.gather [hbm4b:s2+s25], $0x80, v3, vm0, $0xb8;
	[tilespmem:$0x18200] =	vst v63  }
0x2c5: {  	_ = 	snop  }
0x2c6: {  	[tilespmem:s14], [sflag:$0x1] =	stream.indirect_vreg.gather [hbm4b:s5+s25], $0x80, v3, vm0, $0xb8;
	[tilespmem:$0x18200] =	vst v63  }
0x2c7: {  	_ = 	snop  }
0x2c8: {  	[tilespmem:s15], [sflag:$0x1] =	stream.indirect_vreg.gather [hbm4b:s6+s25], $0x80, v3, vm0, $0xb8;
	[tilespmem:$0x18200] =	vst v63  }
0x2c9: {  	s28 =	simm.s32 $0x0;
	s29 =	simm.s32 $0x0  }
0x2ca: {  	[tilespmem:s16], [sflag:$0x1] =	stream.indirect_vreg.gather [hbm4b:s7+s25], $0x80, v3, vm0, $0xb8;
	[tilespmem:$0x18200] =	vst v63  }
.LBB2_30:
0x2cb: {  	s0 =	sshll.u32 s28, $0x2;
	s30 =	sand.u32 $0x7, s25  }
0x2cc: {  	s0 =	sand.u32 $0xFFFF8000, s0;
	s30 =	sshll.u32 s30, $0x9  }
0x2cd: {  	s0 =	sor.u32 s30, s0  }
0x2ce: {  	s0 =	sshrl.u32 s0, $0x2  }
0x2cf: {  	s30 =	sadd.s32 $0x8200, s0  }
0x2d0: {  	v5 =	vld [tilespmem:s30+$0x70]  }
0x2d1: {  	v7 =	vld [tilespmem:s30+$0x10]  }
0x2d2: {  	v9 =	vld [tilespmem:s30+$0x20]  }
0x2d3: {  	v6 =	vld [tilespmem:s30+$0x30]  }
0x2d4: {  	v4 =	vld [tilespmem:s30+$0x40]  }
0x2d5: {  	v3 =	vld [tilespmem:s30+$0x50];
	v10 =	vmul.f32 $3.200000000e+01, v5  }
0x2d6: {  	v5 =	vld [tilespmem:s30+$0x60];
	v8 =	vmul.f32 $3.200000000e+01, v7  }
0x2d7: {  	s31 =	simm.s32 $0x0;
	s0 =	sadd.s32 $0x400, s30;
	v7 =	vld [tilespmem:s30+$0x0];
	v9 =	vmul.f32 $3.200000000e+01, v9;
	[tilespmem:s30+$0x70] =	vst v10  }
.LBB2_31:
0x2d8: {  	v10 =	vld [tilespmem:s0+$0x70];
	s31 =	sadd.s32 $0x8, s31;
	[tilespmem:s30+$0x10] =	vst v8;
	v6 =	vmul.f32 $3.200000000e+01, v6  }
0x2d9: {  	v8 =	vld [tilespmem:s0+$0x10];
	p0 =	slt.u32 s31, $0x38;
	[tilespmem:s30+$0x20] =	vst v9;
	v4 =	vmul.f32 $3.200000000e+01, v4  }
0x2da: {  	v9 =	vld [tilespmem:s0+$0x20];
	[tilespmem:s30+$0x30] =	vst v6;
	v3 =	vmul.f32 $3.200000000e+01, v3  }
.Ltmp14:
0x2db: {  	v6 =	vld [tilespmem:s0+$0x30];
	[tilespmem:s30+$0x40] =	vst v4;
	v5 =	vmul.f32 $3.200000000e+01, v5;
	(pc) =	sbr.rel @p0 .LBB2_31-.Ltmp14, $4  }
0x2dc: {  	v4 =	vld [tilespmem:s0+$0x40];
	v7 =	vmul.f32 $3.200000000e+01, v7;
	[tilespmem:s30+$0x50] =	vst v3  }
0x2dd: {  	v3 =	vld [tilespmem:s0+$0x50];
	v10 =	vmul.f32 $3.200000000e+01, v10;
	[tilespmem:s30+$0x60] =	vst v5  }
0x2de: {  	v8 =	vmul.f32 $3.200000000e+01, v8;
	v5 =	vld [tilespmem:s0+$0x60];
	[tilespmem:s30+$0x0] =	vst v7;
	s30 =	smov.u32 s0  }
0x2df: {  	s0 =	sadd.s32 $0x400, s0;
	v7 =	vld [tilespmem:s30+$0x0];
	v9 =	vmul.f32 $3.200000000e+01, v9;
	[tilespmem:s30+$0x70] =	vst v10  }
0x2e0: {  	[tilespmem:s30+$0x10] =	vst v8;
	v6 =	vmul.f32 $3.200000000e+01, v6;
	s29 =	sadd.s32 $0x1, s29  }
0x2e1: {  	[tilespmem:s30+$0x20] =	vst v9;
	v4 =	vmul.f32 $3.200000000e+01, v4;
	p0 =	sne.s32 s29, $0x20  }
.Ltmp15:
0x2e2: {  	[tilespmem:s30+$0x30] =	vst v6;
	v3 =	vmul.f32 $3.200000000e+01, v3;
	(pc) =	sbr.rel @p0 .LBB2_30-.Ltmp15, $4  }
0x2e3: {  	[tilespmem:s30+$0x40] =	vst v4;
	v62 =	vmul.f32 $3.200000000e+01, v5  }
0x2e4: {  	v63 =	vmul.f32 $3.200000000e+01, v7;
	[tilespmem:s30+$0x50] =	vst v3  }
0x2e5: {  	[tilespmem:s30+$0x60] =	vst v62  }
0x2e6: {  	s28 =	sadd.s32 $0x400, s28;
	s25 =	sadd.s32 $0x1, s25;
	[tilespmem:s30+$0x0] =	vst v63  }
0x2e7: {  	s25 =	simm.s32 $0x0;
	s0 =	rddreg [dreg:$0xc]  }
0x2e8: {  	[hbm4b:s0+s25] =	stream.linear.scatter [tilespmem:s17], [sflag:$0x5], $0x8000, $0x38;
	[tilespmem:$0x18200] =	vst v63  }
0x2e9: {  	_ =	swait.ge [sflag:s20], $0x8000  }
0x2ea: {  	[sflag:s20] =	ssyncset.done $0x0  }
0x2eb: {  	[sflag:s20] =	ssyncadd.s32 $0xFFFF8000  }
0x2ec: {  	_ =	swait.ge [sflag:s21], $0x8000  }
0x2ed: {  	[sflag:s21] =	ssyncset.done $0x0  }
0x2ee: {  	[sflag:s21] =	ssyncadd.s32 $0xFFFF8000  }
0x2ef: {  	v3 =	vld [tilespmem:$0x140];
	_ =	sdelay $0x4  }
0x2f0: {  	v4 =	vshll.u32 v3, $0x3  }
0x2f1: {  	v3 =	vand.u32 $0x7, v3;
	v4 =	vand.u32 $0xFFFFFFC0, v4  }
0x2f2: {  	v3 =	vor.u32 v3, v4  }
0x2f3: {  	v4 =	vperm.xlane v3, v0;
	_ =	sdelay $0x1  }
0x2f4: {  	v4 =	vadd.s32 v1, v4;
	_ =	sdelay $0x4  }
0x2f5: {  	[tilespmem:s17], [sflag:$0x2] =	stream.indirect_vreg.gather [hbm4b:s2+s25], $0x80, v4, vm0, $0xb8;
	[tilespmem:$0x18200] =	vst v63  }
0x2f6: {  	s31 =	simm.s32 $0x8A00;
	v3 =	vperm.xlane v3, v2  }
0x2f7: {  	[tilespmem:s31], [sflag:$0x2] =	stream.indirect_vreg.gather [hbm4b:s5+s25], $0x80, v4, vm0, $0xb8;
	[tilespmem:$0x18200] =	vst v63  }
0x2f8: {  	s30 =	simm.s32 $0x9200;
	v3 =	vadd.s32 v1, v3  }
0x2f9: {  	[tilespmem:s30], [sflag:$0x2] =	stream.indirect_vreg.gather [hbm4b:s6+s25], $0x80, v4, vm0, $0xb8;
	[tilespmem:$0x18200] =	vst v63  }
0x2fa: {  	s31 =	simm.s32 $0x9A00  }
0x2fb: {  	[tilespmem:s31], [sflag:$0x2] =	stream.indirect_vreg.gather [hbm4b:s7+s25], $0x80, v4, vm0, $0xb8;
	[tilespmem:$0x18200] =	vst v63  }
0x2fc: {  	s30 =	simm.s32 $0xA200  }
0x2fd: {  	[tilespmem:s30], [sflag:$0x2] =	stream.indirect_vreg.gather [hbm4b:s2+s25], $0x80, v3, vm0, $0xb8;
	[tilespmem:$0x18200] =	vst v63  }
0x2fe: {  	s31 =	simm.s32 $0xAA00  }
0x2ff: {  	[tilespmem:s31], [sflag:$0x2] =	stream.indirect_vreg.gather [hbm4b:s5+s25], $0x80, v3, vm0, $0xb8;
	[tilespmem:$0x18200] =	vst v63  }
0x300: {  	s30 =	simm.s32 $0xB200  }
0x301: {  	[tilespmem:s30], [sflag:$0x2] =	stream.indirect_vreg.gather [hbm4b:s6+s25], $0x80, v3, vm0, $0xb8;
	[tilespmem:$0x18200] =	vst v63  }
0x302: {  	s31 =	simm.s32 $0xBA00  }
0x303: {  	[tilespmem:s31], [sflag:$0x2] =	stream.indirect_vreg.gather [hbm4b:s7+s25], $0x80, v3, vm0, $0xb8;
	[tilespmem:$0x18200] =	vst v63  }
0x304: {  	v3 =	vld [tilespmem:$0x150];
	_ =	sdelay $0x4  }
0x305: {  	v63 =	vshll.u32 v3, $0x3  }
0x306: {  	v3 =	vand.u32 $0x7, v3;
	v4 =	vand.u32 $0xFFFFFFC0, v63  }
0x307: {  	v3 =	vor.u32 v3, v4  }
0x308: {  	v4 =	vperm.xlane v3, v0;
	_ =	sdelay $0x1  }
0x309: {  	v4 =	vadd.s32 v1, v4;
	_ =	sdelay $0x3  }
0x30a: {  	s30 =	simm.s32 $0xC200  }
0x30b: {  	[tilespmem:s30], [sflag:$0x2] =	stream.indirect_vreg.gather [hbm4b:s2+s25], $0x80, v4, vm0, $0xb8;
	[tilespmem:$0x18200] =	vst v63  }
0x30c: {  	s31 =	simm.s32 $0xCA00;
	v3 =	vperm.xlane v3, v2  }
0x30d: {  	[tilespmem:s31], [sflag:$0x2] =	stream.indirect_vreg.gather [hbm4b:s5+s25], $0x80, v4, vm0, $0xb8;
	[tilespmem:$0x18200] =	vst v63  }
0x30e: {  	v3 =	vadd.s32 v1, v3;
	s30 =	simm.s32 $0xD200  }
0x30f: {  	[tilespmem:s30], [sflag:$0x2] =	stream.indirect_vreg.gather [hbm4b:s6+s25], $0x80, v4, vm0, $0xb8;
	[tilespmem:$0x18200] =	vst v63  }
0x310: {  	s31 =	simm.s32 $0xDA00  }
0x311: {  	[tilespmem:s31], [sflag:$0x2] =	stream.indirect_vreg.gather [hbm4b:s7+s25], $0x80, v4, vm0, $0xb8;
	[tilespmem:$0x18200] =	vst v63  }
0x312: {  	s30 =	simm.s32 $0xE200  }
0x313: {  	[tilespmem:s30], [sflag:$0x2] =	stream.indirect_vreg.gather [hbm4b:s2+s25], $0x80, v3, vm0, $0xb8;
	[tilespmem:$0x18200] =	vst v63  }
0x314: {  	s31 =	simm.s32 $0xEA00  }
0x315: {  	[tilespmem:s31], [sflag:$0x2] =	stream.indirect_vreg.gather [hbm4b:s5+s25], $0x80, v3, vm0, $0xb8;
	[tilespmem:$0x18200] =	vst v63  }
0x316: {  	s30 =	simm.s32 $0xF200  }
0x317: {  	[tilespmem:s30], [sflag:$0x2] =	stream.indirect_vreg.gather [hbm4b:s6+s25], $0x80, v3, vm0, $0xb8;
	[tilespmem:$0x18200] =	vst v63  }
0x318: {  	s28 =	simm.s32 $0x0;
	s29 =	simm.s32 $0x0;
	s31 =	simm.s32 $0xFA00  }
0x319: {  	[tilespmem:s31], [sflag:$0x2] =	stream.indirect_vreg.gather [hbm4b:s7+s25], $0x80, v3, vm0, $0xb8;
	[tilespmem:$0x18200] =	vst v63  }
.LBB2_34:
0x31a: {  	s0 =	sshll.u32 s28, $0x2;
	s30 =	sand.u32 $0x7, s25  }
0x31b: {  	s0 =	sand.u32 $0xFFFF8000, s0;
	s30 =	sshll.u32 s30, $0x9  }
0x31c: {  	s0 =	sor.u32 s30, s0  }
0x31d: {  	s0 =	sshrl.u32 s0, $0x2  }
0x31e: {  	s30 =	sadd.s32 $0x10200, s0  }
0x31f: {  	v5 =	vld [tilespmem:s30+$0x70]  }
0x320: {  	v7 =	vld [tilespmem:s30+$0x10]  }
0x321: {  	v9 =	vld [tilespmem:s30+$0x20]  }
0x322: {  	v6 =	vld [tilespmem:s30+$0x30]  }
0x323: {  	v4 =	vld [tilespmem:s30+$0x40]  }
0x324: {  	v3 =	vld [tilespmem:s30+$0x50];
	v10 =	vmul.f32 $3.200000000e+01, v5  }
0x325: {  	v5 =	vld [tilespmem:s30+$0x60];
	v8 =	vmul.f32 $3.200000000e+01, v7  }
0x326: {  	s31 =	simm.s32 $0x0;
	s0 =	sadd.s32 $0x400, s30;
	v7 =	vld [tilespmem:s30+$0x0];
	v9 =	vmul.f32 $3.200000000e+01, v9;
	[tilespmem:s30+$0x70] =	vst v10  }
.LBB2_35:
0x327: {  	v10 =	vld [tilespmem:s0+$0x70];
	s31 =	sadd.s32 $0x8, s31;
	[tilespmem:s30+$0x10] =	vst v8;
	v6 =	vmul.f32 $3.200000000e+01, v6  }
0x328: {  	v8 =	vld [tilespmem:s0+$0x10];
	p0 =	slt.u32 s31, $0x38;
	[tilespmem:s30+$0x20] =	vst v9;
	v4 =	vmul.f32 $3.200000000e+01, v4  }
0x329: {  	v9 =	vld [tilespmem:s0+$0x20];
	[tilespmem:s30+$0x30] =	vst v6;
	v3 =	vmul.f32 $3.200000000e+01, v3  }
.Ltmp16:
0x32a: {  	v6 =	vld [tilespmem:s0+$0x30];
	[tilespmem:s30+$0x40] =	vst v4;
	v5 =	vmul.f32 $3.200000000e+01, v5;
	(pc) =	sbr.rel @p0 .LBB2_35-.Ltmp16, $4  }
0x32b: {  	v4 =	vld [tilespmem:s0+$0x40];
	v7 =	vmul.f32 $3.200000000e+01, v7;
	[tilespmem:s30+$0x50] =	vst v3  }
0x32c: {  	v3 =	vld [tilespmem:s0+$0x50];
	v10 =	vmul.f32 $3.200000000e+01, v10;
	[tilespmem:s30+$0x60] =	vst v5  }
0x32d: {  	v8 =	vmul.f32 $3.200000000e+01, v8;
	v5 =	vld [tilespmem:s0+$0x60];
	[tilespmem:s30+$0x0] =	vst v7;
	s30 =	smov.u32 s0  }
0x32e: {  	s0 =	sadd.s32 $0x400, s0;
	v7 =	vld [tilespmem:s30+$0x0];
	v9 =	vmul.f32 $3.200000000e+01, v9;
	[tilespmem:s30+$0x70] =	vst v10  }
0x32f: {  	[tilespmem:s30+$0x10] =	vst v8;
	v6 =	vmul.f32 $3.200000000e+01, v6;
	s29 =	sadd.s32 $0x1, s29  }
0x330: {  	[tilespmem:s30+$0x20] =	vst v9;
	v4 =	vmul.f32 $3.200000000e+01, v4;
	p0 =	sne.s32 s29, $0x20  }
.Ltmp17:
0x331: {  	[tilespmem:s30+$0x30] =	vst v6;
	v3 =	vmul.f32 $3.200000000e+01, v3;
	(pc) =	sbr.rel @p0 .LBB2_34-.Ltmp17, $4  }
0x332: {  	[tilespmem:s30+$0x40] =	vst v4;
	v62 =	vmul.f32 $3.200000000e+01, v5  }
0x333: {  	v63 =	vmul.f32 $3.200000000e+01, v7;
	[tilespmem:s30+$0x50] =	vst v3  }
0x334: {  	[tilespmem:s30+$0x60] =	vst v62  }
0x335: {  	s28 =	sadd.s32 $0x400, s28;
	s25 =	sadd.s32 $0x1, s25;
	[tilespmem:s30+$0x0] =	vst v63  }
0x336: {  	s25 =	simm.s32 $0x0;
	s0 =	rddreg [dreg:$0xd]  }
0x337: {  	[hbm4b:s0+s25] =	stream.linear.scatter [tilespmem:s8], [sflag:$0x6], $0x8000, $0x38;
	[tilespmem:$0x18200] =	vst v63  }
0x338: {  	_ =	swait.ge [sflag:s24], $0x8000  }
0x339: {  	[sflag:s24] =	ssyncset.done $0x0  }
0x33a: {  	[sflag:s24] =	ssyncadd.s32 $0xFFFF8000  }
0x33b: {  	_ =	swait.ge [sflag:s22], $0x8000  }
0x33c: {  	[sflag:s22] =	ssyncset.done $0x0  }
0x33d: {  	[sflag:s22] =	ssyncadd.s32 $0xFFFF8000  }
0x33e: {  	v3 =	vld [tilespmem:$0x160];
	_ =	sdelay $0x4  }
0x33f: {  	v4 =	vshll.u32 v3, $0x3  }
0x340: {  	v3 =	vand.u32 $0x7, v3;
	v4 =	vand.u32 $0xFFFFFFC0, v4  }
0x341: {  	v3 =	vor.u32 v3, v4  }
0x342: {  	v4 =	vperm.xlane v3, v0;
	_ =	sdelay $0x1  }
0x343: {  	v4 =	vadd.s32 v1, v4;
	_ =	sdelay $0x4  }
0x344: {  	[tilespmem:s8], [sflag:$0x3] =	stream.indirect_vreg.gather [hbm4b:s2+s25], $0x80, v4, vm0, $0xb8;
	[tilespmem:$0x18200] =	vst v63  }
0x345: {  	s31 =	simm.s32 $0x10A00;
	v3 =	vperm.xlane v3, v2  }
0x346: {  	[tilespmem:s31], [sflag:$0x3] =	stream.indirect_vreg.gather [hbm4b:s5+s25], $0x80, v4, vm0, $0xb8;
	[tilespmem:$0x18200] =	vst v63  }
0x347: {  	s30 =	simm.s32 $0x11200;
	v3 =	vadd.s32 v1, v3  }
0x348: {  	[tilespmem:s30], [sflag:$0x3] =	stream.indirect_vreg.gather [hbm4b:s6+s25], $0x80, v4, vm0, $0xb8;
	[tilespmem:$0x18200] =	vst v63  }
0x349: {  	s31 =	simm.s32 $0x11A00  }
0x34a: {  	[tilespmem:s31], [sflag:$0x3] =	stream.indirect_vreg.gather [hbm4b:s7+s25], $0x80, v4, vm0, $0xb8;
	[tilespmem:$0x18200] =	vst v63  }
0x34b: {  	s30 =	simm.s32 $0x12200  }
0x34c: {  	[tilespmem:s30], [sflag:$0x3] =	stream.indirect_vreg.gather [hbm4b:s2+s25], $0x80, v3, vm0, $0xb8;
	[tilespmem:$0x18200] =	vst v63  }
0x34d: {  	s31 =	simm.s32 $0x12A00  }
0x34e: {  	[tilespmem:s31], [sflag:$0x3] =	stream.indirect_vreg.gather [hbm4b:s5+s25], $0x80, v3, vm0, $0xb8;
	[tilespmem:$0x18200] =	vst v63  }
0x34f: {  	s30 =	simm.s32 $0x13200  }
0x350: {  	[tilespmem:s30], [sflag:$0x3] =	stream.indirect_vreg.gather [hbm4b:s6+s25], $0x80, v3, vm0, $0xb8;
	[tilespmem:$0x18200] =	vst v63  }
0x351: {  	s31 =	simm.s32 $0x13A00  }
0x352: {  	[tilespmem:s31], [sflag:$0x3] =	stream.indirect_vreg.gather [hbm4b:s7+s25], $0x80, v3, vm0, $0xb8;
	[tilespmem:$0x18200] =	vst v63  }
0x353: {  	v3 =	vld [tilespmem:$0x170];
	_ =	sdelay $0x4  }
0x354: {  	v63 =	vshll.u32 v3, $0x3  }
0x355: {  	v3 =	vand.u32 $0x7, v3;
	v4 =	vand.u32 $0xFFFFFFC0, v63  }
0x356: {  	v3 =	vor.u32 v3, v4  }
0x357: {  	v4 =	vperm.xlane v3, v0;
	_ =	sdelay $0x1  }
0x358: {  	v4 =	vadd.s32 v1, v4;
	_ =	sdelay $0x3  }
0x359: {  	s30 =	simm.s32 $0x14200  }
0x35a: {  	[tilespmem:s30], [sflag:$0x3] =	stream.indirect_vreg.gather [hbm4b:s2+s25], $0x80, v4, vm0, $0xb8;
	[tilespmem:$0x18200] =	vst v63  }
0x35b: {  	s31 =	simm.s32 $0x14A00;
	v3 =	vperm.xlane v3, v2  }
0x35c: {  	[tilespmem:s31], [sflag:$0x3] =	stream.indirect_vreg.gather [hbm4b:s5+s25], $0x80, v4, vm0, $0xb8;
	[tilespmem:$0x18200] =	vst v63  }
0x35d: {  	v3 =	vadd.s32 v1, v3;
	s30 =	simm.s32 $0x15200  }
0x35e: {  	[tilespmem:s30], [sflag:$0x3] =	stream.indirect_vreg.gather [hbm4b:s6+s25], $0x80, v4, vm0, $0xb8;
	[tilespmem:$0x18200] =	vst v63  }
0x35f: {  	s31 =	simm.s32 $0x15A00  }
0x360: {  	[tilespmem:s31], [sflag:$0x3] =	stream.indirect_vreg.gather [hbm4b:s7+s25], $0x80, v4, vm0, $0xb8;
	[tilespmem:$0x18200] =	vst v63  }
0x361: {  	s30 =	simm.s32 $0x16200  }
0x362: {  	[tilespmem:s30], [sflag:$0x3] =	stream.indirect_vreg.gather [hbm4b:s2+s25], $0x80, v3, vm0, $0xb8;
	[tilespmem:$0x18200] =	vst v63  }
0x363: {  	s31 =	simm.s32 $0x16A00  }
0x364: {  	[tilespmem:s31], [sflag:$0x3] =	stream.indirect_vreg.gather [hbm4b:s5+s25], $0x80, v3, vm0, $0xb8;
	[tilespmem:$0x18200] =	vst v63  }
0x365: {  	s30 =	simm.s32 $0x17200  }
0x366: {  	[tilespmem:s30], [sflag:$0x3] =	stream.indirect_vreg.gather [hbm4b:s6+s25], $0x80, v3, vm0, $0xb8;
	[tilespmem:$0x18200] =	vst v63  }
0x367: {  	s28 =	simm.s32 $0x0;
	s29 =	simm.s32 $0x0;
	s31 =	simm.s32 $0x17A00  }
0x368: {  	[tilespmem:s31], [sflag:$0x3] =	stream.indirect_vreg.gather [hbm4b:s7+s25], $0x80, v3, vm0, $0xb8;
	[tilespmem:$0x18200] =	vst v63  }
.LBB2_38:
0x369: {  	s0 =	sshll.u32 s28, $0x2;
	s30 =	sand.u32 $0x7, s25  }
0x36a: {  	s0 =	sand.u32 $0xFFFF8000, s0;
	s30 =	sshll.u32 s30, $0x9  }
0x36b: {  	s0 =	sor.u32 s30, s0  }
0x36c: {  	s0 =	sshrl.u32 s0, $0x2  }
0x36d: {  	s30 =	sadd.s32 $0x240, s0  }
0x36e: {  	v5 =	vld [tilespmem:s30+$0x30]  }
0x36f: {  	v7 =	vld [tilespmem:s30+$0xFFFFFFD0]  }
0x370: {  	v9 =	vld [tilespmem:s30+$0xFFFFFFE0]  }
0x371: {  	v6 =	vld [tilespmem:s30+$0xFFFFFFF0]  }
0x372: {  	v4 =	vld [tilespmem:s30+$0x0]  }
0x373: {  	v3 =	vld [tilespmem:s30+$0x10];
	v10 =	vmul.f32 $3.200000000e+01, v5  }
0x374: {  	v5 =	vld [tilespmem:s30+$0x20];
	v8 =	vmul.f32 $3.200000000e+01, v7  }
0x375: {  	s31 =	simm.s32 $0x0;
	s0 =	sadd.s32 $0x400, s30;
	v7 =	vld [tilespmem:s30+$0xFFFFFFC0];
	v9 =	vmul.f32 $3.200000000e+01, v9;
	[tilespmem:s30+$0x30] =	vst v10  }
.LBB2_39:
0x376: {  	v10 =	vld [tilespmem:s0+$0x30];
	s31 =	sadd.s32 $0x8, s31;
	[tilespmem:s30+$0xFFFFFFD0] =	vst v8;
	v6 =	vmul.f32 $3.200000000e+01, v6  }
0x377: {  	v8 =	vld [tilespmem:s0+$0xFFFFFFD0];
	p0 =	slt.u32 s31, $0x38;
	[tilespmem:s30+$0xFFFFFFE0] =	vst v9;
	v4 =	vmul.f32 $3.200000000e+01, v4  }
0x378: {  	v9 =	vld [tilespmem:s0+$0xFFFFFFE0];
	[tilespmem:s30+$0xFFFFFFF0] =	vst v6;
	v3 =	vmul.f32 $3.200000000e+01, v3  }
.Ltmp18:
0x379: {  	v6 =	vld [tilespmem:s0+$0xFFFFFFF0];
	[tilespmem:s30+$0x0] =	vst v4;
	v5 =	vmul.f32 $3.200000000e+01, v5;
	(pc) =	sbr.rel @p0 .LBB2_39-.Ltmp18, $4  }
0x37a: {  	v4 =	vld [tilespmem:s0+$0x0];
	v7 =	vmul.f32 $3.200000000e+01, v7;
	[tilespmem:s30+$0x10] =	vst v3  }
0x37b: {  	v3 =	vld [tilespmem:s0+$0x10];
	v10 =	vmul.f32 $3.200000000e+01, v10;
	[tilespmem:s30+$0x20] =	vst v5  }
0x37c: {  	v8 =	vmul.f32 $3.200000000e+01, v8;
	v5 =	vld [tilespmem:s0+$0x20];
	[tilespmem:s30+$0xFFFFFFC0] =	vst v7;
	s30 =	smov.u32 s0  }
0x37d: {  	s0 =	sadd.s32 $0x400, s0;
	v7 =	vld [tilespmem:s30+$0xFFFFFFC0];
	v9 =	vmul.f32 $3.200000000e+01, v9;
	[tilespmem:s30+$0x30] =	vst v10  }
0x37e: {  	[tilespmem:s30+$0xFFFFFFD0] =	vst v8;
	v6 =	vmul.f32 $3.200000000e+01, v6;
	s29 =	sadd.s32 $0x1, s29  }
0x37f: {  	[tilespmem:s30+$0xFFFFFFE0] =	vst v9;
	v4 =	vmul.f32 $3.200000000e+01, v4;
	p0 =	sne.s32 s29, $0x20  }
.Ltmp19:
0x380: {  	[tilespmem:s30+$0xFFFFFFF0] =	vst v6;
	v3 =	vmul.f32 $3.200000000e+01, v3;
	(pc) =	sbr.rel @p0 .LBB2_38-.Ltmp19, $4  }
0x381: {  	[tilespmem:s30+$0x0] =	vst v4;
	v62 =	vmul.f32 $3.200000000e+01, v5  }
0x382: {  	v63 =	vmul.f32 $3.200000000e+01, v7;
	[tilespmem:s30+$0x10] =	vst v3  }
0x383: {  	[tilespmem:s30+$0x20] =	vst v62  }
0x384: {  	s28 =	sadd.s32 $0x400, s28;
	s25 =	sadd.s32 $0x1, s25;
	[tilespmem:s30+$0xFFFFFFC0] =	vst v63  }
0x385: {  	s25 =	simm.s32 $0x0;
	s0 =	rddreg [dreg:$0xe]  }
0x386: {  	[hbm4b:s0+s25] =	stream.linear.scatter [tilespmem:s26], [sflag:$0x4], $0x8000, $0x38;
	[tilespmem:$0x18200] =	vst v63  }
0x387: {  	_ =	swait.ge [sflag:s18], $0x8000  }
0x388: {  	[sflag:s18] =	ssyncset.done $0x0  }
0x389: {  	[sflag:s18] =	ssyncadd.s32 $0xFFFF8000  }
0x38a: {  	_ =	swait.ge [sflag:s19], $0x8000  }
0x38b: {  	[sflag:s19] =	ssyncset.done $0x0  }
0x38c: {  	[sflag:s19] =	ssyncadd.s32 $0xFFFF8000  }
0x38d: {  	v3 =	vld [tilespmem:$0x180];
	_ =	sdelay $0x4  }
0x38e: {  	v4 =	vshll.u32 v3, $0x3  }
0x38f: {  	v3 =	vand.u32 $0x7, v3;
	v4 =	vand.u32 $0xFFFFFFC0, v4  }
0x390: {  	v3 =	vor.u32 v3, v4  }
0x391: {  	v4 =	vperm.xlane v3, v0;
	_ =	sdelay $0x1  }
0x392: {  	v4 =	vadd.s32 v1, v4;
	_ =	sdelay $0x4  }
0x393: {  	[tilespmem:s26], [sflag:$0x1] =	stream.indirect_vreg.gather [hbm4b:s2+s25], $0x80, v4, vm0, $0xb8;
	[tilespmem:$0x18200] =	vst v63  }
0x394: {  	s31 =	simm.s32 $0xA00;
	v3 =	vperm.xlane v3, v2  }
0x395: {  	[tilespmem:s31], [sflag:$0x1] =	stream.indirect_vreg.gather [hbm4b:s5+s25], $0x80, v4, vm0, $0xb8;
	[tilespmem:$0x18200] =	vst v63  }
0x396: {  	s30 =	simm.s32 $0x1200;
	v3 =	vadd.s32 v1, v3  }
0x397: {  	[tilespmem:s30], [sflag:$0x1] =	stream.indirect_vreg.gather [hbm4b:s6+s25], $0x80, v4, vm0, $0xb8;
	[tilespmem:$0x18200] =	vst v63  }
0x398: {  	s31 =	simm.s32 $0x1A00  }
0x399: {  	[tilespmem:s31], [sflag:$0x1] =	stream.indirect_vreg.gather [hbm4b:s7+s25], $0x80, v4, vm0, $0xb8;
	[tilespmem:$0x18200] =	vst v63  }
0x39a: {  	s30 =	simm.s32 $0x2200  }
0x39b: {  	[tilespmem:s30], [sflag:$0x1] =	stream.indirect_vreg.gather [hbm4b:s2+s25], $0x80, v3, vm0, $0xb8;
	[tilespmem:$0x18200] =	vst v63  }
0x39c: {  	s31 =	simm.s32 $0x2A00  }
0x39d: {  	[tilespmem:s31], [sflag:$0x1] =	stream.indirect_vreg.gather [hbm4b:s5+s25], $0x80, v3, vm0, $0xb8;
	[tilespmem:$0x18200] =	vst v63  }
0x39e: {  	_ = 	snop  }
0x39f: {  	[tilespmem:s1], [sflag:$0x1] =	stream.indirect_vreg.gather [hbm4b:s6+s25], $0x80, v3, vm0, $0xb8;
	[tilespmem:$0x18200] =	vst v63  }
0x3a0: {  	_ = 	snop  }
0x3a1: {  	[tilespmem:s4], [sflag:$0x1] =	stream.indirect_vreg.gather [hbm4b:s7+s25], $0x80, v3, vm0, $0xb8;
	[tilespmem:$0x18200] =	vst v63  }
0x3a2: {  	v3 =	vld [tilespmem:$0x190];
	_ =	sdelay $0x4  }
0x3a3: {  	v63 =	vshll.u32 v3, $0x3  }
0x3a4: {  	v3 =	vand.u32 $0x7, v3;
	v4 =	vand.u32 $0xFFFFFFC0, v63  }
0x3a5: {  	v3 =	vor.u32 v3, v4  }
0x3a6: {  	v4 =	vperm.xlane v3, v0;
	_ =	sdelay $0x1  }
0x3a7: {  	v4 =	vadd.s32 v1, v4;
	_ =	sdelay $0x4  }
0x3a8: {  	[tilespmem:s9], [sflag:$0x1] =	stream.indirect_vreg.gather [hbm4b:s2+s25], $0x80, v4, vm0, $0xb8;
	[tilespmem:$0x18200] =	vst v63  }
0x3a9: {  	v3 =	vperm.xlane v3, v2  }
0x3aa: {  	[tilespmem:s10], [sflag:$0x1] =	stream.indirect_vreg.gather [hbm4b:s5+s25], $0x80, v4, vm0, $0xb8;
	[tilespmem:$0x18200] =	vst v63  }
0x3ab: {  	v3 =	vadd.s32 v1, v3  }
0x3ac: {  	[tilespmem:s11], [sflag:$0x1] =	stream.indirect_vreg.gather [hbm4b:s6+s25], $0x80, v4, vm0, $0xb8;
	[tilespmem:$0x18200] =	vst v63  }
0x3ad: {  	_ = 	snop  }
0x3ae: {  	[tilespmem:s12], [sflag:$0x1] =	stream.indirect_vreg.gather [hbm4b:s7+s25], $0x80, v4, vm0, $0xb8;
	[tilespmem:$0x18200] =	vst v63  }
0x3af: {  	_ = 	snop  }
0x3b0: {  	[tilespmem:s13], [sflag:$0x1] =	stream.indirect_vreg.gather [hbm4b:s2+s25], $0x80, v3, vm0, $0xb8;
	[tilespmem:$0x18200] =	vst v63  }
0x3b1: {  	_ = 	snop  }
0x3b2: {  	[tilespmem:s14], [sflag:$0x1] =	stream.indirect_vreg.gather [hbm4b:s5+s25], $0x80, v3, vm0, $0xb8;
	[tilespmem:$0x18200] =	vst v63  }
0x3b3: {  	_ = 	snop  }
0x3b4: {  	[tilespmem:s15], [sflag:$0x1] =	stream.indirect_vreg.gather [hbm4b:s6+s25], $0x80, v3, vm0, $0xb8;
	[tilespmem:$0x18200] =	vst v63  }
0x3b5: {  	s28 =	simm.s32 $0x0;
	s29 =	simm.s32 $0x0  }
0x3b6: {  	[tilespmem:s16], [sflag:$0x1] =	stream.indirect_vreg.gather [hbm4b:s7+s25], $0x80, v3, vm0, $0xb8;
	[tilespmem:$0x18200] =	vst v63  }
.LBB2_42:
0x3b7: {  	s0 =	sshll.u32 s28, $0x2;
	s30 =	sand.u32 $0x7, s25  }
0x3b8: {  	s0 =	sand.u32 $0xFFFF8000, s0;
	s30 =	sshll.u32 s30, $0x9  }
0x3b9: {  	s0 =	sor.u32 s30, s0  }
0x3ba: {  	s0 =	sshrl.u32 s0, $0x2  }
0x3bb: {  	s30 =	sadd.s32 $0x8200, s0  }
0x3bc: {  	v5 =	vld [tilespmem:s30+$0x70]  }
0x3bd: {  	v7 =	vld [tilespmem:s30+$0x10]  }
0x3be: {  	v9 =	vld [tilespmem:s30+$0x20]  }
0x3bf: {  	v6 =	vld [tilespmem:s30+$0x30]  }
0x3c0: {  	v4 =	vld [tilespmem:s30+$0x40]  }
0x3c1: {  	v3 =	vld [tilespmem:s30+$0x50];
	v10 =	vmul.f32 $3.200000000e+01, v5  }
0x3c2: {  	v5 =	vld [tilespmem:s30+$0x60];
	v8 =	vmul.f32 $3.200000000e+01, v7  }
0x3c3: {  	s31 =	simm.s32 $0x0;
	s0 =	sadd.s32 $0x400, s30;
	v7 =	vld [tilespmem:s30+$0x0];
	v9 =	vmul.f32 $3.200000000e+01, v9;
	[tilespmem:s30+$0x70] =	vst v10  }
.LBB2_43:
0x3c4: {  	v10 =	vld [tilespmem:s0+$0x70];
	s31 =	sadd.s32 $0x8, s31;
	[tilespmem:s30+$0x10] =	vst v8;
	v6 =	vmul.f32 $3.200000000e+01, v6  }
0x3c5: {  	v8 =	vld [tilespmem:s0+$0x10];
	p0 =	slt.u32 s31, $0x38;
	[tilespmem:s30+$0x20] =	vst v9;
	v4 =	vmul.f32 $3.200000000e+01, v4  }
0x3c6: {  	v9 =	vld [tilespmem:s0+$0x20];
	[tilespmem:s30+$0x30] =	vst v6;
	v3 =	vmul.f32 $3.200000000e+01, v3  }
.Ltmp20:
0x3c7: {  	v6 =	vld [tilespmem:s0+$0x30];
	[tilespmem:s30+$0x40] =	vst v4;
	v5 =	vmul.f32 $3.200000000e+01, v5;
	(pc) =	sbr.rel @p0 .LBB2_43-.Ltmp20, $4  }
0x3c8: {  	v4 =	vld [tilespmem:s0+$0x40];
	v7 =	vmul.f32 $3.200000000e+01, v7;
	[tilespmem:s30+$0x50] =	vst v3  }
0x3c9: {  	v3 =	vld [tilespmem:s0+$0x50];
	v10 =	vmul.f32 $3.200000000e+01, v10;
	[tilespmem:s30+$0x60] =	vst v5  }
0x3ca: {  	v8 =	vmul.f32 $3.200000000e+01, v8;
	v5 =	vld [tilespmem:s0+$0x60];
	[tilespmem:s30+$0x0] =	vst v7;
	s30 =	smov.u32 s0  }
0x3cb: {  	s0 =	sadd.s32 $0x400, s0;
	v7 =	vld [tilespmem:s30+$0x0];
	v9 =	vmul.f32 $3.200000000e+01, v9;
	[tilespmem:s30+$0x70] =	vst v10  }
0x3cc: {  	[tilespmem:s30+$0x10] =	vst v8;
	v6 =	vmul.f32 $3.200000000e+01, v6;
	s29 =	sadd.s32 $0x1, s29  }
0x3cd: {  	[tilespmem:s30+$0x20] =	vst v9;
	v4 =	vmul.f32 $3.200000000e+01, v4;
	p0 =	sne.s32 s29, $0x20  }
.Ltmp21:
0x3ce: {  	[tilespmem:s30+$0x30] =	vst v6;
	v3 =	vmul.f32 $3.200000000e+01, v3;
	(pc) =	sbr.rel @p0 .LBB2_42-.Ltmp21, $4  }
0x3cf: {  	[tilespmem:s30+$0x40] =	vst v4;
	v62 =	vmul.f32 $3.200000000e+01, v5  }
0x3d0: {  	v63 =	vmul.f32 $3.200000000e+01, v7;
	[tilespmem:s30+$0x50] =	vst v3  }
0x3d1: {  	[tilespmem:s30+$0x60] =	vst v62  }
0x3d2: {  	s28 =	sadd.s32 $0x400, s28;
	s25 =	sadd.s32 $0x1, s25;
	[tilespmem:s30+$0x0] =	vst v63  }
0x3d3: {  	s25 =	simm.s32 $0x0;
	s0 =	rddreg [dreg:$0xf]  }
0x3d4: {  	[hbm4b:s0+s25] =	stream.linear.scatter [tilespmem:s17], [sflag:$0x5], $0x8000, $0x38;
	[tilespmem:$0x18200] =	vst v63  }
0x3d5: {  	_ =	swait.ge [sflag:s20], $0x8000  }
0x3d6: {  	[sflag:s20] =	ssyncset.done $0x0  }
0x3d7: {  	[sflag:s20] =	ssyncadd.s32 $0xFFFF8000  }
0x3d8: {  	_ =	swait.ge [sflag:s21], $0x8000  }
0x3d9: {  	[sflag:s21] =	ssyncset.done $0x0  }
0x3da: {  	[sflag:s21] =	ssyncadd.s32 $0xFFFF8000  }
0x3db: {  	v3 =	vld [tilespmem:$0x1A0];
	_ =	sdelay $0x4  }
0x3dc: {  	v4 =	vshll.u32 v3, $0x3  }
0x3dd: {  	v3 =	vand.u32 $0x7, v3;
	v4 =	vand.u32 $0xFFFFFFC0, v4  }
0x3de: {  	v3 =	vor.u32 v3, v4  }
0x3df: {  	v4 =	vperm.xlane v3, v0;
	_ =	sdelay $0x1  }
0x3e0: {  	v4 =	vadd.s32 v1, v4;
	_ =	sdelay $0x4  }
0x3e1: {  	[tilespmem:s17], [sflag:$0x2] =	stream.indirect_vreg.gather [hbm4b:s2+s25], $0x80, v4, vm0, $0xb8;
	[tilespmem:$0x18200] =	vst v63  }
0x3e2: {  	s31 =	simm.s32 $0x8A00;
	v3 =	vperm.xlane v3, v2  }
0x3e3: {  	[tilespmem:s31], [sflag:$0x2] =	stream.indirect_vreg.gather [hbm4b:s5+s25], $0x80, v4, vm0, $0xb8;
	[tilespmem:$0x18200] =	vst v63  }
0x3e4: {  	s30 =	simm.s32 $0x9200;
	v3 =	vadd.s32 v1, v3  }
0x3e5: {  	[tilespmem:s30], [sflag:$0x2] =	stream.indirect_vreg.gather [hbm4b:s6+s25], $0x80, v4, vm0, $0xb8;
	[tilespmem:$0x18200] =	vst v63  }
0x3e6: {  	s31 =	simm.s32 $0x9A00  }
0x3e7: {  	[tilespmem:s31], [sflag:$0x2] =	stream.indirect_vreg.gather [hbm4b:s7+s25], $0x80, v4, vm0, $0xb8;
	[tilespmem:$0x18200] =	vst v63  }
0x3e8: {  	s30 =	simm.s32 $0xA200  }
0x3e9: {  	[tilespmem:s30], [sflag:$0x2] =	stream.indirect_vreg.gather [hbm4b:s2+s25], $0x80, v3, vm0, $0xb8;
	[tilespmem:$0x18200] =	vst v63  }
0x3ea: {  	s31 =	simm.s32 $0xAA00  }
0x3eb: {  	[tilespmem:s31], [sflag:$0x2] =	stream.indirect_vreg.gather [hbm4b:s5+s25], $0x80, v3, vm0, $0xb8;
	[tilespmem:$0x18200] =	vst v63  }
0x3ec: {  	s30 =	simm.s32 $0xB200  }
0x3ed: {  	[tilespmem:s30], [sflag:$0x2] =	stream.indirect_vreg.gather [hbm4b:s6+s25], $0x80, v3, vm0, $0xb8;
	[tilespmem:$0x18200] =	vst v63  }
0x3ee: {  	s31 =	simm.s32 $0xBA00  }
0x3ef: {  	[tilespmem:s31], [sflag:$0x2] =	stream.indirect_vreg.gather [hbm4b:s7+s25], $0x80, v3, vm0, $0xb8;
	[tilespmem:$0x18200] =	vst v63  }
0x3f0: {  	v3 =	vld [tilespmem:$0x1B0];
	_ =	sdelay $0x4  }
0x3f1: {  	v63 =	vshll.u32 v3, $0x3  }
0x3f2: {  	v3 =	vand.u32 $0x7, v3;
	v4 =	vand.u32 $0xFFFFFFC0, v63  }
0x3f3: {  	v3 =	vor.u32 v3, v4  }
0x3f4: {  	v4 =	vperm.xlane v3, v0;
	_ =	sdelay $0x1  }
0x3f5: {  	v4 =	vadd.s32 v1, v4;
	_ =	sdelay $0x3  }
0x3f6: {  	s30 =	simm.s32 $0xC200  }
0x3f7: {  	[tilespmem:s30], [sflag:$0x2] =	stream.indirect_vreg.gather [hbm4b:s2+s25], $0x80, v4, vm0, $0xb8;
	[tilespmem:$0x18200] =	vst v63  }
0x3f8: {  	s31 =	simm.s32 $0xCA00;
	v3 =	vperm.xlane v3, v2  }
0x3f9: {  	[tilespmem:s31], [sflag:$0x2] =	stream.indirect_vreg.gather [hbm4b:s5+s25], $0x80, v4, vm0, $0xb8;
	[tilespmem:$0x18200] =	vst v63  }
0x3fa: {  	v3 =	vadd.s32 v1, v3;
	s30 =	simm.s32 $0xD200  }
0x3fb: {  	[tilespmem:s30], [sflag:$0x2] =	stream.indirect_vreg.gather [hbm4b:s6+s25], $0x80, v4, vm0, $0xb8;
	[tilespmem:$0x18200] =	vst v63  }
0x3fc: {  	s31 =	simm.s32 $0xDA00  }
0x3fd: {  	[tilespmem:s31], [sflag:$0x2] =	stream.indirect_vreg.gather [hbm4b:s7+s25], $0x80, v4, vm0, $0xb8;
	[tilespmem:$0x18200] =	vst v63  }
0x3fe: {  	s30 =	simm.s32 $0xE200  }
0x3ff: {  	[tilespmem:s30], [sflag:$0x2] =	stream.indirect_vreg.gather [hbm4b:s2+s25], $0x80, v3, vm0, $0xb8;
	[tilespmem:$0x18200] =	vst v63  }
0x400: {  	s31 =	simm.s32 $0xEA00  }
0x401: {  	[tilespmem:s31], [sflag:$0x2] =	stream.indirect_vreg.gather [hbm4b:s5+s25], $0x80, v3, vm0, $0xb8;
	[tilespmem:$0x18200] =	vst v63  }
0x402: {  	s30 =	simm.s32 $0xF200  }
0x403: {  	[tilespmem:s30], [sflag:$0x2] =	stream.indirect_vreg.gather [hbm4b:s6+s25], $0x80, v3, vm0, $0xb8;
	[tilespmem:$0x18200] =	vst v63  }
0x404: {  	s28 =	simm.s32 $0x0;
	s29 =	simm.s32 $0x0;
	s31 =	simm.s32 $0xFA00  }
0x405: {  	[tilespmem:s31], [sflag:$0x2] =	stream.indirect_vreg.gather [hbm4b:s7+s25], $0x80, v3, vm0, $0xb8;
	[tilespmem:$0x18200] =	vst v63  }
.LBB2_46:
0x406: {  	s0 =	sshll.u32 s28, $0x2;
	s30 =	sand.u32 $0x7, s25  }
0x407: {  	s0 =	sand.u32 $0xFFFF8000, s0;
	s30 =	sshll.u32 s30, $0x9  }
0x408: {  	s0 =	sor.u32 s30, s0  }
0x409: {  	s0 =	sshrl.u32 s0, $0x2  }
0x40a: {  	s30 =	sadd.s32 $0x10200, s0  }
0x40b: {  	v5 =	vld [tilespmem:s30+$0x70]  }
0x40c: {  	v7 =	vld [tilespmem:s30+$0x10]  }
0x40d: {  	v9 =	vld [tilespmem:s30+$0x20]  }
0x40e: {  	v6 =	vld [tilespmem:s30+$0x30]  }
0x40f: {  	v4 =	vld [tilespmem:s30+$0x40]  }
0x410: {  	v3 =	vld [tilespmem:s30+$0x50];
	v10 =	vmul.f32 $3.200000000e+01, v5  }
0x411: {  	v5 =	vld [tilespmem:s30+$0x60];
	v8 =	vmul.f32 $3.200000000e+01, v7  }
0x412: {  	s31 =	simm.s32 $0x0;
	s0 =	sadd.s32 $0x400, s30;
	v7 =	vld [tilespmem:s30+$0x0];
	v9 =	vmul.f32 $3.200000000e+01, v9;
	[tilespmem:s30+$0x70] =	vst v10  }
.LBB2_47:
0x413: {  	v10 =	vld [tilespmem:s0+$0x70];
	s31 =	sadd.s32 $0x8, s31;
	[tilespmem:s30+$0x10] =	vst v8;
	v6 =	vmul.f32 $3.200000000e+01, v6  }
0x414: {  	v8 =	vld [tilespmem:s0+$0x10];
	p0 =	slt.u32 s31, $0x38;
	[tilespmem:s30+$0x20] =	vst v9;
	v4 =	vmul.f32 $3.200000000e+01, v4  }
0x415: {  	v9 =	vld [tilespmem:s0+$0x20];
	[tilespmem:s30+$0x30] =	vst v6;
	v3 =	vmul.f32 $3.200000000e+01, v3  }
.Ltmp22:
0x416: {  	v6 =	vld [tilespmem:s0+$0x30];
	[tilespmem:s30+$0x40] =	vst v4;
	v5 =	vmul.f32 $3.200000000e+01, v5;
	(pc) =	sbr.rel @p0 .LBB2_47-.Ltmp22, $4  }
0x417: {  	v4 =	vld [tilespmem:s0+$0x40];
	v7 =	vmul.f32 $3.200000000e+01, v7;
	[tilespmem:s30+$0x50] =	vst v3  }
0x418: {  	v3 =	vld [tilespmem:s0+$0x50];
	v10 =	vmul.f32 $3.200000000e+01, v10;
	[tilespmem:s30+$0x60] =	vst v5  }
0x419: {  	v8 =	vmul.f32 $3.200000000e+01, v8;
	v5 =	vld [tilespmem:s0+$0x60];
	[tilespmem:s30+$0x0] =	vst v7;
	s30 =	smov.u32 s0  }
0x41a: {  	s0 =	sadd.s32 $0x400, s0;
	v7 =	vld [tilespmem:s30+$0x0];
	v9 =	vmul.f32 $3.200000000e+01, v9;
	[tilespmem:s30+$0x70] =	vst v10  }
0x41b: {  	[tilespmem:s30+$0x10] =	vst v8;
	v6 =	vmul.f32 $3.200000000e+01, v6;
	s29 =	sadd.s32 $0x1, s29  }
0x41c: {  	[tilespmem:s30+$0x20] =	vst v9;
	v4 =	vmul.f32 $3.200000000e+01, v4;
	p0 =	sne.s32 s29, $0x20  }
.Ltmp23:
0x41d: {  	[tilespmem:s30+$0x30] =	vst v6;
	v3 =	vmul.f32 $3.200000000e+01, v3;
	(pc) =	sbr.rel @p0 .LBB2_46-.Ltmp23, $4  }
0x41e: {  	[tilespmem:s30+$0x40] =	vst v4;
	v62 =	vmul.f32 $3.200000000e+01, v5  }
0x41f: {  	v63 =	vmul.f32 $3.200000000e+01, v7;
	[tilespmem:s30+$0x50] =	vst v3  }
0x420: {  	[tilespmem:s30+$0x60] =	vst v62  }
0x421: {  	s28 =	sadd.s32 $0x400, s28;
	s25 =	sadd.s32 $0x1, s25;
	[tilespmem:s30+$0x0] =	vst v63  }
0x422: {  	s25 =	simm.s32 $0x0;
	s0 =	rddreg [dreg:$0x10]  }
0x423: {  	[hbm4b:s0+s25] =	stream.linear.scatter [tilespmem:s8], [sflag:$0x6], $0x8000, $0x38;
	[tilespmem:$0x18200] =	vst v63  }
0x424: {  	_ =	swait.ge [sflag:s24], $0x8000  }
0x425: {  	[sflag:s24] =	ssyncset.done $0x0  }
0x426: {  	[sflag:s24] =	ssyncadd.s32 $0xFFFF8000  }
0x427: {  	_ =	swait.ge [sflag:s22], $0x8000  }
0x428: {  	[sflag:s22] =	ssyncset.done $0x0  }
0x429: {  	[sflag:s22] =	ssyncadd.s32 $0xFFFF8000  }
0x42a: {  	v3 =	vld [tilespmem:$0x1C0];
	_ =	sdelay $0x4  }
0x42b: {  	v4 =	vshll.u32 v3, $0x3  }
0x42c: {  	v3 =	vand.u32 $0x7, v3;
	v4 =	vand.u32 $0xFFFFFFC0, v4  }
0x42d: {  	v3 =	vor.u32 v3, v4  }
0x42e: {  	v4 =	vperm.xlane v3, v0;
	_ =	sdelay $0x1  }
0x42f: {  	v4 =	vadd.s32 v1, v4;
	_ =	sdelay $0x4  }
0x430: {  	[tilespmem:s8], [sflag:$0x3] =	stream.indirect_vreg.gather [hbm4b:s2+s25], $0x80, v4, vm0, $0xb8;
	[tilespmem:$0x18200] =	vst v63  }
0x431: {  	s31 =	simm.s32 $0x10A00;
	v3 =	vperm.xlane v3, v2  }
0x432: {  	[tilespmem:s31], [sflag:$0x3] =	stream.indirect_vreg.gather [hbm4b:s5+s25], $0x80, v4, vm0, $0xb8;
	[tilespmem:$0x18200] =	vst v63  }
0x433: {  	s30 =	simm.s32 $0x11200;
	v3 =	vadd.s32 v1, v3  }
0x434: {  	[tilespmem:s30], [sflag:$0x3] =	stream.indirect_vreg.gather [hbm4b:s6+s25], $0x80, v4, vm0, $0xb8;
	[tilespmem:$0x18200] =	vst v63  }
0x435: {  	s31 =	simm.s32 $0x11A00  }
0x436: {  	[tilespmem:s31], [sflag:$0x3] =	stream.indirect_vreg.gather [hbm4b:s7+s25], $0x80, v4, vm0, $0xb8;
	[tilespmem:$0x18200] =	vst v63  }
0x437: {  	s30 =	simm.s32 $0x12200  }
0x438: {  	[tilespmem:s30], [sflag:$0x3] =	stream.indirect_vreg.gather [hbm4b:s2+s25], $0x80, v3, vm0, $0xb8;
	[tilespmem:$0x18200] =	vst v63  }
0x439: {  	s31 =	simm.s32 $0x12A00  }
0x43a: {  	[tilespmem:s31], [sflag:$0x3] =	stream.indirect_vreg.gather [hbm4b:s5+s25], $0x80, v3, vm0, $0xb8;
	[tilespmem:$0x18200] =	vst v63  }
0x43b: {  	s30 =	simm.s32 $0x13200  }
0x43c: {  	[tilespmem:s30], [sflag:$0x3] =	stream.indirect_vreg.gather [hbm4b:s6+s25], $0x80, v3, vm0, $0xb8;
	[tilespmem:$0x18200] =	vst v63  }
0x43d: {  	s31 =	simm.s32 $0x13A00  }
0x43e: {  	[tilespmem:s31], [sflag:$0x3] =	stream.indirect_vreg.gather [hbm4b:s7+s25], $0x80, v3, vm0, $0xb8;
	[tilespmem:$0x18200] =	vst v63  }
0x43f: {  	v3 =	vld [tilespmem:$0x1D0];
	_ =	sdelay $0x4  }
0x440: {  	v63 =	vshll.u32 v3, $0x3  }
0x441: {  	v3 =	vand.u32 $0x7, v3;
	v4 =	vand.u32 $0xFFFFFFC0, v63  }
0x442: {  	v3 =	vor.u32 v3, v4  }
0x443: {  	v4 =	vperm.xlane v3, v0;
	_ =	sdelay $0x1  }
0x444: {  	v4 =	vadd.s32 v1, v4;
	_ =	sdelay $0x3  }
0x445: {  	s30 =	simm.s32 $0x14200  }
0x446: {  	[tilespmem:s30], [sflag:$0x3] =	stream.indirect_vreg.gather [hbm4b:s2+s25], $0x80, v4, vm0, $0xb8;
	[tilespmem:$0x18200] =	vst v63  }
0x447: {  	s31 =	simm.s32 $0x14A00;
	v3 =	vperm.xlane v3, v2  }
0x448: {  	[tilespmem:s31], [sflag:$0x3] =	stream.indirect_vreg.gather [hbm4b:s5+s25], $0x80, v4, vm0, $0xb8;
	[tilespmem:$0x18200] =	vst v63  }
0x449: {  	v3 =	vadd.s32 v1, v3;
	s30 =	simm.s32 $0x15200  }
0x44a: {  	[tilespmem:s30], [sflag:$0x3] =	stream.indirect_vreg.gather [hbm4b:s6+s25], $0x80, v4, vm0, $0xb8;
	[tilespmem:$0x18200] =	vst v63  }
0x44b: {  	s31 =	simm.s32 $0x15A00  }
0x44c: {  	[tilespmem:s31], [sflag:$0x3] =	stream.indirect_vreg.gather [hbm4b:s7+s25], $0x80, v4, vm0, $0xb8;
	[tilespmem:$0x18200] =	vst v63  }
0x44d: {  	s30 =	simm.s32 $0x16200  }
0x44e: {  	[tilespmem:s30], [sflag:$0x3] =	stream.indirect_vreg.gather [hbm4b:s2+s25], $0x80, v3, vm0, $0xb8;
	[tilespmem:$0x18200] =	vst v63  }
0x44f: {  	s31 =	simm.s32 $0x16A00  }
0x450: {  	[tilespmem:s31], [sflag:$0x3] =	stream.indirect_vreg.gather [hbm4b:s5+s25], $0x80, v3, vm0, $0xb8;
	[tilespmem:$0x18200] =	vst v63  }
0x451: {  	s30 =	simm.s32 $0x17200  }
0x452: {  	[tilespmem:s30], [sflag:$0x3] =	stream.indirect_vreg.gather [hbm4b:s6+s25], $0x80, v3, vm0, $0xb8;
	[tilespmem:$0x18200] =	vst v63  }
0x453: {  	s28 =	simm.s32 $0x0;
	s29 =	simm.s32 $0x0;
	s31 =	simm.s32 $0x17A00  }
0x454: {  	[tilespmem:s31], [sflag:$0x3] =	stream.indirect_vreg.gather [hbm4b:s7+s25], $0x80, v3, vm0, $0xb8;
	[tilespmem:$0x18200] =	vst v63  }
.LBB2_50:
0x455: {  	s0 =	sshll.u32 s28, $0x2;
	s30 =	sand.u32 $0x7, s25  }
0x456: {  	s0 =	sand.u32 $0xFFFF8000, s0;
	s30 =	sshll.u32 s30, $0x9  }
0x457: {  	s0 =	sor.u32 s30, s0  }
0x458: {  	s0 =	sshrl.u32 s0, $0x2  }
0x459: {  	s30 =	sadd.s32 $0x240, s0  }
0x45a: {  	v5 =	vld [tilespmem:s30+$0x30]  }
0x45b: {  	v7 =	vld [tilespmem:s30+$0xFFFFFFD0]  }
0x45c: {  	v9 =	vld [tilespmem:s30+$0xFFFFFFE0]  }
0x45d: {  	v6 =	vld [tilespmem:s30+$0xFFFFFFF0]  }
0x45e: {  	v4 =	vld [tilespmem:s30+$0x0]  }
0x45f: {  	v3 =	vld [tilespmem:s30+$0x10];
	v10 =	vmul.f32 $3.200000000e+01, v5  }
0x460: {  	v5 =	vld [tilespmem:s30+$0x20];
	v8 =	vmul.f32 $3.200000000e+01, v7  }
0x461: {  	s31 =	simm.s32 $0x0;
	s0 =	sadd.s32 $0x400, s30;
	v7 =	vld [tilespmem:s30+$0xFFFFFFC0];
	v9 =	vmul.f32 $3.200000000e+01, v9;
	[tilespmem:s30+$0x30] =	vst v10  }
.LBB2_51:
0x462: {  	v10 =	vld [tilespmem:s0+$0x30];
	s31 =	sadd.s32 $0x8, s31;
	[tilespmem:s30+$0xFFFFFFD0] =	vst v8;
	v6 =	vmul.f32 $3.200000000e+01, v6  }
0x463: {  	v8 =	vld [tilespmem:s0+$0xFFFFFFD0];
	p0 =	slt.u32 s31, $0x38;
	[tilespmem:s30+$0xFFFFFFE0] =	vst v9;
	v4 =	vmul.f32 $3.200000000e+01, v4  }
0x464: {  	v9 =	vld [tilespmem:s0+$0xFFFFFFE0];
	[tilespmem:s30+$0xFFFFFFF0] =	vst v6;
	v3 =	vmul.f32 $3.200000000e+01, v3  }
.Ltmp24:
0x465: {  	v6 =	vld [tilespmem:s0+$0xFFFFFFF0];
	[tilespmem:s30+$0x0] =	vst v4;
	v5 =	vmul.f32 $3.200000000e+01, v5;
	(pc) =	sbr.rel @p0 .LBB2_51-.Ltmp24, $4  }
0x466: {  	v4 =	vld [tilespmem:s0+$0x0];
	v7 =	vmul.f32 $3.200000000e+01, v7;
	[tilespmem:s30+$0x10] =	vst v3  }
0x467: {  	v3 =	vld [tilespmem:s0+$0x10];
	v10 =	vmul.f32 $3.200000000e+01, v10;
	[tilespmem:s30+$0x20] =	vst v5  }
0x468: {  	v8 =	vmul.f32 $3.200000000e+01, v8;
	v5 =	vld [tilespmem:s0+$0x20];
	[tilespmem:s30+$0xFFFFFFC0] =	vst v7;
	s30 =	smov.u32 s0  }
0x469: {  	s0 =	sadd.s32 $0x400, s0;
	v7 =	vld [tilespmem:s30+$0xFFFFFFC0];
	v9 =	vmul.f32 $3.200000000e+01, v9;
	[tilespmem:s30+$0x30] =	vst v10  }
0x46a: {  	[tilespmem:s30+$0xFFFFFFD0] =	vst v8;
	v6 =	vmul.f32 $3.200000000e+01, v6;
	s29 =	sadd.s32 $0x1, s29  }
0x46b: {  	[tilespmem:s30+$0xFFFFFFE0] =	vst v9;
	v4 =	vmul.f32 $3.200000000e+01, v4;
	p0 =	sne.s32 s29, $0x20  }
.Ltmp25:
0x46c: {  	[tilespmem:s30+$0xFFFFFFF0] =	vst v6;
	v3 =	vmul.f32 $3.200000000e+01, v3;
	(pc) =	sbr.rel @p0 .LBB2_50-.Ltmp25, $4  }
0x46d: {  	[tilespmem:s30+$0x0] =	vst v4;
	v62 =	vmul.f32 $3.200000000e+01, v5  }
0x46e: {  	v63 =	vmul.f32 $3.200000000e+01, v7;
	[tilespmem:s30+$0x10] =	vst v3  }
0x46f: {  	[tilespmem:s30+$0x20] =	vst v62  }
0x470: {  	s28 =	sadd.s32 $0x400, s28;
	s25 =	sadd.s32 $0x1, s25;
	[tilespmem:s30+$0xFFFFFFC0] =	vst v63  }
0x471: {  	s25 =	simm.s32 $0x0;
	s0 =	rddreg [dreg:$0x11]  }
0x472: {  	[hbm4b:s0+s25] =	stream.linear.scatter [tilespmem:s26], [sflag:$0x4], $0x8000, $0x38;
	[tilespmem:$0x18200] =	vst v63  }
0x473: {  	_ =	swait.ge [sflag:s18], $0x8000  }
0x474: {  	[sflag:s18] =	ssyncset.done $0x0  }
0x475: {  	[sflag:s18] =	ssyncadd.s32 $0xFFFF8000  }
0x476: {  	_ =	swait.ge [sflag:s19], $0x8000  }
0x477: {  	[sflag:s19] =	ssyncset.done $0x0  }
0x478: {  	[sflag:s19] =	ssyncadd.s32 $0xFFFF8000  }
0x479: {  	v3 =	vld [tilespmem:$0x1E0];
	_ =	sdelay $0x4  }
0x47a: {  	v4 =	vshll.u32 v3, $0x3  }
0x47b: {  	v3 =	vand.u32 $0x7, v3;
	v4 =	vand.u32 $0xFFFFFFC0, v4  }
0x47c: {  	v3 =	vor.u32 v3, v4  }
0x47d: {  	v4 =	vperm.xlane v3, v0;
	_ =	sdelay $0x1  }
0x47e: {  	v4 =	vadd.s32 v1, v4;
	_ =	sdelay $0x4  }
0x47f: {  	[tilespmem:s26], [sflag:$0x1] =	stream.indirect_vreg.gather [hbm4b:s2+s25], $0x80, v4, vm0, $0xb8;
	[tilespmem:$0x18200] =	vst v63  }
0x480: {  	s31 =	simm.s32 $0xA00;
	v3 =	vperm.xlane v3, v2  }
0x481: {  	[tilespmem:s31], [sflag:$0x1] =	stream.indirect_vreg.gather [hbm4b:s5+s25], $0x80, v4, vm0, $0xb8;
	[tilespmem:$0x18200] =	vst v63  }
0x482: {  	s30 =	simm.s32 $0x1200;
	v3 =	vadd.s32 v1, v3  }
0x483: {  	[tilespmem:s30], [sflag:$0x1] =	stream.indirect_vreg.gather [hbm4b:s6+s25], $0x80, v4, vm0, $0xb8;
	[tilespmem:$0x18200] =	vst v63  }
0x484: {  	s31 =	simm.s32 $0x1A00  }
0x485: {  	[tilespmem:s31], [sflag:$0x1] =	stream.indirect_vreg.gather [hbm4b:s7+s25], $0x80, v4, vm0, $0xb8;
	[tilespmem:$0x18200] =	vst v63  }
0x486: {  	s30 =	simm.s32 $0x2200  }
0x487: {  	[tilespmem:s30], [sflag:$0x1] =	stream.indirect_vreg.gather [hbm4b:s2+s25], $0x80, v3, vm0, $0xb8;
	[tilespmem:$0x18200] =	vst v63  }
0x488: {  	s31 =	simm.s32 $0x2A00  }
0x489: {  	[tilespmem:s31], [sflag:$0x1] =	stream.indirect_vreg.gather [hbm4b:s5+s25], $0x80, v3, vm0, $0xb8;
	[tilespmem:$0x18200] =	vst v63  }
0x48a: {  	_ = 	snop  }
0x48b: {  	[tilespmem:s1], [sflag:$0x1] =	stream.indirect_vreg.gather [hbm4b:s6+s25], $0x80, v3, vm0, $0xb8;
	[tilespmem:$0x18200] =	vst v63  }
0x48c: {  	_ = 	snop  }
0x48d: {  	[tilespmem:s4], [sflag:$0x1] =	stream.indirect_vreg.gather [hbm4b:s7+s25], $0x80, v3, vm0, $0xb8;
	[tilespmem:$0x18200] =	vst v63  }
0x48e: {  	v3 =	vld [tilespmem:$0x1F0];
	_ =	sdelay $0x4  }
0x48f: {  	v63 =	vshll.u32 v3, $0x3  }
0x490: {  	v3 =	vand.u32 $0x7, v3;
	v4 =	vand.u32 $0xFFFFFFC0, v63  }
0x491: {  	v3 =	vor.u32 v3, v4  }
0x492: {  	v4 =	vperm.xlane v3, v0;
	_ =	sdelay $0x1  }
0x493: {  	v4 =	vadd.s32 v1, v4;
	_ =	sdelay $0x4  }
0x494: {  	[tilespmem:s9], [sflag:$0x1] =	stream.indirect_vreg.gather [hbm4b:s2+s25], $0x80, v4, vm0, $0xb8;
	[tilespmem:$0x18200] =	vst v63  }
0x495: {  	v3 =	vperm.xlane v3, v2  }
0x496: {  	[tilespmem:s10], [sflag:$0x1] =	stream.indirect_vreg.gather [hbm4b:s5+s25], $0x80, v4, vm0, $0xb8;
	[tilespmem:$0x18200] =	vst v63  }
0x497: {  	v3 =	vadd.s32 v1, v3  }
0x498: {  	[tilespmem:s11], [sflag:$0x1] =	stream.indirect_vreg.gather [hbm4b:s6+s25], $0x80, v4, vm0, $0xb8;
	[tilespmem:$0x18200] =	vst v63  }
0x499: {  	_ = 	snop  }
0x49a: {  	[tilespmem:s12], [sflag:$0x1] =	stream.indirect_vreg.gather [hbm4b:s7+s25], $0x80, v4, vm0, $0xb8;
	[tilespmem:$0x18200] =	vst v63  }
0x49b: {  	_ = 	snop  }
0x49c: {  	[tilespmem:s13], [sflag:$0x1] =	stream.indirect_vreg.gather [hbm4b:s2+s25], $0x80, v3, vm0, $0xb8;
	[tilespmem:$0x18200] =	vst v63  }
0x49d: {  	_ = 	snop  }
0x49e: {  	[tilespmem:s14], [sflag:$0x1] =	stream.indirect_vreg.gather [hbm4b:s5+s25], $0x80, v3, vm0, $0xb8;
	[tilespmem:$0x18200] =	vst v63  }
0x49f: {  	_ = 	snop  }
0x4a0: {  	[tilespmem:s15], [sflag:$0x1] =	stream.indirect_vreg.gather [hbm4b:s6+s25], $0x80, v3, vm0, $0xb8;
	[tilespmem:$0x18200] =	vst v63  }
0x4a1: {  	s28 =	simm.s32 $0x0;
	s29 =	simm.s32 $0x0  }
0x4a2: {  	[tilespmem:s16], [sflag:$0x1] =	stream.indirect_vreg.gather [hbm4b:s7+s25], $0x80, v3, vm0, $0xb8;
	[tilespmem:$0x18200] =	vst v63  }
.LBB2_54:
0x4a3: {  	s0 =	sshll.u32 s28, $0x2;
	s30 =	sand.u32 $0x7, s25  }
0x4a4: {  	s0 =	sand.u32 $0xFFFF8000, s0;
	s30 =	sshll.u32 s30, $0x9  }
0x4a5: {  	s0 =	sor.u32 s30, s0  }
0x4a6: {  	s0 =	sshrl.u32 s0, $0x2  }
0x4a7: {  	s30 =	sadd.s32 $0x8200, s0  }
0x4a8: {  	v5 =	vld [tilespmem:s30+$0x70]  }
0x4a9: {  	v7 =	vld [tilespmem:s30+$0x10]  }
0x4aa: {  	v9 =	vld [tilespmem:s30+$0x20]  }
0x4ab: {  	v6 =	vld [tilespmem:s30+$0x30]  }
0x4ac: {  	v4 =	vld [tilespmem:s30+$0x40]  }
0x4ad: {  	v3 =	vld [tilespmem:s30+$0x50];
	v10 =	vmul.f32 $3.200000000e+01, v5  }
0x4ae: {  	v5 =	vld [tilespmem:s30+$0x60];
	v8 =	vmul.f32 $3.200000000e+01, v7  }
0x4af: {  	s31 =	simm.s32 $0x0;
	s0 =	sadd.s32 $0x400, s30;
	v7 =	vld [tilespmem:s30+$0x0];
	v9 =	vmul.f32 $3.200000000e+01, v9;
	[tilespmem:s30+$0x70] =	vst v10  }
.LBB2_55:
0x4b0: {  	v10 =	vld [tilespmem:s0+$0x70];
	s31 =	sadd.s32 $0x8, s31;
	[tilespmem:s30+$0x10] =	vst v8;
	v6 =	vmul.f32 $3.200000000e+01, v6  }
0x4b1: {  	v8 =	vld [tilespmem:s0+$0x10];
	p0 =	slt.u32 s31, $0x38;
	[tilespmem:s30+$0x20] =	vst v9;
	v4 =	vmul.f32 $3.200000000e+01, v4  }
0x4b2: {  	v9 =	vld [tilespmem:s0+$0x20];
	[tilespmem:s30+$0x30] =	vst v6;
	v3 =	vmul.f32 $3.200000000e+01, v3  }
.Ltmp26:
0x4b3: {  	v6 =	vld [tilespmem:s0+$0x30];
	[tilespmem:s30+$0x40] =	vst v4;
	v5 =	vmul.f32 $3.200000000e+01, v5;
	(pc) =	sbr.rel @p0 .LBB2_55-.Ltmp26, $4  }
0x4b4: {  	v4 =	vld [tilespmem:s0+$0x40];
	v7 =	vmul.f32 $3.200000000e+01, v7;
	[tilespmem:s30+$0x50] =	vst v3  }
0x4b5: {  	v3 =	vld [tilespmem:s0+$0x50];
	v10 =	vmul.f32 $3.200000000e+01, v10;
	[tilespmem:s30+$0x60] =	vst v5  }
0x4b6: {  	v8 =	vmul.f32 $3.200000000e+01, v8;
	v5 =	vld [tilespmem:s0+$0x60];
	[tilespmem:s30+$0x0] =	vst v7;
	s30 =	smov.u32 s0  }
0x4b7: {  	s0 =	sadd.s32 $0x400, s0;
	v7 =	vld [tilespmem:s30+$0x0];
	v9 =	vmul.f32 $3.200000000e+01, v9;
	[tilespmem:s30+$0x70] =	vst v10  }
0x4b8: {  	[tilespmem:s30+$0x10] =	vst v8;
	v6 =	vmul.f32 $3.200000000e+01, v6;
	s29 =	sadd.s32 $0x1, s29  }
0x4b9: {  	[tilespmem:s30+$0x20] =	vst v9;
	v4 =	vmul.f32 $3.200000000e+01, v4;
	p0 =	sne.s32 s29, $0x20  }
.Ltmp27:
0x4ba: {  	[tilespmem:s30+$0x30] =	vst v6;
	v3 =	vmul.f32 $3.200000000e+01, v3;
	(pc) =	sbr.rel @p0 .LBB2_54-.Ltmp27, $4  }
0x4bb: {  	[tilespmem:s30+$0x40] =	vst v4;
	v62 =	vmul.f32 $3.200000000e+01, v5  }
0x4bc: {  	v63 =	vmul.f32 $3.200000000e+01, v7;
	[tilespmem:s30+$0x50] =	vst v3  }
0x4bd: {  	[tilespmem:s30+$0x60] =	vst v62  }
0x4be: {  	s28 =	sadd.s32 $0x400, s28;
	s25 =	sadd.s32 $0x1, s25;
	[tilespmem:s30+$0x0] =	vst v63  }
0x4bf: {  	s25 =	simm.s32 $0x0;
	s0 =	rddreg [dreg:$0x12]  }
0x4c0: {  	[hbm4b:s0+s25] =	stream.linear.scatter [tilespmem:s17], [sflag:$0x5], $0x8000, $0x38;
	[tilespmem:$0x18200] =	vst v63  }
0x4c1: {  	_ =	swait.ge [sflag:s20], $0x8000  }
0x4c2: {  	[sflag:s20] =	ssyncset.done $0x0  }
0x4c3: {  	s28 =	simm.s32 $0x0;
	s29 =	simm.s32 $0x0;
	[sflag:s20] =	ssyncadd.s32 $0xFFFF8000  }
.LBB2_58:
0x4c4: {  	s0 =	sshll.u32 s28, $0x2;
	s30 =	sand.u32 $0x7, s25  }
0x4c5: {  	s0 =	sand.u32 $0xFFFF8000, s0;
	s30 =	sshll.u32 s30, $0x9  }
0x4c6: {  	s0 =	sor.u32 s30, s0  }
0x4c7: {  	s0 =	sshrl.u32 s0, $0x2  }
0x4c8: {  	s30 =	sadd.s32 $0x10200, s0  }
0x4c9: {  	v5 =	vld [tilespmem:s30+$0x70]  }
0x4ca: {  	v7 =	vld [tilespmem:s30+$0x10]  }
0x4cb: {  	v9 =	vld [tilespmem:s30+$0x20]  }
0x4cc: {  	v6 =	vld [tilespmem:s30+$0x30]  }
0x4cd: {  	v4 =	vld [tilespmem:s30+$0x40]  }
0x4ce: {  	v3 =	vld [tilespmem:s30+$0x50];
	v10 =	vmul.f32 $3.200000000e+01, v5  }
0x4cf: {  	v5 =	vld [tilespmem:s30+$0x60];
	v8 =	vmul.f32 $3.200000000e+01, v7  }
0x4d0: {  	s31 =	simm.s32 $0x0;
	s0 =	sadd.s32 $0x400, s30;
	v7 =	vld [tilespmem:s30+$0x0];
	v9 =	vmul.f32 $3.200000000e+01, v9;
	[tilespmem:s30+$0x70] =	vst v10  }
.LBB2_59:
0x4d1: {  	v10 =	vld [tilespmem:s0+$0x70];
	s31 =	sadd.s32 $0x8, s31;
	[tilespmem:s30+$0x10] =	vst v8;
	v6 =	vmul.f32 $3.200000000e+01, v6  }
0x4d2: {  	v8 =	vld [tilespmem:s0+$0x10];
	p0 =	slt.u32 s31, $0x38;
	[tilespmem:s30+$0x20] =	vst v9;
	v4 =	vmul.f32 $3.200000000e+01, v4  }
0x4d3: {  	v9 =	vld [tilespmem:s0+$0x20];
	[tilespmem:s30+$0x30] =	vst v6;
	v3 =	vmul.f32 $3.200000000e+01, v3  }
.Ltmp28:
0x4d4: {  	v6 =	vld [tilespmem:s0+$0x30];
	[tilespmem:s30+$0x40] =	vst v4;
	v5 =	vmul.f32 $3.200000000e+01, v5;
	(pc) =	sbr.rel @p0 .LBB2_59-.Ltmp28, $4  }
0x4d5: {  	v4 =	vld [tilespmem:s0+$0x40];
	v7 =	vmul.f32 $3.200000000e+01, v7;
	[tilespmem:s30+$0x50] =	vst v3  }
0x4d6: {  	v3 =	vld [tilespmem:s0+$0x50];
	v10 =	vmul.f32 $3.200000000e+01, v10;
	[tilespmem:s30+$0x60] =	vst v5  }
0x4d7: {  	v8 =	vmul.f32 $3.200000000e+01, v8;
	v5 =	vld [tilespmem:s0+$0x60];
	[tilespmem:s30+$0x0] =	vst v7;
	s30 =	smov.u32 s0  }
0x4d8: {  	s0 =	sadd.s32 $0x400, s0;
	v7 =	vld [tilespmem:s30+$0x0];
	v9 =	vmul.f32 $3.200000000e+01, v9;
	[tilespmem:s30+$0x70] =	vst v10  }
0x4d9: {  	[tilespmem:s30+$0x10] =	vst v8;
	v6 =	vmul.f32 $3.200000000e+01, v6;
	s29 =	sadd.s32 $0x1, s29  }
0x4da: {  	[tilespmem:s30+$0x20] =	vst v9;
	v4 =	vmul.f32 $3.200000000e+01, v4;
	p0 =	sne.s32 s29, $0x20  }
.Ltmp29:
0x4db: {  	[tilespmem:s30+$0x30] =	vst v6;
	v3 =	vmul.f32 $3.200000000e+01, v3;
	(pc) =	sbr.rel @p0 .LBB2_58-.Ltmp29, $4  }
0x4dc: {  	[tilespmem:s30+$0x40] =	vst v4;
	v62 =	vmul.f32 $3.200000000e+01, v5  }
0x4dd: {  	v63 =	vmul.f32 $3.200000000e+01, v7;
	[tilespmem:s30+$0x50] =	vst v3  }
0x4de: {  	[tilespmem:s30+$0x60] =	vst v62  }
0x4df: {  	s28 =	sadd.s32 $0x400, s28;
	s25 =	sadd.s32 $0x1, s25;
	[tilespmem:s30+$0x0] =	vst v63  }
0x4e0: {  	s25 =	simm.s32 $0x0;
	s0 =	rddreg [dreg:$0x13]  }
0x4e1: {  	[hbm4b:s0+s25] =	stream.linear.scatter [tilespmem:s8], [sflag:$0x6], $0x8000, $0x38;
	[tilespmem:$0x18200] =	vst v63  }
0x4e2: {  	_ =	swait.ge [sflag:s24], $0x8000  }
0x4e3: {  	[sflag:s24] =	ssyncset.done $0x0  }
0x4e4: {  	s28 =	simm.s32 $0x0;
	s29 =	simm.s32 $0x0;
	[sflag:s24] =	ssyncadd.s32 $0xFFFF8000  }
.LBB2_62:
0x4e5: {  	s0 =	sshll.u32 s28, $0x2;
	s30 =	sand.u32 $0x7, s25  }
0x4e6: {  	s0 =	sand.u32 $0xFFFF8000, s0;
	s30 =	sshll.u32 s30, $0x9  }
0x4e7: {  	s0 =	sor.u32 s30, s0  }
0x4e8: {  	s0 =	sshrl.u32 s0, $0x2  }
0x4e9: {  	s30 =	sadd.s32 $0x240, s0  }
0x4ea: {  	v5 =	vld [tilespmem:s30+$0x30]  }
0x4eb: {  	v7 =	vld [tilespmem:s30+$0xFFFFFFD0]  }
0x4ec: {  	v9 =	vld [tilespmem:s30+$0xFFFFFFE0]  }
0x4ed: {  	v6 =	vld [tilespmem:s30+$0xFFFFFFF0]  }
0x4ee: {  	v4 =	vld [tilespmem:s30+$0x0]  }
0x4ef: {  	v3 =	vld [tilespmem:s30+$0x10];
	v10 =	vmul.f32 $3.200000000e+01, v5  }
0x4f0: {  	v5 =	vld [tilespmem:s30+$0x20];
	v8 =	vmul.f32 $3.200000000e+01, v7  }
0x4f1: {  	s31 =	simm.s32 $0x0;
	s0 =	sadd.s32 $0x400, s30;
	v7 =	vld [tilespmem:s30+$0xFFFFFFC0];
	v9 =	vmul.f32 $3.200000000e+01, v9;
	[tilespmem:s30+$0x30] =	vst v10  }
.LBB2_63:
0x4f2: {  	v10 =	vld [tilespmem:s0+$0x30];
	s31 =	sadd.s32 $0x8, s31;
	[tilespmem:s30+$0xFFFFFFD0] =	vst v8;
	v6 =	vmul.f32 $3.200000000e+01, v6  }
0x4f3: {  	v8 =	vld [tilespmem:s0+$0xFFFFFFD0];
	p0 =	slt.u32 s31, $0x38;
	[tilespmem:s30+$0xFFFFFFE0] =	vst v9;
	v4 =	vmul.f32 $3.200000000e+01, v4  }
0x4f4: {  	v9 =	vld [tilespmem:s0+$0xFFFFFFE0];
	[tilespmem:s30+$0xFFFFFFF0] =	vst v6;
	v3 =	vmul.f32 $3.200000000e+01, v3  }
.Ltmp30:
0x4f5: {  	v6 =	vld [tilespmem:s0+$0xFFFFFFF0];
	[tilespmem:s30+$0x0] =	vst v4;
	v5 =	vmul.f32 $3.200000000e+01, v5;
	(pc) =	sbr.rel @p0 .LBB2_63-.Ltmp30, $4  }
0x4f6: {  	v4 =	vld [tilespmem:s0+$0x0];
	v7 =	vmul.f32 $3.200000000e+01, v7;
	[tilespmem:s30+$0x10] =	vst v3  }
0x4f7: {  	v3 =	vld [tilespmem:s0+$0x10];
	v10 =	vmul.f32 $3.200000000e+01, v10;
	[tilespmem:s30+$0x20] =	vst v5  }
0x4f8: {  	v8 =	vmul.f32 $3.200000000e+01, v8;
	v5 =	vld [tilespmem:s0+$0x20];
	[tilespmem:s30+$0xFFFFFFC0] =	vst v7;
	s30 =	smov.u32 s0  }
0x4f9: {  	s0 =	sadd.s32 $0x400, s0;
	v7 =	vld [tilespmem:s30+$0xFFFFFFC0];
	v9 =	vmul.f32 $3.200000000e+01, v9;
	[tilespmem:s30+$0x30] =	vst v10  }
0x4fa: {  	[tilespmem:s30+$0xFFFFFFD0] =	vst v8;
	v6 =	vmul.f32 $3.200000000e+01, v6;
	s29 =	sadd.s32 $0x1, s29  }
0x4fb: {  	[tilespmem:s30+$0xFFFFFFE0] =	vst v9;
	v4 =	vmul.f32 $3.200000000e+01, v4;
	p0 =	sne.s32 s29, $0x20  }
.Ltmp31:
0x4fc: {  	[tilespmem:s30+$0xFFFFFFF0] =	vst v6;
	v3 =	vmul.f32 $3.200000000e+01, v3;
	(pc) =	sbr.rel @p0 .LBB2_62-.Ltmp31, $4  }
0x4fd: {  	[tilespmem:s30+$0x0] =	vst v4;
	v62 =	vmul.f32 $3.200000000e+01, v5  }
0x4fe: {  	v63 =	vmul.f32 $3.200000000e+01, v7;
	[tilespmem:s30+$0x10] =	vst v3  }
0x4ff: {  	[tilespmem:s30+$0x20] =	vst v62  }
0x500: {  	s28 =	sadd.s32 $0x400, s28;
	s25 =	sadd.s32 $0x1, s25;
	[tilespmem:s30+$0xFFFFFFC0] =	vst v63  }
0x501: {  	s0 =	rddreg [dreg:$0x14]  }
0x502: {  	[hbm4b:s0+s3] =	stream.linear.scatter [tilespmem:s26], [sflag:$0x4], $0x8000, $0x38;
	[tilespmem:$0x18200] =	vst v63  }
0x503: {  	_ =	swait.ge [sflag:s21], $0x8000  }
0x504: {  	[sflag:s21] =	ssyncset.done $0x0  }
0x505: {  	[sflag:s21] =	ssyncadd.s32 $0xFFFF8000  }
0x506: {  	_ =	swait.ge [sflag:s22], $0x8000  }
0x507: {  	[sflag:s22] =	ssyncset.done $0x0  }
0x508: {  	[sflag:s22] =	ssyncadd.s32 $0xFFFF8000  }
0x509: {  	_ =	swait.ge [sflag:s19], $0x8000  }
0x50a: {  	s23 =	sadd.s32 $0x1, s23;
	s31 =	rddreg [dreg:$0x15]  }
0x50b: {  	p0 =	sne.s32 s23, s31  }
.Ltmp32:
0x50c: {  	_ = 	snop;
	(pc) =	sbr.rel @p0 .LBB2_1-.Ltmp32, $3  }
0x50d: {  	_ =	sdelay $0x1  }
0x50e: {  	[sflag:s19] =	ssyncset.done $0x0  }
0x50f: {  	[sflag:s19] =	ssyncadd.s32 $0xFFFF8000  }
0x510: {  	_ =	sfence.sel $0x180000  }
0x511: {  	[bflag:$0x0] =	sbarrier.arrive $0xFFFF  }
0x512: {  	_ =	strace $0x90000047  }
0x513: {  	s0 =	stileid.u32;
	[bflag:$0x2] =	sbarrier.arrive $0xFFFF  }
0x514: {  	p0 =	sne.s32 s0, $0x0;
	s0 =	rddreg [dreg:$0x3]  }
0x515: {  	s0 =	sadd.s32 @!p0 $0x100000, s0  }
0x516: {  	[sflag:s0] =	ssyncadd.tile.s32 @!p0 $0x1;
	_ =	shalt  }
.Lfunc_end2:
_tile_overlayer_lowered:
.L_overlay_start_2:
0x517: {  	(tag) =	ssettag $0x2  }
0x518: {  	s0 =	rddreg [dreg:$0x0];
	s2 =	stileid.u32  }
0x519: {  	s1 =	rddreg [dreg:$0x1];
	p0 =	sne.s32 s2, $0x0  }
0x51a: {  	s3 =	rddreg [dreg:$0x2];
	[bflag:$0x3] =	sbarrier.arrive $0xFFFF;
	s2 =	simm.s32 @!p0 $0x1C07  }
0x51b: {  	[timem:s3], [sflag:s2] =	dma.local @!p0 [hbm:s0], s1  }
0x51c: {  	s0 =	simm.s32 @!p0 $0x7  }
0x51d: {  	_ =	swait.ge @!p0 [sflag:s0], s1  }
0x51e: {  	s1 =	ssub.s32 @!p0 $0x0, s1;
	[sflag:s0] =	ssyncset.done @!p0 $0x0  }
0x51f: {  	[sflag:s0] =	ssyncadd.s32 @!p0 s1  }
0x520: {  	[bflag:$0x3] =	sbarrier.arrive $0xFFFF  }
0x521: {  	_ =	shalt  }

</sc_bundles>
